<compile_context>
chip_gen: v7x
topology: tpu7x:2x2x1
jax: 0.10.2.dev20260603
libtpu: 0.0.44.dev20260713+nightly
codegen_flags: <defaults>
</compile_context>

<pallas_src>
import functools

import jax
import jax.numpy as jnp
from jax import lax
from jax.experimental import pallas as pl
from jax.experimental.pallas import tpu as pltpu
from jax.experimental.pallas import tpu_sc as plsc

NC = 2
NS = 16
L = 16
NW = NC * NS
C = 128
CW = 128


def _make_seg_sum(n_rows, d, n_pad, chunks):
    rpt = n_pad // NS
    assert rpt % C == 0
    mesh = plsc.VectorSubcoreMesh(core_axis_name="c", subcore_axis_name="s")

    out_type = [jax.ShapeDtypeStruct((NC, n_pad, d), jnp.float32)]
    scratch = [
        pltpu.VMEM((1, 2, C), jnp.int32),
        pltpu.VMEM((C, d), jnp.float32),
        pltpu.VMEM_SHARED((n_pad, d), jnp.float32),
    ]

    def body(table, edgp, out, edg_v, rows_v, acc):
        cid = lax.axis_index("c")
        sid = lax.axis_index("s")
        wid = sid * NC + cid
        base = sid * rpt

        def zero_rows(i, _):
            for j in range(d // L):
                rows_v[i, pl.ds(j * L, L)] = jnp.zeros((L,), jnp.float32)
            return 0
        lax.fori_loop(0, C, zero_rows, 0)
        for k in range(rpt // C):
            pltpu.sync_copy(rows_v, acc.at[pl.ds(base + k * C, C)])
        plsc.subcore_barrier()

        def step(j, _):
            pltpu.sync_copy(edgp.at[wid, pl.ds(j, 1)], edg_v)
            pltpu.sync_copy(table.at[edg_v.at[0, 0]], rows_v)
            pltpu.sync_copy(rows_v, acc.at[edg_v.at[0, 1]], add=True)
            return 0
        lax.fori_loop(0, chunks, step, 0)
        plsc.subcore_barrier()

        for k in range(rpt // C):
            pltpu.sync_copy(acc.at[pl.ds(base + k * C, C)], rows_v)
            pltpu.sync_copy(rows_v, out.at[cid, pl.ds(base + k * C, C)])

    return pl.kernel(body, out_type=out_type, mesh=mesh,
                     scratch_types=scratch)


def _make_counts(n_pad, chunks, w):
    rpt = n_pad // NS
    assert rpt % C == 0
    mesh = plsc.VectorSubcoreMesh(core_axis_name="c", subcore_axis_name="s")

    out_type = [jax.ShapeDtypeStruct((NC, n_pad, w), jnp.float32)]
    scratch = [
        pltpu.VMEM((1, C), jnp.int32),
        pltpu.VMEM((C, w), jnp.float32),
        pltpu.VMEM_SHARED((n_pad, w), jnp.float32),
    ]

    def body(dstp, outc, dst_v, ones_v, accc):
        cid = lax.axis_index("c")
        sid = lax.axis_index("s")
        wid = sid * NC + cid
        base = sid * rpt

        def fill(i, _, val):
            for j in range(w // L):
                ones_v[i, pl.ds(j * L, L)] = jnp.full((L,), val, jnp.float32)
            return 0
        lax.fori_loop(0, C, functools.partial(fill, val=0.0), 0)
        for k in range(rpt // C):
            pltpu.sync_copy(ones_v, accc.at[pl.ds(base + k * C, C)])
        lax.fori_loop(0, C, functools.partial(fill, val=1.0), 0)
        plsc.subcore_barrier()

        def step(j, _):
            pltpu.sync_copy(dstp.at[wid, pl.ds(j, 1)], dst_v)
            pltpu.sync_copy(ones_v, accc.at[dst_v.at[0]], add=True)
            return 0
        lax.fori_loop(0, chunks, step, 0)
        plsc.subcore_barrier()

        for k in range(rpt // C):
            pltpu.sync_copy(accc.at[pl.ds(base + k * C, C)], ones_v)
            pltpu.sync_copy(ones_v, outc.at[cid, pl.ds(base + k * C, C)])

    return pl.kernel(body, out_type=out_type, mesh=mesh,
                     scratch_types=scratch)


def _dot(a, b):
    return jnp.dot(a, b, preferred_element_type=jnp.float32)


def _tc1_body(x_ref, wl_ref, wr_ref, b_ref, y1_ref, xr_ref):
    xb = x_ref[...]
    y1_ref[...] = _dot(xb, wl_ref[...])
    xr_ref[...] = _dot(xb, wr_ref[...]) + b_ref[...]


def _tc2_body(p_ref, pc_ref, xr_ref, wl_ref, wr_ref, b_ref, y2_ref, hr_ref):
    cnt = pc_ref[0, :, 0:1] + pc_ref[1, :, 0:1]
    inv = 1.0 / jnp.maximum(cnt, 1.0)
    h = jnp.maximum((p_ref[0] + p_ref[1]) * inv + xr_ref[...], 0.0)
    y2_ref[...] = _dot(h, wl_ref[...])
    hr_ref[...] = _dot(h, wr_ref[...]) + b_ref[...]


def _tc3_body(q_ref, pc_ref, hr_ref, wlin_ref, blin_ref, out_ref):
    cnt = pc_ref[0, :, 0:1] + pc_ref[1, :, 0:1]
    inv = 1.0 / jnp.maximum(cnt, 1.0)
    h2 = (q_ref[0] + q_ref[1]) * inv + hr_ref[...]
    out_ref[...] = _dot(h2, wlin_ref[...]) + blin_ref[...]


def kernel(x, edge_index, W1l, b1l, W1r, W2l, b2l, W2r, Wlin, blin):
    n, d = x.shape
    e = edge_index.shape[1]
    h_dim = W1l.shape[1]
    o_dim = Wlin.shape[1]

    chunks = -(-e // (NW * C))
    ep = NW * chunks * C
    n_pad = -(-(n + 1) // (NS * C)) * (NS * C)

    src = edge_index[0]
    dst = edge_index[1]
    pad = ep - e
    srcp = jnp.concatenate([src, jnp.zeros((pad,), jnp.int32)]).reshape(
        NW, chunks, C)
    dstp = jnp.concatenate([dst, jnp.full((pad,), n, jnp.int32)]).reshape(
        NW, chunks, C)
    edgp = jnp.stack([srcp, dstp], axis=2)

    bn = 2000
    grid = (n // bn,)
    row_spec = pl.BlockSpec((bn, h_dim), lambda i: (i, 0))
    w_spec = pl.BlockSpec((d, h_dim), lambda i: (0, 0))
    b_spec = pl.BlockSpec((1, h_dim), lambda i: (0, 0))
    part_spec = pl.BlockSpec((NC, bn, h_dim), lambda i: (0, i, 0))
    cnt_spec = pl.BlockSpec((NC, bn, CW), lambda i: (0, i, 0))

    y1, xr1 = pl.pallas_call(
        _tc1_body,
        grid=grid,
        in_specs=[pl.BlockSpec((bn, d), lambda i: (i, 0)), w_spec, w_spec,
                  b_spec],
        out_specs=[row_spec, row_spec],
        out_shape=[jax.ShapeDtypeStruct((n, h_dim), jnp.float32)] * 2,
    )(x, W1l, W1r, b1l.reshape(1, h_dim))

    (pc,) = _make_counts(n_pad, chunks, CW)(dstp)
    seg1 = _make_seg_sum(n, h_dim, n_pad, chunks)
    (p,) = seg1(y1, edgp)

    y2, hr2 = pl.pallas_call(
        _tc2_body,
        grid=grid,
        in_specs=[part_spec, cnt_spec, row_spec, w_spec, w_spec, b_spec],
        out_specs=[row_spec, row_spec],
        out_shape=[jax.ShapeDtypeStruct((n, h_dim), jnp.float32)] * 2,
    )(p, pc, xr1, W2l, W2r, b2l.reshape(1, h_dim))

    seg2 = _make_seg_sum(n, h_dim, n_pad, chunks)
    (q,) = seg2(y2, edgp)

    out = pl.pallas_call(
        _tc3_body,
        grid=grid,
        in_specs=[part_spec, cnt_spec, row_spec,
                  pl.BlockSpec((h_dim, o_dim), lambda i: (0, 0)),
                  pl.BlockSpec((1, o_dim), lambda i: (0, 0))],
        out_specs=pl.BlockSpec((bn, o_dim), lambda i: (i, 0)),
        out_shape=jax.ShapeDtypeStruct((n, o_dim), jnp.float32),
    )(q, pc, hr2, Wlin, blin.reshape(1, o_dim))

    return out

# --- scband reference (transcript-rebuilt; emitter-appended) ---
"""Pipeline reference for scband-hetero-gnn-1322849928004 (READ-ONLY COPY).

The authoritative reference and input builder live on the scoring server;
editing this copy changes nothing except your own understanding.
"""

import jax, jax.numpy as jnp
import numpy as np

N = 10000
E = 320000
D = 128
H = 128
O = 64


def setup_inputs(seed: int = 0) -> dict:
    key = jax.random.key(seed)
    ks = jax.random.split(key, 12)
    x = jax.random.normal(ks[0], (N, D), dtype=jnp.float32)
    edge_index = jax.random.randint(ks[1], (2, E), 0, N, dtype=jnp.int32)
    s = 0.05
    W1l = jax.random.normal(ks[2], (D, H), dtype=jnp.float32) * s
    b1l = jnp.zeros((H,), dtype=jnp.float32)
    W1r = jax.random.normal(ks[3], (D, H), dtype=jnp.float32) * s
    W2l = jax.random.normal(ks[4], (H, H), dtype=jnp.float32) * s
    b2l = jnp.zeros((H,), dtype=jnp.float32)
    W2r = jax.random.normal(ks[5], (H, H), dtype=jnp.float32) * s
    Wlin = jax.random.normal(ks[6], (H, O), dtype=jnp.float32) * s
    blin = jnp.zeros((O,), dtype=jnp.float32)
    return {"x": x, "edge_index": edge_index, "W1l": W1l, "b1l": b1l, "W1r": W1r,
            "W2l": W2l, "b2l": b2l, "W2r": W2r, "Wlin": Wlin, "blin": blin}


def _sage_conv(x_src, x_dst, edge_index, Wl, bl, Wr):
    # PyG SAGEConv: mean-aggregate neighbor features, lin_l(agg) + lin_r(x_dst); lin_r has no bias.
    src = edge_index[0]
    dst = edge_index[1]
    msg = jnp.take(x_src, src, axis=0)
    summed = jax.ops.segment_sum(msg, dst, num_segments=x_dst.shape[0])
    cnt = jax.ops.segment_sum(jnp.ones((src.shape[0],), dtype=x_src.dtype), dst, num_segments=x_dst.shape[0])
    mean = summed / jnp.maximum(cnt, 1.0)[:, None]
    return mean @ Wl + bl + x_dst @ Wr


def reference(x, edge_index, W1l, b1l, W1r, W2l, b2l, W2r, Wlin, blin):
    # Layer 1 (HeteroConv over a single edge type ('domain','to','domain'))
    h = _sage_conv(x, x, edge_index, W1l, b1l, W1r)
    h = jax.nn.relu(h)
    # F.dropout with training=False is identity (eval mode)
    # Layer 2 (final conv, no activation)
    h = _sage_conv(h, h, edge_index, W2l, b2l, W2r)
    # Final linear on the 'domain' node type
    return h @ Wlin + blin

if __name__ == "__main__":
    import jax
    _d = setup_inputs()
    print(jax.jit(kernel)(*tuple(_d.values())))

</pallas_src>

<mosaic_0001>
#map = affine_map<(d0, d1) -> (0, 0)>
#map1 = affine_map<(d0, d1) -> (0, 0, 0, 0)>
#map2 = affine_map<(d0, d1) -> (0, 0, 0)>
module attributes {stable_mosaic.version = 14 : i64} {
  func.func @body(%arg0: i32, %arg1: i32, %arg2: memref<10000x128xf32, #tpu.memory_space<hbm>>, %arg3: memref<32x79x2x128xi32, #tpu.memory_space<hbm>>, %arg4: memref<2x10240x128xf32, #tpu.memory_space<hbm>>, %arg5: memref<1x2x128xi32, #tpu.memory_space<vmem>>, %arg6: memref<128x128xf32, #tpu.memory_space<vmem>>, %arg7: memref<10240x128xf32, #tpu.memory_space<vmem_shared>>) attributes {dimension_semantics = [#tpu.dimension_semantics<core_parallel>, #tpu.dimension_semantics<subcore_parallel>], iteration_bounds = array<i64: 2, 16>, scalar_prefetch = 0 : i64, scratch_operands = 3 : i64, tpu.core_type = #tpu.core_type<sc_vector_subcore>, window_params = [{transform_indices = #map}, {transform_indices = #map1}, {transform_indices = #map2}]} {
    %mul3A = arith.constant 2 : i32
    %mul3A_0 = arith.muli %arg1, %mul3A : i32
    %add3A = arith.addi %mul3A_0, %arg0 : i32
    %mul3A_1 = arith.constant 640 : i32
    %mul3A_2 = arith.muli %arg1, %mul3A_1 : i32
    %scan3A = arith.constant 0 : i32
    %scan3A_3 = arith.constant 0 : i32
    %scan3A_4 = arith.constant 128 : i32
    %scan3A_5 = arith.addi %scan3A_3, %scan3A_4 : i32
    %scan3A_6 = arith.constant 1 : i32
    %scan3A_7 = scf.for %scan3A_47 = %scan3A_3 to %scan3A_5 step %scan3A_6 iter_args(%scan3A_48 = %scan3A) -> (i32)  : i32 {
      %broadcast_in_dim3A = arith.constant 0.000000e+00 : f32
      %broadcast_in_dim3A_49 = vector.broadcast %broadcast_in_dim3A : f32 to vector<16xf32>
      %swap3A = arith.index_cast %scan3A_47 : i32 to index
      %swap3A_50 = arith.constant 0 : index
      %swap3A_51 = tpu.vector_load %arg6[%swap3A, %swap3A_50] {strides = array<i32>} : memref<128x128xf32, #tpu.memory_space<vmem>>, vector<1x16xf32>,
      %swap3A_52 = vector.shape_cast %swap3A_51 : vector<1x16xf32> to vector<16xf32>
      %swap3A_53 = vector.shape_cast %broadcast_in_dim3A_49 : vector<16xf32> to vector<1x16xf32>
      tpu.vector_store %arg6[%swap3A, %swap3A_50], %swap3A_53 {strides = array<i32>} : memref<128x128xf32, #tpu.memory_space<vmem>>, vector<1x16xf32>,
      %broadcast_in_dim3A_54 = arith.constant 0.000000e+00 : f32
      %broadcast_in_dim3A_55 = vector.broadcast %broadcast_in_dim3A_54 : f32 to vector<16xf32>
      %swap3A_56 = arith.index_cast %scan3A_47 : i32 to index
      %swap3A_57 = arith.constant 16 : index
      %swap3A_58 = tpu.vector_load %arg6[%swap3A_56, %swap3A_57] {strides = array<i32>} : memref<128x128xf32, #tpu.memory_space<vmem>>, vector<1x16xf32>,
      %swap3A_59 = vector.shape_cast %swap3A_58 : vector<1x16xf32> to vector<16xf32>
      %swap3A_60 = vector.shape_cast %broadcast_in_dim3A_55 : vector<16xf32> to vector<1x16xf32>
      tpu.vector_store %arg6[%swap3A_56, %swap3A_57], %swap3A_60 {strides = array<i32>} : memref<128x128xf32, #tpu.memory_space<vmem>>, vector<1x16xf32>,
      %broadcast_in_dim3A_61 = arith.constant 0.000000e+00 : f32
      %broadcast_in_dim3A_62 = vector.broadcast %broadcast_in_dim3A_61 : f32 to vector<16xf32>
      %swap3A_63 = arith.index_cast %scan3A_47 : i32 to index
      %swap3A_64 = arith.constant 32 : index
      %swap3A_65 = tpu.vector_load %arg6[%swap3A_63, %swap3A_64] {strides = array<i32>} : memref<128x128xf32, #tpu.memory_space<vmem>>, vector<1x16xf32>,
      %swap3A_66 = vector.shape_cast %swap3A_65 : vector<1x16xf32> to vector<16xf32>
      %swap3A_67 = vector.shape_cast %broadcast_in_dim3A_62 : vector<16xf32> to vector<1x16xf32>
      tpu.vector_store %arg6[%swap3A_63, %swap3A_64], %swap3A_67 {strides = array<i32>} : memref<128x128xf32, #tpu.memory_space<vmem>>, vector<1x16xf32>,
      %broadcast_in_dim3A_68 = arith.constant 0.000000e+00 : f32
      %broadcast_in_dim3A_69 = vector.broadcast %broadcast_in_dim3A_68 : f32 to vector<16xf32>
      %swap3A_70 = arith.index_cast %scan3A_47 : i32 to index
      %swap3A_71 = arith.constant 48 : index
      %swap3A_72 = tpu.vector_load %arg6[%swap3A_70, %swap3A_71] {strides = array<i32>} : memref<128x128xf32, #tpu.memory_space<vmem>>, vector<1x16xf32>,
      %swap3A_73 = vector.shape_cast %swap3A_72 : vector<1x16xf32> to vector<16xf32>
      %swap3A_74 = vector.shape_cast %broadcast_in_dim3A_69 : vector<16xf32> to vector<1x16xf32>
      tpu.vector_store %arg6[%swap3A_70, %swap3A_71], %swap3A_74 {strides = array<i32>} : memref<128x128xf32, #tpu.memory_space<vmem>>, vector<1x16xf32>,
      %broadcast_in_dim3A_75 = arith.constant 0.000000e+00 : f32
      %broadcast_in_dim3A_76 = vector.broadcast %broadcast_in_dim3A_75 : f32 to vector<16xf32>
      %swap3A_77 = arith.index_cast %scan3A_47 : i32 to index
      %swap3A_78 = arith.constant 64 : index
      %swap3A_79 = tpu.vector_load %arg6[%swap3A_77, %swap3A_78] {strides = array<i32>} : memref<128x128xf32, #tpu.memory_space<vmem>>, vector<1x16xf32>,
      %swap3A_80 = vector.shape_cast %swap3A_79 : vector<1x16xf32> to vector<16xf32>
      %swap3A_81 = vector.shape_cast %broadcast_in_dim3A_76 : vector<16xf32> to vector<1x16xf32>
      tpu.vector_store %arg6[%swap3A_77, %swap3A_78], %swap3A_81 {strides = array<i32>} : memref<128x128xf32, #tpu.memory_space<vmem>>, vector<1x16xf32>,
      %broadcast_in_dim3A_82 = arith.constant 0.000000e+00 : f32
      %broadcast_in_dim3A_83 = vector.broadcast %broadcast_in_dim3A_82 : f32 to vector<16xf32>
      %swap3A_84 = arith.index_cast %scan3A_47 : i32 to index
      %swap3A_85 = arith.constant 80 : index
      %swap3A_86 = tpu.vector_load %arg6[%swap3A_84, %swap3A_85] {strides = array<i32>} : memref<128x128xf32, #tpu.memory_space<vmem>>, vector<1x16xf32>,
      %swap3A_87 = vector.shape_cast %swap3A_86 : vector<1x16xf32> to vector<16xf32>
      %swap3A_88 = vector.shape_cast %broadcast_in_dim3A_83 : vector<16xf32> to vector<1x16xf32>
      tpu.vector_store %arg6[%swap3A_84, %swap3A_85], %swap3A_88 {strides = array<i32>} : memref<128x128xf32, #tpu.memory_space<vmem>>, vector<1x16xf32>,
      %broadcast_in_dim3A_89 = arith.constant 0.000000e+00 : f32
      %broadcast_in_dim3A_90 = vector.broadcast %broadcast_in_dim3A_89 : f32 to vector<16xf32>
      %swap3A_91 = arith.index_cast %scan3A_47 : i32 to index
      %swap3A_92 = arith.constant 96 : index
      %swap3A_93 = tpu.vector_load %arg6[%swap3A_91, %swap3A_92] {strides = array<i32>} : memref<128x128xf32, #tpu.memory_space<vmem>>, vector<1x16xf32>,
      %swap3A_94 = vector.shape_cast %swap3A_93 : vector<1x16xf32> to vector<16xf32>
      %swap3A_95 = vector.shape_cast %broadcast_in_dim3A_90 : vector<16xf32> to vector<1x16xf32>
      tpu.vector_store %arg6[%swap3A_91, %swap3A_92], %swap3A_95 {strides = array<i32>} : memref<128x128xf32, #tpu.memory_space<vmem>>, vector<1x16xf32>,
      %broadcast_in_dim3A_96 = arith.constant 0.000000e+00 : f32
      %broadcast_in_dim3A_97 = vector.broadcast %broadcast_in_dim3A_96 : f32 to vector<16xf32>
      %swap3A_98 = arith.index_cast %scan3A_47 : i32 to index
      %swap3A_99 = arith.constant 112 : index
      %swap3A_100 = tpu.vector_load %arg6[%swap3A_98, %swap3A_99] {strides = array<i32>} : memref<128x128xf32, #tpu.memory_space<vmem>>, vector<1x16xf32>,
      %swap3A_101 = vector.shape_cast %swap3A_100 : vector<1x16xf32> to vector<16xf32>
      %swap3A_102 = vector.shape_cast %broadcast_in_dim3A_97 : vector<16xf32> to vector<1x16xf32>
      tpu.vector_store %arg6[%swap3A_98, %swap3A_99], %swap3A_102 {strides = array<i32>} : memref<128x128xf32, #tpu.memory_space<vmem>>, vector<1x16xf32>,
      %scan3A_103 = arith.constant 0 : i32
      scf.yield %scan3A_103 : i32
    }
    %scan3A_8 = arith.constant 128 : i32
    %add3A_9 = arith.constant 0 : i32
    %add3A_10 = arith.addi %mul3A_2, %add3A_9 : i32
    "tpu.region"() ({
      %run_scoped3A = tpu.sem_alloc : memref<!tpu.dma_semaphore, #tpu.memory_space<semaphore_mem>>
      %dma_start3A = arith.constant 0 : i32
      %dma_start3A_47 = tpu.memref_slice %arg7[%add3A_10, %dma_start3A] : memref<10240x128xf32, #tpu.memory_space<vmem_shared>> -> memref<128x128xf32, #tpu.memory_space<vmem_shared>>
      %dma_start3A_48 = arith.constant 0 : i32
      %dma_start3A_49 = tpu.memref_slice %arg7[%add3A_10, %dma_start3A_48] : memref<10240x128xf32, #tpu.memory_space<vmem_shared>> -> memref<128x128xf32, #tpu.memory_space<vmem_shared>>
      tpu.enqueue_dma source(%arg6 : memref<128x128xf32, #tpu.memory_space<vmem>>) target(%dma_start3A_49 : memref<128x128xf32, #tpu.memory_space<vmem_shared>>) target_semaphore(%run_scoped3A : memref<!tpu.dma_semaphore, #tpu.memory_space<semaphore_mem>>)
      %dma_wait3A = arith.constant 0 : i32
      %dma_wait3A_50 = tpu.memref_slice %arg7[%add3A_10, %dma_wait3A] : memref<10240x128xf32, #tpu.memory_space<vmem_shared>> -> memref<128x128xf32, #tpu.memory_space<vmem_shared>>
      %dma_wait3A_51 = arith.constant 0 : i32
      %dma_wait3A_52 = tpu.memref_slice %arg7[%add3A_10, %dma_wait3A_51] : memref<10240x128xf32, #tpu.memory_space<vmem_shared>> -> memref<128x128xf32, #tpu.memory_space<vmem_shared>>
      tpu.wait_dma2 semaphore(%run_scoped3A : memref<!tpu.dma_semaphore, #tpu.memory_space<semaphore_mem>>) src(%arg6 : memref<128x128xf32, #tpu.memory_space<vmem>>) dst(%dma_wait3A_52 : memref<128x128xf32, #tpu.memory_space<vmem_shared>>)
      tpu.yield
    }) : () -> ()
    %add3A_11 = arith.constant 128 : i32
    %add3A_12 = arith.addi %mul3A_2, %add3A_11 : i32
    "tpu.region"() ({
      %run_scoped3A = tpu.sem_alloc : memref<!tpu.dma_semaphore, #tpu.memory_space<semaphore_mem>>
      %dma_start3A = arith.constant 0 : i32
      %dma_start3A_47 = tpu.memref_slice %arg7[%add3A_12, %dma_start3A] : memref<10240x128xf32, #tpu.memory_space<vmem_shared>> -> memref<128x128xf32, #tpu.memory_space<vmem_shared>>
      %dma_start3A_48 = arith.constant 0 : i32
      %dma_start3A_49 = tpu.memref_slice %arg7[%add3A_12, %dma_start3A_48] : memref<10240x128xf32, #tpu.memory_space<vmem_shared>> -> memref<128x128xf32, #tpu.memory_space<vmem_shared>>
      tpu.enqueue_dma source(%arg6 : memref<128x128xf32, #tpu.memory_space<vmem>>) target(%dma_start3A_49 : memref<128x128xf32, #tpu.memory_space<vmem_shared>>) target_semaphore(%run_scoped3A : memref<!tpu.dma_semaphore, #tpu.memory_space<semaphore_mem>>)
      %dma_wait3A = arith.constant 0 : i32
      %dma_wait3A_50 = tpu.memref_slice %arg7[%add3A_12, %dma_wait3A] : memref<10240x128xf32, #tpu.memory_space<vmem_shared>> -> memref<128x128xf32, #tpu.memory_space<vmem_shared>>
      %dma_wait3A_51 = arith.constant 0 : i32
      %dma_wait3A_52 = tpu.memref_slice %arg7[%add3A_12, %dma_wait3A_51] : memref<10240x128xf32, #tpu.memory_space<vmem_shared>> -> memref<128x128xf32, #tpu.memory_space<vmem_shared>>
      tpu.wait_dma2 semaphore(%run_scoped3A : memref<!tpu.dma_semaphore, #tpu.memory_space<semaphore_mem>>) src(%arg6 : memref<128x128xf32, #tpu.memory_space<vmem>>) dst(%dma_wait3A_52 : memref<128x128xf32, #tpu.memory_space<vmem_shared>>)
      tpu.yield
    }) : () -> ()
    %add3A_13 = arith.constant 256 : i32
    %add3A_14 = arith.addi %mul3A_2, %add3A_13 : i32
    "tpu.region"() ({
      %run_scoped3A = tpu.sem_alloc : memref<!tpu.dma_semaphore, #tpu.memory_space<semaphore_mem>>
      %dma_start3A = arith.constant 0 : i32
      %dma_start3A_47 = tpu.memref_slice %arg7[%add3A_14, %dma_start3A] : memref<10240x128xf32, #tpu.memory_space<vmem_shared>> -> memref<128x128xf32, #tpu.memory_space<vmem_shared>>
      %dma_start3A_48 = arith.constant 0 : i32
      %dma_start3A_49 = tpu.memref_slice %arg7[%add3A_14, %dma_start3A_48] : memref<10240x128xf32, #tpu.memory_space<vmem_shared>> -> memref<128x128xf32, #tpu.memory_space<vmem_shared>>
      tpu.enqueue_dma source(%arg6 : memref<128x128xf32, #tpu.memory_space<vmem>>) target(%dma_start3A_49 : memref<128x128xf32, #tpu.memory_space<vmem_shared>>) target_semaphore(%run_scoped3A : memref<!tpu.dma_semaphore, #tpu.memory_space<semaphore_mem>>)
      %dma_wait3A = arith.constant 0 : i32
      %dma_wait3A_50 = tpu.memref_slice %arg7[%add3A_14, %dma_wait3A] : memref<10240x128xf32, #tpu.memory_space<vmem_shared>> -> memref<128x128xf32, #tpu.memory_space<vmem_shared>>
      %dma_wait3A_51 = arith.constant 0 : i32
      %dma_wait3A_52 = tpu.memref_slice %arg7[%add3A_14, %dma_wait3A_51] : memref<10240x128xf32, #tpu.memory_space<vmem_shared>> -> memref<128x128xf32, #tpu.memory_space<vmem_shared>>
      tpu.wait_dma2 semaphore(%run_scoped3A : memref<!tpu.dma_semaphore, #tpu.memory_space<semaphore_mem>>) src(%arg6 : memref<128x128xf32, #tpu.memory_space<vmem>>) dst(%dma_wait3A_52 : memref<128x128xf32, #tpu.memory_space<vmem_shared>>)
      tpu.yield
    }) : () -> ()
    %add3A_15 = arith.constant 384 : i32
    %add3A_16 = arith.addi %mul3A_2, %add3A_15 : i32
    "tpu.region"() ({
      %run_scoped3A = tpu.sem_alloc : memref<!tpu.dma_semaphore, #tpu.memory_space<semaphore_mem>>
      %dma_start3A = arith.constant 0 : i32
      %dma_start3A_47 = tpu.memref_slice %arg7[%add3A_16, %dma_start3A] : memref<10240x128xf32, #tpu.memory_space<vmem_shared>> -> memref<128x128xf32, #tpu.memory_space<vmem_shared>>
      %dma_start3A_48 = arith.constant 0 : i32
      %dma_start3A_49 = tpu.memref_slice %arg7[%add3A_16, %dma_start3A_48] : memref<10240x128xf32, #tpu.memory_space<vmem_shared>> -> memref<128x128xf32, #tpu.memory_space<vmem_shared>>
      tpu.enqueue_dma source(%arg6 : memref<128x128xf32, #tpu.memory_space<vmem>>) target(%dma_start3A_49 : memref<128x128xf32, #tpu.memory_space<vmem_shared>>) target_semaphore(%run_scoped3A : memref<!tpu.dma_semaphore, #tpu.memory_space<semaphore_mem>>)
      %dma_wait3A = arith.constant 0 : i32
      %dma_wait3A_50 = tpu.memref_slice %arg7[%add3A_16, %dma_wait3A] : memref<10240x128xf32, #tpu.memory_space<vmem_shared>> -> memref<128x128xf32, #tpu.memory_space<vmem_shared>>
      %dma_wait3A_51 = arith.constant 0 : i32
      %dma_wait3A_52 = tpu.memref_slice %arg7[%add3A_16, %dma_wait3A_51] : memref<10240x128xf32, #tpu.memory_space<vmem_shared>> -> memref<128x128xf32, #tpu.memory_space<vmem_shared>>
      tpu.wait_dma2 semaphore(%run_scoped3A : memref<!tpu.dma_semaphore, #tpu.memory_space<semaphore_mem>>) src(%arg6 : memref<128x128xf32, #tpu.memory_space<vmem>>) dst(%dma_wait3A_52 : memref<128x128xf32, #tpu.memory_space<vmem_shared>>)
      tpu.yield
    }) : () -> ()
    %add3A_17 = arith.constant 512 : i32
    %add3A_18 = arith.addi %mul3A_2, %add3A_17 : i32
    "tpu.region"() ({
      %run_scoped3A = tpu.sem_alloc : memref<!tpu.dma_semaphore, #tpu.memory_space<semaphore_mem>>
      %dma_start3A = arith.constant 0 : i32
      %dma_start3A_47 = tpu.memref_slice %arg7[%add3A_18, %dma_start3A] : memref<10240x128xf32, #tpu.memory_space<vmem_shared>> -> memref<128x128xf32, #tpu.memory_space<vmem_shared>>
      %dma_start3A_48 = arith.constant 0 : i32
      %dma_start3A_49 = tpu.memref_slice %arg7[%add3A_18, %dma_start3A_48] : memref<10240x128xf32, #tpu.memory_space<vmem_shared>> -> memref<128x128xf32, #tpu.memory_space<vmem_shared>>
      tpu.enqueue_dma source(%arg6 : memref<128x128xf32, #tpu.memory_space<vmem>>) target(%dma_start3A_49 : memref<128x128xf32, #tpu.memory_space<vmem_shared>>) target_semaphore(%run_scoped3A : memref<!tpu.dma_semaphore, #tpu.memory_space<semaphore_mem>>)
      %dma_wait3A = arith.constant 0 : i32
      %dma_wait3A_50 = tpu.memref_slice %arg7[%add3A_18, %dma_wait3A] : memref<10240x128xf32, #tpu.memory_space<vmem_shared>> -> memref<128x128xf32, #tpu.memory_space<vmem_shared>>
      %dma_wait3A_51 = arith.constant 0 : i32
      %dma_wait3A_52 = tpu.memref_slice %arg7[%add3A_18, %dma_wait3A_51] : memref<10240x128xf32, #tpu.memory_space<vmem_shared>> -> memref<128x128xf32, #tpu.memory_space<vmem_shared>>
      tpu.wait_dma2 semaphore(%run_scoped3A : memref<!tpu.dma_semaphore, #tpu.memory_space<semaphore_mem>>) src(%arg6 : memref<128x128xf32, #tpu.memory_space<vmem>>) dst(%dma_wait3A_52 : memref<128x128xf32, #tpu.memory_space<vmem_shared>>)
      tpu.yield
    }) : () -> ()
    %barrier3A = arith.constant 0 : index
    tpu.barrier barrier_id(%barrier3A)
    %scan3A_19 = arith.constant 0 : i32
    %scan3A_20 = arith.constant 0 : i32
    %scan3A_21 = arith.constant 79 : i32
    %scan3A_22 = arith.addi %scan3A_20, %scan3A_21 : i32
    %scan3A_23 = arith.constant 1 : i32
    %scan3A_24 = scf.for %scan3A_47 = %scan3A_20 to %scan3A_22 step %scan3A_23 iter_args(%scan3A_48 = %scan3A_19) -> (i32)  : i32 {
      "tpu.region"() ({
        %run_scoped3A_53 = tpu.sem_alloc : memref<!tpu.dma_semaphore, #tpu.memory_space<semaphore_mem>>
        %dma_start3A = arith.constant 0 : i32
        %dma_start3A_54 = arith.constant 0 : i32
        %dma_start3A_55 = tpu.memref_slice %arg3[%add3A, %scan3A_47, %dma_start3A, %dma_start3A_54] : memref<32x79x2x128xi32, #tpu.memory_space<hbm>> -> memref<1x1x2x128xi32, #tpu.memory_space<hbm>>
        %dma_start3A_56 = tpu.memref_squeeze %dma_start3A_55 : memref<1x1x2x128xi32, #tpu.memory_space<hbm>> -> memref<1x2x128xi32, #tpu.memory_space<hbm>>
        %dma_start3A_57 = arith.constant 0 : i32
        %dma_start3A_58 = arith.constant 0 : i32
        %dma_start3A_59 = tpu.memref_slice %arg3[%add3A, %scan3A_47, %dma_start3A_57, %dma_start3A_58] : memref<32x79x2x128xi32, #tpu.memory_space<hbm>> -> memref<1x1x2x128xi32, #tpu.memory_space<hbm>>
        %dma_start3A_60 = tpu.memref_squeeze %dma_start3A_59 : memref<1x1x2x128xi32, #tpu.memory_space<hbm>> -> memref<1x2x128xi32, #tpu.memory_space<hbm>>
        tpu.enqueue_dma source(%dma_start3A_60 : memref<1x2x128xi32, #tpu.memory_space<hbm>>) target(%arg5 : memref<1x2x128xi32, #tpu.memory_space<vmem>>) target_semaphore(%run_scoped3A_53 : memref<!tpu.dma_semaphore, #tpu.memory_space<semaphore_mem>>)
        %dma_wait3A = arith.constant 0 : i32
        %dma_wait3A_61 = arith.constant 0 : i32
        %dma_wait3A_62 = tpu.memref_slice %arg3[%add3A, %scan3A_47, %dma_wait3A, %dma_wait3A_61] : memref<32x79x2x128xi32, #tpu.memory_space<hbm>> -> memref<1x1x2x128xi32, #tpu.memory_space<hbm>>
        %dma_wait3A_63 = tpu.memref_squeeze %dma_wait3A_62 : memref<1x1x2x128xi32, #tpu.memory_space<hbm>> -> memref<1x2x128xi32, #tpu.memory_space<hbm>>
        %dma_wait3A_64 = arith.constant 0 : i32
        %dma_wait3A_65 = arith.constant 0 : i32
        %dma_wait3A_66 = tpu.memref_slice %arg3[%add3A, %scan3A_47, %dma_wait3A_64, %dma_wait3A_65] : memref<32x79x2x128xi32, #tpu.memory_space<hbm>> -> memref<1x1x2x128xi32, #tpu.memory_space<hbm>>
        %dma_wait3A_67 = tpu.memref_squeeze %dma_wait3A_66 : memref<1x1x2x128xi32, #tpu.memory_space<hbm>> -> memref<1x2x128xi32, #tpu.memory_space<hbm>>
        tpu.wait_dma2 semaphore(%run_scoped3A_53 : memref<!tpu.dma_semaphore, #tpu.memory_space<semaphore_mem>>) src(%dma_wait3A_67 : memref<1x2x128xi32, #tpu.memory_space<hbm>>) dst(%arg5 : memref<1x2x128xi32, #tpu.memory_space<vmem>>)
        tpu.yield
      }) : () -> ()
      %run_scoped3A = arith.constant 0 : i32
      %run_scoped3A_49 = arith.constant 0 : i32
      "tpu.region"() ({
        %run_scoped3A_53 = tpu.sem_alloc : memref<!tpu.dma_semaphore, #tpu.memory_space<semaphore_mem>>
        %dma_start3A = arith.constant 0 : i32
        %dma_start3A_54 = tpu.memref_slice %arg5[%run_scoped3A, %run_scoped3A_49, %dma_start3A] : memref<1x2x128xi32, #tpu.memory_space<vmem>> -> memref<1x1x128xi32, #tpu.memory_space<vmem>>
        %dma_start3A_55 = tpu.memref_squeeze %dma_start3A_54 : memref<1x1x128xi32, #tpu.memory_space<vmem>> -> memref<128xi32, #tpu.memory_space<vmem>>
        %dma_start3A_56 = arith.constant 0 : i32
        %dma_start3A_57 = arith.constant 0 : i32
        %dma_start3A_58 = tpu.memref_slice %arg2[%dma_start3A_56, %dma_start3A_57] : memref<10000x128xf32, #tpu.memory_space<hbm>> -> memref<10000x128xf32, #tpu.memory_space<hbm>>
        tpu.enqueue_indirect_dma source(%dma_start3A_58 : memref<10000x128xf32, #tpu.memory_space<hbm>>) target(%arg6 : memref<128x128xf32, #tpu.memory_space<vmem>>) offsets(%dma_start3A_55 : memref<128xi32, #tpu.memory_space<vmem>>) semaphore(%run_scoped3A_53 : memref<!tpu.dma_semaphore, #tpu.memory_space<semaphore_mem>>)
        %dma_wait3A = arith.constant 0 : i32
        %dma_wait3A_59 = tpu.memref_slice %arg5[%run_scoped3A, %run_scoped3A_49, %dma_wait3A] : memref<1x2x128xi32, #tpu.memory_space<vmem>> -> memref<1x1x128xi32, #tpu.memory_space<vmem>>
        %dma_wait3A_60 = tpu.memref_squeeze %dma_wait3A_59 : memref<1x1x128xi32, #tpu.memory_space<vmem>> -> memref<128xi32, #tpu.memory_space<vmem>>
        %dma_wait3A_61 = arith.constant 0 : i32
        %dma_wait3A_62 = arith.constant 0 : i32
        %dma_wait3A_63 = tpu.memref_slice %arg2[%dma_wait3A_61, %dma_wait3A_62] : memref<10000x128xf32, #tpu.memory_space<hbm>> -> memref<10000x128xf32, #tpu.memory_space<hbm>>
        tpu.wait_indirect_dma semaphore(%run_scoped3A_53 : memref<!tpu.dma_semaphore, #tpu.memory_space<semaphore_mem>>) src(%dma_wait3A_63 : memref<10000x128xf32, #tpu.memory_space<hbm>>) dst(%arg6 : memref<128x128xf32, #tpu.memory_space<vmem>>)
        tpu.yield
      }) : () -> ()
      %run_scoped3A_50 = arith.constant 0 : i32
      %run_scoped3A_51 = arith.constant 1 : i32
      "tpu.region"() ({
        %run_scoped3A_53 = tpu.sem_alloc : memref<!tpu.dma_semaphore, #tpu.memory_space<semaphore_mem>>
        %dma_start3A = arith.constant 0 : i32
        %dma_start3A_54 = tpu.memref_slice %arg5[%run_scoped3A_50, %run_scoped3A_51, %dma_start3A] : memref<1x2x128xi32, #tpu.memory_space<vmem>> -> memref<1x1x128xi32, #tpu.memory_space<vmem>>
        %dma_start3A_55 = tpu.memref_squeeze %dma_start3A_54 : memref<1x1x128xi32, #tpu.memory_space<vmem>> -> memref<128xi32, #tpu.memory_space<vmem>>
        %dma_start3A_56 = arith.constant 0 : i32
        %dma_start3A_57 = arith.constant 0 : i32
        %dma_start3A_58 = tpu.memref_slice %arg7[%dma_start3A_56, %dma_start3A_57] : memref<10240x128xf32, #tpu.memory_space<vmem_shared>> -> memref<10240x128xf32, #tpu.memory_space<vmem_shared>>
        tpu.enqueue_indirect_dma source(%arg6 : memref<128x128xf32, #tpu.memory_space<vmem>>) target(%dma_start3A_58 : memref<10240x128xf32, #tpu.memory_space<vmem_shared>>) offsets(%dma_start3A_55 : memref<128xi32, #tpu.memory_space<vmem>>) semaphore(%run_scoped3A_53 : memref<!tpu.dma_semaphore, #tpu.memory_space<semaphore_mem>>) {add = true}
        %dma_wait3A = arith.constant 0 : i32
        %dma_wait3A_59 = tpu.memref_slice %arg5[%run_scoped3A_50, %run_scoped3A_51, %dma_wait3A] : memref<1x2x128xi32, #tpu.memory_space<vmem>> -> memref<1x1x128xi32, #tpu.memory_space<vmem>>
        %dma_wait3A_60 = tpu.memref_squeeze %dma_wait3A_59 : memref<1x1x128xi32, #tpu.memory_space<vmem>> -> memref<128xi32, #tpu.memory_space<vmem>>
        %dma_wait3A_61 = arith.constant 0 : i32
        %dma_wait3A_62 = arith.constant 0 : i32
        %dma_wait3A_63 = tpu.memref_slice %arg7[%dma_wait3A_61, %dma_wait3A_62] : memref<10240x128xf32, #tpu.memory_space<vmem_shared>> -> memref<10240x128xf32, #tpu.memory_space<vmem_shared>>
        tpu.wait_indirect_dma semaphore(%run_scoped3A_53 : memref<!tpu.dma_semaphore, #tpu.memory_space<semaphore_mem>>) src(%arg6 : memref<128x128xf32, #tpu.memory_space<vmem>>) dst(%dma_wait3A_63 : memref<10240x128xf32, #tpu.memory_space<vmem_shared>>)
        tpu.yield
      }) : () -> ()
      %scan3A_52 = arith.constant 0 : i32
      scf.yield %scan3A_52 : i32
    }
    %scan3A_25 = arith.constant 79 : i32
    %barrier3A_26 = arith.constant 0 : index
    tpu.barrier barrier_id(%barrier3A_26)
    %add3A_27 = arith.constant 0 : i32
    %add3A_28 = arith.addi %mul3A_2, %add3A_27 : i32
    "tpu.region"() ({
      %run_scoped3A = tpu.sem_alloc : memref<!tpu.dma_semaphore, #tpu.memory_space<semaphore_mem>>
      %dma_start3A = arith.constant 0 : i32
      %dma_start3A_47 = tpu.memref_slice %arg7[%add3A_28, %dma_start3A] : memref<10240x128xf32, #tpu.memory_space<vmem_shared>> -> memref<128x128xf32, #tpu.memory_space<vmem_shared>>
      %dma_start3A_48 = arith.constant 0 : i32
      %dma_start3A_49 = tpu.memref_slice %arg7[%add3A_28, %dma_start3A_48] : memref<10240x128xf32, #tpu.memory_space<vmem_shared>> -> memref<128x128xf32, #tpu.memory_space<vmem_shared>>
      tpu.enqueue_dma source(%dma_start3A_49 : memref<128x128xf32, #tpu.memory_space<vmem_shared>>) target(%arg6 : memref<128x128xf32, #tpu.memory_space<vmem>>) target_semaphore(%run_scoped3A : memref<!tpu.dma_semaphore, #tpu.memory_space<semaphore_mem>>)
      %dma_wait3A = arith.constant 0 : i32
      %dma_wait3A_50 = tpu.memref_slice %arg7[%add3A_28, %dma_wait3A] : memref<10240x128xf32, #tpu.memory_space<vmem_shared>> -> memref<128x128xf32, #tpu.memory_space<vmem_shared>>
      %dma_wait3A_51 = arith.constant 0 : i32
      %dma_wait3A_52 = tpu.memref_slice %arg7[%add3A_28, %dma_wait3A_51] : memref<10240x128xf32, #tpu.memory_space<vmem_shared>> -> memref<128x128xf32, #tpu.memory_space<vmem_shared>>
      tpu.wait_dma2 semaphore(%run_scoped3A : memref<!tpu.dma_semaphore, #tpu.memory_space<semaphore_mem>>) src(%dma_wait3A_52 : memref<128x128xf32, #tpu.memory_space<vmem_shared>>) dst(%arg6 : memref<128x128xf32, #tpu.memory_space<vmem>>)
      tpu.yield
    }) : () -> ()
    %add3A_29 = arith.constant 0 : i32
    %add3A_30 = arith.addi %mul3A_2, %add3A_29 : i32
    "tpu.region"() ({
      %run_scoped3A = tpu.sem_alloc : memref<!tpu.dma_semaphore, #tpu.memory_space<semaphore_mem>>
      %dma_start3A = arith.constant 0 : i32
      %dma_start3A_47 = tpu.memref_slice %arg4[%arg0, %add3A_30, %dma_start3A] : memref<2x10240x128xf32, #tpu.memory_space<hbm>> -> memref<1x128x128xf32, #tpu.memory_space<hbm>>
      %dma_start3A_48 = tpu.memref_squeeze %dma_start3A_47 : memref<1x128x128xf32, #tpu.memory_space<hbm>> -> memref<128x128xf32, #tpu.memory_space<hbm>>
      %dma_start3A_49 = arith.constant 0 : i32
      %dma_start3A_50 = tpu.memref_slice %arg4[%arg0, %add3A_30, %dma_start3A_49] : memref<2x10240x128xf32, #tpu.memory_space<hbm>> -> memref<1x128x128xf32, #tpu.memory_space<hbm>>
      %dma_start3A_51 = tpu.memref_squeeze %dma_start3A_50 : memref<1x128x128xf32, #tpu.memory_space<hbm>> -> memref<128x128xf32, #tpu.memory_space<hbm>>
      tpu.enqueue_dma source(%arg6 : memref<128x128xf32, #tpu.memory_space<vmem>>) target(%dma_start3A_51 : memref<128x128xf32, #tpu.memory_space<hbm>>) target_semaphore(%run_scoped3A : memref<!tpu.dma_semaphore, #tpu.memory_space<semaphore_mem>>)
      %dma_wait3A = arith.constant 0 : i32
      %dma_wait3A_52 = tpu.memref_slice %arg4[%arg0, %add3A_30, %dma_wait3A] : memref<2x10240x128xf32, #tpu.memory_space<hbm>> -> memref<1x128x128xf32, #tpu.memory_space<hbm>>
      %dma_wait3A_53 = tpu.memref_squeeze %dma_wait3A_52 : memref<1x128x128xf32, #tpu.memory_space<hbm>> -> memref<128x128xf32, #tpu.memory_space<hbm>>
      %dma_wait3A_54 = arith.constant 0 : i32
      %dma_wait3A_55 = tpu.memref_slice %arg4[%arg0, %add3A_30, %dma_wait3A_54] : memref<2x10240x128xf32, #tpu.memory_space<hbm>> -> memref<1x128x128xf32, #tpu.memory_space<hbm>>
      %dma_wait3A_56 = tpu.memref_squeeze %dma_wait3A_55 : memref<1x128x128xf32, #tpu.memory_space<hbm>> -> memref<128x128xf32, #tpu.memory_space<hbm>>
      tpu.wait_dma2 semaphore(%run_scoped3A : memref<!tpu.dma_semaphore, #tpu.memory_space<semaphore_mem>>) src(%arg6 : memref<128x128xf32, #tpu.memory_space<vmem>>) dst(%dma_wait3A_56 : memref<128x128xf32, #tpu.memory_space<hbm>>)
      tpu.yield
    }) : () -> ()
    %add3A_31 = arith.constant 128 : i32
    %add3A_32 = arith.addi %mul3A_2, %add3A_31 : i32
    "tpu.region"() ({
      %run_scoped3A = tpu.sem_alloc : memref<!tpu.dma_semaphore, #tpu.memory_space<semaphore_mem>>
      %dma_start3A = arith.constant 0 : i32
      %dma_start3A_47 = tpu.memref_slice %arg7[%add3A_32, %dma_start3A] : memref<10240x128xf32, #tpu.memory_space<vmem_shared>> -> memref<128x128xf32, #tpu.memory_space<vmem_shared>>
      %dma_start3A_48 = arith.constant 0 : i32
      %dma_start3A_49 = tpu.memref_slice %arg7[%add3A_32, %dma_start3A_48] : memref<10240x128xf32, #tpu.memory_space<vmem_shared>> -> memref<128x128xf32, #tpu.memory_space<vmem_shared>>
      tpu.enqueue_dma source(%dma_start3A_49 : memref<128x128xf32, #tpu.memory_space<vmem_shared>>) target(%arg6 : memref<128x128xf32, #tpu.memory_space<vmem>>) target_semaphore(%run_scoped3A : memref<!tpu.dma_semaphore, #tpu.memory_space<semaphore_mem>>)
      %dma_wait3A = arith.constant 0 : i32
      %dma_wait3A_50 = tpu.memref_slice %arg7[%add3A_32, %dma_wait3A] : memref<10240x128xf32, #tpu.memory_space<vmem_shared>> -> memref<128x128xf32, #tpu.memory_space<vmem_shared>>
      %dma_wait3A_51 = arith.constant 0 : i32
      %dma_wait3A_52 = tpu.memref_slice %arg7[%add3A_32, %dma_wait3A_51] : memref<10240x128xf32, #tpu.memory_space<vmem_shared>> -> memref<128x128xf32, #tpu.memory_space<vmem_shared>>
      tpu.wait_dma2 semaphore(%run_scoped3A : memref<!tpu.dma_semaphore, #tpu.memory_space<semaphore_mem>>) src(%dma_wait3A_52 : memref<128x128xf32, #tpu.memory_space<vmem_shared>>) dst(%arg6 : memref<128x128xf32, #tpu.memory_space<vmem>>)
      tpu.yield
    }) : () -> ()
    %add3A_33 = arith.constant 128 : i32
    %add3A_34 = arith.addi %mul3A_2, %add3A_33 : i32
    "tpu.region"() ({
      %run_scoped3A = tpu.sem_alloc : memref<!tpu.dma_semaphore, #tpu.memory_space<semaphore_mem>>
      %dma_start3A = arith.constant 0 : i32
      %dma_start3A_47 = tpu.memref_slice %arg4[%arg0, %add3A_34, %dma_start3A] : memref<2x10240x128xf32, #tpu.memory_space<hbm>> -> memref<1x128x128xf32, #tpu.memory_space<hbm>>
      %dma_start3A_48 = tpu.memref_squeeze %dma_start3A_47 : memref<1x128x128xf32, #tpu.memory_space<hbm>> -> memref<128x128xf32, #tpu.memory_space<hbm>>
      %dma_start3A_49 = arith.constant 0 : i32
      %dma_start3A_50 = tpu.memref_slice %arg4[%arg0, %add3A_34, %dma_start3A_49] : memref<2x10240x128xf32, #tpu.memory_space<hbm>> -> memref<1x128x128xf32, #tpu.memory_space<hbm>>
      %dma_start3A_51 = tpu.memref_squeeze %dma_start3A_50 : memref<1x128x128xf32, #tpu.memory_space<hbm>> -> memref<128x128xf32, #tpu.memory_space<hbm>>
      tpu.enqueue_dma source(%arg6 : memref<128x128xf32, #tpu.memory_space<vmem>>) target(%dma_start3A_51 : memref<128x128xf32, #tpu.memory_space<hbm>>) target_semaphore(%run_scoped3A : memref<!tpu.dma_semaphore, #tpu.memory_space<semaphore_mem>>)
      %dma_wait3A = arith.constant 0 : i32
      %dma_wait3A_52 = tpu.memref_slice %arg4[%arg0, %add3A_34, %dma_wait3A] : memref<2x10240x128xf32, #tpu.memory_space<hbm>> -> memref<1x128x128xf32, #tpu.memory_space<hbm>>
      %dma_wait3A_53 = tpu.memref_squeeze %dma_wait3A_52 : memref<1x128x128xf32, #tpu.memory_space<hbm>> -> memref<128x128xf32, #tpu.memory_space<hbm>>
      %dma_wait3A_54 = arith.constant 0 : i32
      %dma_wait3A_55 = tpu.memref_slice %arg4[%arg0, %add3A_34, %dma_wait3A_54] : memref<2x10240x128xf32, #tpu.memory_space<hbm>> -> memref<1x128x128xf32, #tpu.memory_space<hbm>>
      %dma_wait3A_56 = tpu.memref_squeeze %dma_wait3A_55 : memref<1x128x128xf32, #tpu.memory_space<hbm>> -> memref<128x128xf32, #tpu.memory_space<hbm>>
      tpu.wait_dma2 semaphore(%run_scoped3A : memref<!tpu.dma_semaphore, #tpu.memory_space<semaphore_mem>>) src(%arg6 : memref<128x128xf32, #tpu.memory_space<vmem>>) dst(%dma_wait3A_56 : memref<128x128xf32, #tpu.memory_space<hbm>>)
      tpu.yield
    }) : () -> ()
    %add3A_35 = arith.constant 256 : i32
    %add3A_36 = arith.addi %mul3A_2, %add3A_35 : i32
    "tpu.region"() ({
      %run_scoped3A = tpu.sem_alloc : memref<!tpu.dma_semaphore, #tpu.memory_space<semaphore_mem>>
      %dma_start3A = arith.constant 0 : i32
      %dma_start3A_47 = tpu.memref_slice %arg7[%add3A_36, %dma_start3A] : memref<10240x128xf32, #tpu.memory_space<vmem_shared>> -> memref<128x128xf32, #tpu.memory_space<vmem_shared>>
      %dma_start3A_48 = arith.constant 0 : i32
      %dma_start3A_49 = tpu.memref_slice %arg7[%add3A_36, %dma_start3A_48] : memref<10240x128xf32, #tpu.memory_space<vmem_shared>> -> memref<128x128xf32, #tpu.memory_space<vmem_shared>>
      tpu.enqueue_dma source(%dma_start3A_49 : memref<128x128xf32, #tpu.memory_space<vmem_shared>>) target(%arg6 : memref<128x128xf32, #tpu.memory_space<vmem>>) target_semaphore(%run_scoped3A : memref<!tpu.dma_semaphore, #tpu.memory_space<semaphore_mem>>)
      %dma_wait3A = arith.constant 0 : i32
      %dma_wait3A_50 = tpu.memref_slice %arg7[%add3A_36, %dma_wait3A] : memref<10240x128xf32, #tpu.memory_space<vmem_shared>> -> memref<128x128xf32, #tpu.memory_space<vmem_shared>>
      %dma_wait3A_51 = arith.constant 0 : i32
      %dma_wait3A_52 = tpu.memref_slice %arg7[%add3A_36, %dma_wait3A_51] : memref<10240x128xf32, #tpu.memory_space<vmem_shared>> -> memref<128x128xf32, #tpu.memory_space<vmem_shared>>
      tpu.wait_dma2 semaphore(%run_scoped3A : memref<!tpu.dma_semaphore, #tpu.memory_space<semaphore_mem>>) src(%dma_wait3A_52 : memref<128x128xf32, #tpu.memory_space<vmem_shared>>) dst(%arg6 : memref<128x128xf32, #tpu.memory_space<vmem>>)
      tpu.yield
    }) : () -> ()
    %add3A_37 = arith.constant 256 : i32
    %add3A_38 = arith.addi %mul3A_2, %add3A_37 : i32
    "tpu.region"() ({
      %run_scoped3A = tpu.sem_alloc : memref<!tpu.dma_semaphore, #tpu.memory_space<semaphore_mem>>
      %dma_start3A = arith.constant 0 : i32
      %dma_start3A_47 = tpu.memref_slice %arg4[%arg0, %add3A_38, %dma_start3A] : memref<2x10240x128xf32, #tpu.memory_space<hbm>> -> memref<1x128x128xf32, #tpu.memory_space<hbm>>
      %dma_start3A_48 = tpu.memref_squeeze %dma_start3A_47 : memref<1x128x128xf32, #tpu.memory_space<hbm>> -> memref<128x128xf32, #tpu.memory_space<hbm>>
      %dma_start3A_49 = arith.constant 0 : i32
      %dma_start3A_50 = tpu.memref_slice %arg4[%arg0, %add3A_38, %dma_start3A_49] : memref<2x10240x128xf32, #tpu.memory_space<hbm>> -> memref<1x128x128xf32, #tpu.memory_space<hbm>>
      %dma_start3A_51 = tpu.memref_squeeze %dma_start3A_50 : memref<1x128x128xf32, #tpu.memory_space<hbm>> -> memref<128x128xf32, #tpu.memory_space<hbm>>
      tpu.enqueue_dma source(%arg6 : memref<128x128xf32, #tpu.memory_space<vmem>>) target(%dma_start3A_51 : memref<128x128xf32, #tpu.memory_space<hbm>>) target_semaphore(%run_scoped3A : memref<!tpu.dma_semaphore, #tpu.memory_space<semaphore_mem>>)
      %dma_wait3A = arith.constant 0 : i32
      %dma_wait3A_52 = tpu.memref_slice %arg4[%arg0, %add3A_38, %dma_wait3A] : memref<2x10240x128xf32, #tpu.memory_space<hbm>> -> memref<1x128x128xf32, #tpu.memory_space<hbm>>
      %dma_wait3A_53 = tpu.memref_squeeze %dma_wait3A_52 : memref<1x128x128xf32, #tpu.memory_space<hbm>> -> memref<128x128xf32, #tpu.memory_space<hbm>>
      %dma_wait3A_54 = arith.constant 0 : i32
      %dma_wait3A_55 = tpu.memref_slice %arg4[%arg0, %add3A_38, %dma_wait3A_54] : memref<2x10240x128xf32, #tpu.memory_space<hbm>> -> memref<1x128x128xf32, #tpu.memory_space<hbm>>
      %dma_wait3A_56 = tpu.memref_squeeze %dma_wait3A_55 : memref<1x128x128xf32, #tpu.memory_space<hbm>> -> memref<128x128xf32, #tpu.memory_space<hbm>>
      tpu.wait_dma2 semaphore(%run_scoped3A : memref<!tpu.dma_semaphore, #tpu.memory_space<semaphore_mem>>) src(%arg6 : memref<128x128xf32, #tpu.memory_space<vmem>>) dst(%dma_wait3A_56 : memref<128x128xf32, #tpu.memory_space<hbm>>)
      tpu.yield
    }) : () -> ()
    %add3A_39 = arith.constant 384 : i32
    %add3A_40 = arith.addi %mul3A_2, %add3A_39 : i32
    "tpu.region"() ({
      %run_scoped3A = tpu.sem_alloc : memref<!tpu.dma_semaphore, #tpu.memory_space<semaphore_mem>>
      %dma_start3A = arith.constant 0 : i32
      %dma_start3A_47 = tpu.memref_slice %arg7[%add3A_40, %dma_start3A] : memref<10240x128xf32, #tpu.memory_space<vmem_shared>> -> memref<128x128xf32, #tpu.memory_space<vmem_shared>>
      %dma_start3A_48 = arith.constant 0 : i32
      %dma_start3A_49 = tpu.memref_slice %arg7[%add3A_40, %dma_start3A_48] : memref<10240x128xf32, #tpu.memory_space<vmem_shared>> -> memref<128x128xf32, #tpu.memory_space<vmem_shared>>
      tpu.enqueue_dma source(%dma_start3A_49 : memref<128x128xf32, #tpu.memory_space<vmem_shared>>) target(%arg6 : memref<128x128xf32, #tpu.memory_space<vmem>>) target_semaphore(%run_scoped3A : memref<!tpu.dma_semaphore, #tpu.memory_space<semaphore_mem>>)
      %dma_wait3A = arith.constant 0 : i32
      %dma_wait3A_50 = tpu.memref_slice %arg7[%add3A_40, %dma_wait3A] : memref<10240x128xf32, #tpu.memory_space<vmem_shared>> -> memref<128x128xf32, #tpu.memory_space<vmem_shared>>
      %dma_wait3A_51 = arith.constant 0 : i32
      %dma_wait3A_52 = tpu.memref_slice %arg7[%add3A_40, %dma_wait3A_51] : memref<10240x128xf32, #tpu.memory_space<vmem_shared>> -> memref<128x128xf32, #tpu.memory_space<vmem_shared>>
      tpu.wait_dma2 semaphore(%run_scoped3A : memref<!tpu.dma_semaphore, #tpu.memory_space<semaphore_mem>>) src(%dma_wait3A_52 : memref<128x128xf32, #tpu.memory_space<vmem_shared>>) dst(%arg6 : memref<128x128xf32, #tpu.memory_space<vmem>>)
      tpu.yield
    }) : () -> ()
    %add3A_41 = arith.constant 384 : i32
    %add3A_42 = arith.addi %mul3A_2, %add3A_41 : i32
    "tpu.region"() ({
      %run_scoped3A = tpu.sem_alloc : memref<!tpu.dma_semaphore, #tpu.memory_space<semaphore_mem>>
      %dma_start3A = arith.constant 0 : i32
      %dma_start3A_47 = tpu.memref_slice %arg4[%arg0, %add3A_42, %dma_start3A] : memref<2x10240x128xf32, #tpu.memory_space<hbm>> -> memref<1x128x128xf32, #tpu.memory_space<hbm>>
      %dma_start3A_48 = tpu.memref_squeeze %dma_start3A_47 : memref<1x128x128xf32, #tpu.memory_space<hbm>> -> memref<128x128xf32, #tpu.memory_space<hbm>>
      %dma_start3A_49 = arith.constant 0 : i32
      %dma_start3A_50 = tpu.memref_slice %arg4[%arg0, %add3A_42, %dma_start3A_49] : memref<2x10240x128xf32, #tpu.memory_space<hbm>> -> memref<1x128x128xf32, #tpu.memory_space<hbm>>
      %dma_start3A_51 = tpu.memref_squeeze %dma_start3A_50 : memref<1x128x128xf32, #tpu.memory_space<hbm>> -> memref<128x128xf32, #tpu.memory_space<hbm>>
      tpu.enqueue_dma source(%arg6 : memref<128x128xf32, #tpu.memory_space<vmem>>) target(%dma_start3A_51 : memref<128x128xf32, #tpu.memory_space<hbm>>) target_semaphore(%run_scoped3A : memref<!tpu.dma_semaphore, #tpu.memory_space<semaphore_mem>>)
      %dma_wait3A = arith.constant 0 : i32
      %dma_wait3A_52 = tpu.memref_slice %arg4[%arg0, %add3A_42, %dma_wait3A] : memref<2x10240x128xf32, #tpu.memory_space<hbm>> -> memref<1x128x128xf32, #tpu.memory_space<hbm>>
      %dma_wait3A_53 = tpu.memref_squeeze %dma_wait3A_52 : memref<1x128x128xf32, #tpu.memory_space<hbm>> -> memref<128x128xf32, #tpu.memory_space<hbm>>
      %dma_wait3A_54 = arith.constant 0 : i32
      %dma_wait3A_55 = tpu.memref_slice %arg4[%arg0, %add3A_42, %dma_wait3A_54] : memref<2x10240x128xf32, #tpu.memory_space<hbm>> -> memref<1x128x128xf32, #tpu.memory_space<hbm>>
      %dma_wait3A_56 = tpu.memref_squeeze %dma_wait3A_55 : memref<1x128x128xf32, #tpu.memory_space<hbm>> -> memref<128x128xf32, #tpu.memory_space<hbm>>
      tpu.wait_dma2 semaphore(%run_scoped3A : memref<!tpu.dma_semaphore, #tpu.memory_space<semaphore_mem>>) src(%arg6 : memref<128x128xf32, #tpu.memory_space<vmem>>) dst(%dma_wait3A_56 : memref<128x128xf32, #tpu.memory_space<hbm>>)
      tpu.yield
    }) : () -> ()
    %add3A_43 = arith.constant 512 : i32
    %add3A_44 = arith.addi %mul3A_2, %add3A_43 : i32
    "tpu.region"() ({
      %run_scoped3A = tpu.sem_alloc : memref<!tpu.dma_semaphore, #tpu.memory_space<semaphore_mem>>
      %dma_start3A = arith.constant 0 : i32
      %dma_start3A_47 = tpu.memref_slice %arg7[%add3A_44, %dma_start3A] : memref<10240x128xf32, #tpu.memory_space<vmem_shared>> -> memref<128x128xf32, #tpu.memory_space<vmem_shared>>
      %dma_start3A_48 = arith.constant 0 : i32
      %dma_start3A_49 = tpu.memref_slice %arg7[%add3A_44, %dma_start3A_48] : memref<10240x128xf32, #tpu.memory_space<vmem_shared>> -> memref<128x128xf32, #tpu.memory_space<vmem_shared>>
      tpu.enqueue_dma source(%dma_start3A_49 : memref<128x128xf32, #tpu.memory_space<vmem_shared>>) target(%arg6 : memref<128x128xf32, #tpu.memory_space<vmem>>) target_semaphore(%run_scoped3A : memref<!tpu.dma_semaphore, #tpu.memory_space<semaphore_mem>>)
      %dma_wait3A = arith.constant 0 : i32
      %dma_wait3A_50 = tpu.memref_slice %arg7[%add3A_44, %dma_wait3A] : memref<10240x128xf32, #tpu.memory_space<vmem_shared>> -> memref<128x128xf32, #tpu.memory_space<vmem_shared>>
      %dma_wait3A_51 = arith.constant 0 : i32
      %dma_wait3A_52 = tpu.memref_slice %arg7[%add3A_44, %dma_wait3A_51] : memref<10240x128xf32, #tpu.memory_space<vmem_shared>> -> memref<128x128xf32, #tpu.memory_space<vmem_shared>>
      tpu.wait_dma2 semaphore(%run_scoped3A : memref<!tpu.dma_semaphore, #tpu.memory_space<semaphore_mem>>) src(%dma_wait3A_52 : memref<128x128xf32, #tpu.memory_space<vmem_shared>>) dst(%arg6 : memref<128x128xf32, #tpu.memory_space<vmem>>)
      tpu.yield
    }) : () -> ()
    %add3A_45 = arith.constant 512 : i32
    %add3A_46 = arith.addi %mul3A_2, %add3A_45 : i32
    "tpu.region"() ({
      %run_scoped3A = tpu.sem_alloc : memref<!tpu.dma_semaphore, #tpu.memory_space<semaphore_mem>>
      %dma_start3A = arith.constant 0 : i32
      %dma_start3A_47 = tpu.memref_slice %arg4[%arg0, %add3A_46, %dma_start3A] : memref<2x10240x128xf32, #tpu.memory_space<hbm>> -> memref<1x128x128xf32, #tpu.memory_space<hbm>>
      %dma_start3A_48 = tpu.memref_squeeze %dma_start3A_47 : memref<1x128x128xf32, #tpu.memory_space<hbm>> -> memref<128x128xf32, #tpu.memory_space<hbm>>
      %dma_start3A_49 = arith.constant 0 : i32
      %dma_start3A_50 = tpu.memref_slice %arg4[%arg0, %add3A_46, %dma_start3A_49] : memref<2x10240x128xf32, #tpu.memory_space<hbm>> -> memref<1x128x128xf32, #tpu.memory_space<hbm>>
      %dma_start3A_51 = tpu.memref_squeeze %dma_start3A_50 : memref<1x128x128xf32, #tpu.memory_space<hbm>> -> memref<128x128xf32, #tpu.memory_space<hbm>>
      tpu.enqueue_dma source(%arg6 : memref<128x128xf32, #tpu.memory_space<vmem>>) target(%dma_start3A_51 : memref<128x128xf32, #tpu.memory_space<hbm>>) target_semaphore(%run_scoped3A : memref<!tpu.dma_semaphore, #tpu.memory_space<semaphore_mem>>)
      %dma_wait3A = arith.constant 0 : i32
      %dma_wait3A_52 = tpu.memref_slice %arg4[%arg0, %add3A_46, %dma_wait3A] : memref<2x10240x128xf32, #tpu.memory_space<hbm>> -> memref<1x128x128xf32, #tpu.memory_space<hbm>>
      %dma_wait3A_53 = tpu.memref_squeeze %dma_wait3A_52 : memref<1x128x128xf32, #tpu.memory_space<hbm>> -> memref<128x128xf32, #tpu.memory_space<hbm>>
      %dma_wait3A_54 = arith.constant 0 : i32
      %dma_wait3A_55 = tpu.memref_slice %arg4[%arg0, %add3A_46, %dma_wait3A_54] : memref<2x10240x128xf32, #tpu.memory_space<hbm>> -> memref<1x128x128xf32, #tpu.memory_space<hbm>>
      %dma_wait3A_56 = tpu.memref_squeeze %dma_wait3A_55 : memref<1x128x128xf32, #tpu.memory_space<hbm>> -> memref<128x128xf32, #tpu.memory_space<hbm>>
      tpu.wait_dma2 semaphore(%run_scoped3A : memref<!tpu.dma_semaphore, #tpu.memory_space<semaphore_mem>>) src(%arg6 : memref<128x128xf32, #tpu.memory_space<vmem>>) dst(%dma_wait3A_56 : memref<128x128xf32, #tpu.memory_space<hbm>>)
      tpu.yield
    }) : () -> ()
    return
  }
}

#map = affine_map<(d0, d1) -> (0, 0)>
#map1 = affine_map<(d0, d1) -> (0, 0, 0, 0)>
#map2 = affine_map<(d0, d1) -> (0, 0, 0)>
module attributes {stable_mosaic.version = 14 : i64} {
  func.func @body(%arg0: i32, %arg1: i32, %arg2: memref<10000x128xf32, #tpu.memory_space<hbm>>, %arg3: memref<32x79x2x128xi32, #tpu.memory_space<hbm>>, %arg4: memref<2x10240x128xf32, #tpu.memory_space<hbm>>, %arg5: memref<1x2x128xi32, #tpu.memory_space<vmem>>, %arg6: memref<128x128xf32, #tpu.memory_space<vmem>>, %arg7: memref<10240x128xf32, #tpu.memory_space<vmem_shared>>) attributes {dimension_semantics = [#tpu.dimension_semantics<core_parallel>, #tpu.dimension_semantics<subcore_parallel>], iteration_bounds = array<i64: 2, 16>, scalar_prefetch = 0 : i64, scratch_operands = 3 : i64, tpu.core_type = #tpu.core_type<sc_vector_subcore>, window_params = [{transform_indices = #map}, {transform_indices = #map1}, {transform_indices = #map2}]} {
    %mul3A = arith.constant 2 : i32
    %mul3A_0 = arith.muli %arg1, %mul3A : i32
    %add3A = arith.addi %mul3A_0, %arg0 : i32
    %mul3A_1 = arith.constant 640 : i32
    %mul3A_2 = arith.muli %arg1, %mul3A_1 : i32
    %scan3A = arith.constant 0 : i32
    %scan3A_3 = arith.constant 0 : i32
    %scan3A_4 = arith.constant 128 : i32
    %scan3A_5 = arith.addi %scan3A_3, %scan3A_4 : i32
    %scan3A_6 = arith.constant 1 : i32
    %scan3A_7 = scf.for %scan3A_47 = %scan3A_3 to %scan3A_5 step %scan3A_6 iter_args(%scan3A_48 = %scan3A) -> (i32)  : i32 {
      %broadcast_in_dim3A = arith.constant 0.000000e+00 : f32
      %broadcast_in_dim3A_49 = vector.broadcast %broadcast_in_dim3A : f32 to vector<16xf32>
      %swap3A = arith.index_cast %scan3A_47 : i32 to index
      %swap3A_50 = arith.constant 0 : index
      %swap3A_51 = tpu.vector_load %arg6[%swap3A, %swap3A_50] {strides = array<i32>} : memref<128x128xf32, #tpu.memory_space<vmem>>, vector<1x16xf32>,
      %swap3A_52 = vector.shape_cast %swap3A_51 : vector<1x16xf32> to vector<16xf32>
      %swap3A_53 = vector.shape_cast %broadcast_in_dim3A_49 : vector<16xf32> to vector<1x16xf32>
      tpu.vector_store %arg6[%swap3A, %swap3A_50], %swap3A_53 {strides = array<i32>} : memref<128x128xf32, #tpu.memory_space<vmem>>, vector<1x16xf32>,
      %broadcast_in_dim3A_54 = arith.constant 0.000000e+00 : f32
      %broadcast_in_dim3A_55 = vector.broadcast %broadcast_in_dim3A_54 : f32 to vector<16xf32>
      %swap3A_56 = arith.index_cast %scan3A_47 : i32 to index
      %swap3A_57 = arith.constant 16 : index
      %swap3A_58 = tpu.vector_load %arg6[%swap3A_56, %swap3A_57] {strides = array<i32>} : memref<128x128xf32, #tpu.memory_space<vmem>>, vector<1x16xf32>,
      %swap3A_59 = vector.shape_cast %swap3A_58 : vector<1x16xf32> to vector<16xf32>
      %swap3A_60 = vector.shape_cast %broadcast_in_dim3A_55 : vector<16xf32> to vector<1x16xf32>
      tpu.vector_store %arg6[%swap3A_56, %swap3A_57], %swap3A_60 {strides = array<i32>} : memref<128x128xf32, #tpu.memory_space<vmem>>, vector<1x16xf32>,
      %broadcast_in_dim3A_61 = arith.constant 0.000000e+00 : f32
      %broadcast_in_dim3A_62 = vector.broadcast %broadcast_in_dim3A_61 : f32 to vector<16xf32>
      %swap3A_63 = arith.index_cast %scan3A_47 : i32 to index
      %swap3A_64 = arith.constant 32 : index
      %swap3A_65 = tpu.vector_load %arg6[%swap3A_63, %swap3A_64] {strides = array<i32>} : memref<128x128xf32, #tpu.memory_space<vmem>>, vector<1x16xf32>,
      %swap3A_66 = vector.shape_cast %swap3A_65 : vector<1x16xf32> to vector<16xf32>
      %swap3A_67 = vector.shape_cast %broadcast_in_dim3A_62 : vector<16xf32> to vector<1x16xf32>
      tpu.vector_store %arg6[%swap3A_63, %swap3A_64], %swap3A_67 {strides = array<i32>} : memref<128x128xf32, #tpu.memory_space<vmem>>, vector<1x16xf32>,
      %broadcast_in_dim3A_68 = arith.constant 0.000000e+00 : f32
      %broadcast_in_dim3A_69 = vector.broadcast %broadcast_in_dim3A_68 : f32 to vector<16xf32>
      %swap3A_70 = arith.index_cast %scan3A_47 : i32 to index
      %swap3A_71 = arith.constant 48 : index
      %swap3A_72 = tpu.vector_load %arg6[%swap3A_70, %swap3A_71] {strides = array<i32>} : memref<128x128xf32, #tpu.memory_space<vmem>>, vector<1x16xf32>,
      %swap3A_73 = vector.shape_cast %swap3A_72 : vector<1x16xf32> to vector<16xf32>
      %swap3A_74 = vector.shape_cast %broadcast_in_dim3A_69 : vector<16xf32> to vector<1x16xf32>
      tpu.vector_store %arg6[%swap3A_70, %swap3A_71], %swap3A_74 {strides = array<i32>} : memref<128x128xf32, #tpu.memory_space<vmem>>, vector<1x16xf32>,
      %broadcast_in_dim3A_75 = arith.constant 0.000000e+00 : f32
      %broadcast_in_dim3A_76 = vector.broadcast %broadcast_in_dim3A_75 : f32 to vector<16xf32>
      %swap3A_77 = arith.index_cast %scan3A_47 : i32 to index
      %swap3A_78 = arith.constant 64 : index
      %swap3A_79 = tpu.vector_load %arg6[%swap3A_77, %swap3A_78] {strides = array<i32>} : memref<128x128xf32, #tpu.memory_space<vmem>>, vector<1x16xf32>,
      %swap3A_80 = vector.shape_cast %swap3A_79 : vector<1x16xf32> to vector<16xf32>
      %swap3A_81 = vector.shape_cast %broadcast_in_dim3A_76 : vector<16xf32> to vector<1x16xf32>
      tpu.vector_store %arg6[%swap3A_77, %swap3A_78], %swap3A_81 {strides = array<i32>} : memref<128x128xf32, #tpu.memory_space<vmem>>, vector<1x16xf32>,
      %broadcast_in_dim3A_82 = arith.constant 0.000000e+00 : f32
      %broadcast_in_dim3A_83 = vector.broadcast %broadcast_in_dim3A_82 : f32 to vector<16xf32>
      %swap3A_84 = arith.index_cast %scan3A_47 : i32 to index
      %swap3A_85 = arith.constant 80 : index
      %swap3A_86 = tpu.vector_load %arg6[%swap3A_84, %swap3A_85] {strides = array<i32>} : memref<128x128xf32, #tpu.memory_space<vmem>>, vector<1x16xf32>,
      %swap3A_87 = vector.shape_cast %swap3A_86 : vector<1x16xf32> to vector<16xf32>
      %swap3A_88 = vector.shape_cast %broadcast_in_dim3A_83 : vector<16xf32> to vector<1x16xf32>
      tpu.vector_store %arg6[%swap3A_84, %swap3A_85], %swap3A_88 {strides = array<i32>} : memref<128x128xf32, #tpu.memory_space<vmem>>, vector<1x16xf32>,
      %broadcast_in_dim3A_89 = arith.constant 0.000000e+00 : f32
      %broadcast_in_dim3A_90 = vector.broadcast %broadcast_in_dim3A_89 : f32 to vector<16xf32>
      %swap3A_91 = arith.index_cast %scan3A_47 : i32 to index
      %swap3A_92 = arith.constant 96 : index
      %swap3A_93 = tpu.vector_load %arg6[%swap3A_91, %swap3A_92] {strides = array<i32>} : memref<128x128xf32, #tpu.memory_space<vmem>>, vector<1x16xf32>,
      %swap3A_94 = vector.shape_cast %swap3A_93 : vector<1x16xf32> to vector<16xf32>
      %swap3A_95 = vector.shape_cast %broadcast_in_dim3A_90 : vector<16xf32> to vector<1x16xf32>
      tpu.vector_store %arg6[%swap3A_91, %swap3A_92], %swap3A_95 {strides = array<i32>} : memref<128x128xf32, #tpu.memory_space<vmem>>, vector<1x16xf32>,
      %broadcast_in_dim3A_96 = arith.constant 0.000000e+00 : f32
      %broadcast_in_dim3A_97 = vector.broadcast %broadcast_in_dim3A_96 : f32 to vector<16xf32>
      %swap3A_98 = arith.index_cast %scan3A_47 : i32 to index
      %swap3A_99 = arith.constant 112 : index
      %swap3A_100 = tpu.vector_load %arg6[%swap3A_98, %swap3A_99] {strides = array<i32>} : memref<128x128xf32, #tpu.memory_space<vmem>>, vector<1x16xf32>,
      %swap3A_101 = vector.shape_cast %swap3A_100 : vector<1x16xf32> to vector<16xf32>
      %swap3A_102 = vector.shape_cast %broadcast_in_dim3A_97 : vector<16xf32> to vector<1x16xf32>
      tpu.vector_store %arg6[%swap3A_98, %swap3A_99], %swap3A_102 {strides = array<i32>} : memref<128x128xf32, #tpu.memory_space<vmem>>, vector<1x16xf32>,
      %scan3A_103 = arith.constant 0 : i32
      scf.yield %scan3A_103 : i32
    }
    %scan3A_8 = arith.constant 128 : i32
    %add3A_9 = arith.constant 0 : i32
    %add3A_10 = arith.addi %mul3A_2, %add3A_9 : i32
    "tpu.region"() ({
      %run_scoped3A = tpu.sem_alloc : memref<!tpu.dma_semaphore, #tpu.memory_space<semaphore_mem>>
      %dma_start3A = arith.constant 0 : i32
      %dma_start3A_47 = tpu.memref_slice %arg7[%add3A_10, %dma_start3A] : memref<10240x128xf32, #tpu.memory_space<vmem_shared>> -> memref<128x128xf32, #tpu.memory_space<vmem_shared>>
      %dma_start3A_48 = arith.constant 0 : i32
      %dma_start3A_49 = tpu.memref_slice %arg7[%add3A_10, %dma_start3A_48] : memref<10240x128xf32, #tpu.memory_space<vmem_shared>> -> memref<128x128xf32, #tpu.memory_space<vmem_shared>>
      tpu.enqueue_dma source(%arg6 : memref<128x128xf32, #tpu.memory_space<vmem>>) target(%dma_start3A_49 : memref<128x128xf32, #tpu.memory_space<vmem_shared>>) target_semaphore(%run_scoped3A : memref<!tpu.dma_semaphore, #tpu.memory_space<semaphore_mem>>)
      %dma_wait3A = arith.constant 0 : i32
      %dma_wait3A_50 = tpu.memref_slice %arg7[%add3A_10, %dma_wait3A] : memref<10240x128xf32, #tpu.memory_space<vmem_shared>> -> memref<128x128xf32, #tpu.memory_space<vmem_shared>>
      %dma_wait3A_51 = arith.constant 0 : i32
      %dma_wait3A_52 = tpu.memref_slice %arg7[%add3A_10, %dma_wait3A_51] : memref<10240x128xf32, #tpu.memory_space<vmem_shared>> -> memref<128x128xf32, #tpu.memory_space<vmem_shared>>
      tpu.wait_dma2 semaphore(%run_scoped3A : memref<!tpu.dma_semaphore, #tpu.memory_space<semaphore_mem>>) src(%arg6 : memref<128x128xf32, #tpu.memory_space<vmem>>) dst(%dma_wait3A_52 : memref<128x128xf32, #tpu.memory_space<vmem_shared>>)
      tpu.yield
    }) : () -> ()
    %add3A_11 = arith.constant 128 : i32
    %add3A_12 = arith.addi %mul3A_2, %add3A_11 : i32
    "tpu.region"() ({
      %run_scoped3A = tpu.sem_alloc : memref<!tpu.dma_semaphore, #tpu.memory_space<semaphore_mem>>
      %dma_start3A = arith.constant 0 : i32
      %dma_start3A_47 = tpu.memref_slice %arg7[%add3A_12, %dma_start3A] : memref<10240x128xf32, #tpu.memory_space<vmem_shared>> -> memref<128x128xf32, #tpu.memory_space<vmem_shared>>
      %dma_start3A_48 = arith.constant 0 : i32
      %dma_start3A_49 = tpu.memref_slice %arg7[%add3A_12, %dma_start3A_48] : memref<10240x128xf32, #tpu.memory_space<vmem_shared>> -> memref<128x128xf32, #tpu.memory_space<vmem_shared>>
      tpu.enqueue_dma source(%arg6 : memref<128x128xf32, #tpu.memory_space<vmem>>) target(%dma_start3A_49 : memref<128x128xf32, #tpu.memory_space<vmem_shared>>) target_semaphore(%run_scoped3A : memref<!tpu.dma_semaphore, #tpu.memory_space<semaphore_mem>>)
      %dma_wait3A = arith.constant 0 : i32
      %dma_wait3A_50 = tpu.memref_slice %arg7[%add3A_12, %dma_wait3A] : memref<10240x128xf32, #tpu.memory_space<vmem_shared>> -> memref<128x128xf32, #tpu.memory_space<vmem_shared>>
      %dma_wait3A_51 = arith.constant 0 : i32
      %dma_wait3A_52 = tpu.memref_slice %arg7[%add3A_12, %dma_wait3A_51] : memref<10240x128xf32, #tpu.memory_space<vmem_shared>> -> memref<128x128xf32, #tpu.memory_space<vmem_shared>>
      tpu.wait_dma2 semaphore(%run_scoped3A : memref<!tpu.dma_semaphore, #tpu.memory_space<semaphore_mem>>) src(%arg6 : memref<128x128xf32, #tpu.memory_space<vmem>>) dst(%dma_wait3A_52 : memref<128x128xf32, #tpu.memory_space<vmem_shared>>)
      tpu.yield
    }) : () -> ()
    %add3A_13 = arith.constant 256 : i32
    %add3A_14 = arith.addi %mul3A_2, %add3A_13 : i32
    "tpu.region"() ({
      %run_scoped3A = tpu.sem_alloc : memref<!tpu.dma_semaphore, #tpu.memory_space<semaphore_mem>>
      %dma_start3A = arith.constant 0 : i32
      %dma_start3A_47 = tpu.memref_slice %arg7[%add3A_14, %dma_start3A] : memref<10240x128xf32, #tpu.memory_space<vmem_shared>> -> memref<128x128xf32, #tpu.memory_space<vmem_shared>>
      %dma_start3A_48 = arith.constant 0 : i32
      %dma_start3A_49 = tpu.memref_slice %arg7[%add3A_14, %dma_start3A_48] : memref<10240x128xf32, #tpu.memory_space<vmem_shared>> -> memref<128x128xf32, #tpu.memory_space<vmem_shared>>
      tpu.enqueue_dma source(%arg6 : memref<128x128xf32, #tpu.memory_space<vmem>>) target(%dma_start3A_49 : memref<128x128xf32, #tpu.memory_space<vmem_shared>>) target_semaphore(%run_scoped3A : memref<!tpu.dma_semaphore, #tpu.memory_space<semaphore_mem>>)
      %dma_wait3A = arith.constant 0 : i32
      %dma_wait3A_50 = tpu.memref_slice %arg7[%add3A_14, %dma_wait3A] : memref<10240x128xf32, #tpu.memory_space<vmem_shared>> -> memref<128x128xf32, #tpu.memory_space<vmem_shared>>
      %dma_wait3A_51 = arith.constant 0 : i32
      %dma_wait3A_52 = tpu.memref_slice %arg7[%add3A_14, %dma_wait3A_51] : memref<10240x128xf32, #tpu.memory_space<vmem_shared>> -> memref<128x128xf32, #tpu.memory_space<vmem_shared>>
      tpu.wait_dma2 semaphore(%run_scoped3A : memref<!tpu.dma_semaphore, #tpu.memory_space<semaphore_mem>>) src(%arg6 : memref<128x128xf32, #tpu.memory_space<vmem>>) dst(%dma_wait3A_52 : memref<128x128xf32, #tpu.memory_space<vmem_shared>>)
      tpu.yield
    }) : () -> ()
    %add3A_15 = arith.constant 384 : i32
    %add3A_16 = arith.addi %mul3A_2, %add3A_15 : i32
    "tpu.region"() ({
      %run_scoped3A = tpu.sem_alloc : memref<!tpu.dma_semaphore, #tpu.memory_space<semaphore_mem>>
      %dma_start3A = arith.constant 0 : i32
      %dma_start3A_47 = tpu.memref_slice %arg7[%add3A_16, %dma_start3A] : memref<10240x128xf32, #tpu.memory_space<vmem_shared>> -> memref<128x128xf32, #tpu.memory_space<vmem_shared>>
      %dma_start3A_48 = arith.constant 0 : i32
      %dma_start3A_49 = tpu.memref_slice %arg7[%add3A_16, %dma_start3A_48] : memref<10240x128xf32, #tpu.memory_space<vmem_shared>> -> memref<128x128xf32, #tpu.memory_space<vmem_shared>>
      tpu.enqueue_dma source(%arg6 : memref<128x128xf32, #tpu.memory_space<vmem>>) target(%dma_start3A_49 : memref<128x128xf32, #tpu.memory_space<vmem_shared>>) target_semaphore(%run_scoped3A : memref<!tpu.dma_semaphore, #tpu.memory_space<semaphore_mem>>)
      %dma_wait3A = arith.constant 0 : i32
      %dma_wait3A_50 = tpu.memref_slice %arg7[%add3A_16, %dma_wait3A] : memref<10240x128xf32, #tpu.memory_space<vmem_shared>> -> memref<128x128xf32, #tpu.memory_space<vmem_shared>>
      %dma_wait3A_51 = arith.constant 0 : i32
      %dma_wait3A_52 = tpu.memref_slice %arg7[%add3A_16, %dma_wait3A_51] : memref<10240x128xf32, #tpu.memory_space<vmem_shared>> -> memref<128x128xf32, #tpu.memory_space<vmem_shared>>
      tpu.wait_dma2 semaphore(%run_scoped3A : memref<!tpu.dma_semaphore, #tpu.memory_space<semaphore_mem>>) src(%arg6 : memref<128x128xf32, #tpu.memory_space<vmem>>) dst(%dma_wait3A_52 : memref<128x128xf32, #tpu.memory_space<vmem_shared>>)
      tpu.yield
    }) : () -> ()
    %add3A_17 = arith.constant 512 : i32
    %add3A_18 = arith.addi %mul3A_2, %add3A_17 : i32
    "tpu.region"() ({
      %run_scoped3A = tpu.sem_alloc : memref<!tpu.dma_semaphore, #tpu.memory_space<semaphore_mem>>
      %dma_start3A = arith.constant 0 : i32
      %dma_start3A_47 = tpu.memref_slice %arg7[%add3A_18, %dma_start3A] : memref<10240x128xf32, #tpu.memory_space<vmem_shared>> -> memref<128x128xf32, #tpu.memory_space<vmem_shared>>
      %dma_start3A_48 = arith.constant 0 : i32
      %dma_start3A_49 = tpu.memref_slice %arg7[%add3A_18, %dma_start3A_48] : memref<10240x128xf32, #tpu.memory_space<vmem_shared>> -> memref<128x128xf32, #tpu.memory_space<vmem_shared>>
      tpu.enqueue_dma source(%arg6 : memref<128x128xf32, #tpu.memory_space<vmem>>) target(%dma_start3A_49 : memref<128x128xf32, #tpu.memory_space<vmem_shared>>) target_semaphore(%run_scoped3A : memref<!tpu.dma_semaphore, #tpu.memory_space<semaphore_mem>>)
      %dma_wait3A = arith.constant 0 : i32
      %dma_wait3A_50 = tpu.memref_slice %arg7[%add3A_18, %dma_wait3A] : memref<10240x128xf32, #tpu.memory_space<vmem_shared>> -> memref<128x128xf32, #tpu.memory_space<vmem_shared>>
      %dma_wait3A_51 = arith.constant 0 : i32
      %dma_wait3A_52 = tpu.memref_slice %arg7[%add3A_18, %dma_wait3A_51] : memref<10240x128xf32, #tpu.memory_space<vmem_shared>> -> memref<128x128xf32, #tpu.memory_space<vmem_shared>>
      tpu.wait_dma2 semaphore(%run_scoped3A : memref<!tpu.dma_semaphore, #tpu.memory_space<semaphore_mem>>) src(%arg6 : memref<128x128xf32, #tpu.memory_space<vmem>>) dst(%dma_wait3A_52 : memref<128x128xf32, #tpu.memory_space<vmem_shared>>)
      tpu.yield
    }) : () -> ()
    %barrier3A = arith.constant 0 : index
    tpu.barrier barrier_id(%barrier3A)
    %scan3A_19 = arith.constant 0 : i32
    %scan3A_20 = arith.constant 0 : i32
    %scan3A_21 = arith.constant 79 : i32
    %scan3A_22 = arith.addi %scan3A_20, %scan3A_21 : i32
    %scan3A_23 = arith.constant 1 : i32
    %scan3A_24 = scf.for %scan3A_47 = %scan3A_20 to %scan3A_22 step %scan3A_23 iter_args(%scan3A_48 = %scan3A_19) -> (i32)  : i32 {
      "tpu.region"() ({
        %run_scoped3A_53 = tpu.sem_alloc : memref<!tpu.dma_semaphore, #tpu.memory_space<semaphore_mem>>
        %dma_start3A = arith.constant 0 : i32
        %dma_start3A_54 = arith.constant 0 : i32
        %dma_start3A_55 = tpu.memref_slice %arg3[%add3A, %scan3A_47, %dma_start3A, %dma_start3A_54] : memref<32x79x2x128xi32, #tpu.memory_space<hbm>> -> memref<1x1x2x128xi32, #tpu.memory_space<hbm>>
        %dma_start3A_56 = tpu.memref_squeeze %dma_start3A_55 : memref<1x1x2x128xi32, #tpu.memory_space<hbm>> -> memref<1x2x128xi32, #tpu.memory_space<hbm>>
        %dma_start3A_57 = arith.constant 0 : i32
        %dma_start3A_58 = arith.constant 0 : i32
        %dma_start3A_59 = tpu.memref_slice %arg3[%add3A, %scan3A_47, %dma_start3A_57, %dma_start3A_58] : memref<32x79x2x128xi32, #tpu.memory_space<hbm>> -> memref<1x1x2x128xi32, #tpu.memory_space<hbm>>
        %dma_start3A_60 = tpu.memref_squeeze %dma_start3A_59 : memref<1x1x2x128xi32, #tpu.memory_space<hbm>> -> memref<1x2x128xi32, #tpu.memory_space<hbm>>
        tpu.enqueue_dma source(%dma_start3A_60 : memref<1x2x128xi32, #tpu.memory_space<hbm>>) target(%arg5 : memref<1x2x128xi32, #tpu.memory_space<vmem>>) target_semaphore(%run_scoped3A_53 : memref<!tpu.dma_semaphore, #tpu.memory_space<semaphore_mem>>)
        %dma_wait3A = arith.constant 0 : i32
        %dma_wait3A_61 = arith.constant 0 : i32
        %dma_wait3A_62 = tpu.memref_slice %arg3[%add3A, %scan3A_47, %dma_wait3A, %dma_wait3A_61] : memref<32x79x2x128xi32, #tpu.memory_space<hbm>> -> memref<1x1x2x128xi32, #tpu.memory_space<hbm>>
        %dma_wait3A_63 = tpu.memref_squeeze %dma_wait3A_62 : memref<1x1x2x128xi32, #tpu.memory_space<hbm>> -> memref<1x2x128xi32, #tpu.memory_space<hbm>>
        %dma_wait3A_64 = arith.constant 0 : i32
        %dma_wait3A_65 = arith.constant 0 : i32
        %dma_wait3A_66 = tpu.memref_slice %arg3[%add3A, %scan3A_47, %dma_wait3A_64, %dma_wait3A_65] : memref<32x79x2x128xi32, #tpu.memory_space<hbm>> -> memref<1x1x2x128xi32, #tpu.memory_space<hbm>>
        %dma_wait3A_67 = tpu.memref_squeeze %dma_wait3A_66 : memref<1x1x2x128xi32, #tpu.memory_space<hbm>> -> memref<1x2x128xi32, #tpu.memory_space<hbm>>
        tpu.wait_dma2 semaphore(%run_scoped3A_53 : memref<!tpu.dma_semaphore, #tpu.memory_space<semaphore_mem>>) src(%dma_wait3A_67 : memref<1x2x128xi32, #tpu.memory_space<hbm>>) dst(%arg5 : memref<1x2x128xi32, #tpu.memory_space<vmem>>)
        tpu.yield
      }) : () -> ()
      %run_scoped3A = arith.constant 0 : i32
      %run_scoped3A_49 = arith.constant 0 : i32
      "tpu.region"() ({
        %run_scoped3A_53 = tpu.sem_alloc : memref<!tpu.dma_semaphore, #tpu.memory_space<semaphore_mem>>
        %dma_start3A = arith.constant 0 : i32
        %dma_start3A_54 = tpu.memref_slice %arg5[%run_scoped3A, %run_scoped3A_49, %dma_start3A] : memref<1x2x128xi32, #tpu.memory_space<vmem>> -> memref<1x1x128xi32, #tpu.memory_space<vmem>>
        %dma_start3A_55 = tpu.memref_squeeze %dma_start3A_54 : memref<1x1x128xi32, #tpu.memory_space<vmem>> -> memref<128xi32, #tpu.memory_space<vmem>>
        %dma_start3A_56 = arith.constant 0 : i32
        %dma_start3A_57 = arith.constant 0 : i32
        %dma_start3A_58 = tpu.memref_slice %arg2[%dma_start3A_56, %dma_start3A_57] : memref<10000x128xf32, #tpu.memory_space<hbm>> -> memref<10000x128xf32, #tpu.memory_space<hbm>>
        tpu.enqueue_indirect_dma source(%dma_start3A_58 : memref<10000x128xf32, #tpu.memory_space<hbm>>) target(%arg6 : memref<128x128xf32, #tpu.memory_space<vmem>>) offsets(%dma_start3A_55 : memref<128xi32, #tpu.memory_space<vmem>>) semaphore(%run_scoped3A_53 : memref<!tpu.dma_semaphore, #tpu.memory_space<semaphore_mem>>)
        %dma_wait3A = arith.constant 0 : i32
        %dma_wait3A_59 = tpu.memref_slice %arg5[%run_scoped3A, %run_scoped3A_49, %dma_wait3A] : memref<1x2x128xi32, #tpu.memory_space<vmem>> -> memref<1x1x128xi32, #tpu.memory_space<vmem>>
        %dma_wait3A_60 = tpu.memref_squeeze %dma_wait3A_59 : memref<1x1x128xi32, #tpu.memory_space<vmem>> -> memref<128xi32, #tpu.memory_space<vmem>>
        %dma_wait3A_61 = arith.constant 0 : i32
        %dma_wait3A_62 = arith.constant 0 : i32
        %dma_wait3A_63 = tpu.memref_slice %arg2[%dma_wait3A_61, %dma_wait3A_62] : memref<10000x128xf32, #tpu.memory_space<hbm>> -> memref<10000x128xf32, #tpu.memory_space<hbm>>
        tpu.wait_indirect_dma semaphore(%run_scoped3A_53 : memref<!tpu.dma_semaphore, #tpu.memory_space<semaphore_mem>>) src(%dma_wait3A_63 : memref<10000x128xf32, #tpu.memory_space<hbm>>) dst(%arg6 : memref<128x128xf32, #tpu.memory_space<vmem>>)
        tpu.yield
      }) : () -> ()
      %run_scoped3A_50 = arith.constant 0 : i32
      %run_scoped3A_51 = arith.constant 1 : i32
      "tpu.region"() ({
        %run_scoped3A_53 = tpu.sem_alloc : memref<!tpu.dma_semaphore, #tpu.memory_space<semaphore_mem>>
        %dma_start3A = arith.constant 0 : i32
        %dma_start3A_54 = tpu.memref_slice %arg5[%run_scoped3A_50, %run_scoped3A_51, %dma_start3A] : memref<1x2x128xi32, #tpu.memory_space<vmem>> -> memref<1x1x128xi32, #tpu.memory_space<vmem>>
        %dma_start3A_55 = tpu.memref_squeeze %dma_start3A_54 : memref<1x1x128xi32, #tpu.memory_space<vmem>> -> memref<128xi32, #tpu.memory_space<vmem>>
        %dma_start3A_56 = arith.constant 0 : i32
        %dma_start3A_57 = arith.constant 0 : i32
        %dma_start3A_58 = tpu.memref_slice %arg7[%dma_start3A_56, %dma_start3A_57] : memref<10240x128xf32, #tpu.memory_space<vmem_shared>> -> memref<10240x128xf32, #tpu.memory_space<vmem_shared>>
        tpu.enqueue_indirect_dma source(%arg6 : memref<128x128xf32, #tpu.memory_space<vmem>>) target(%dma_start3A_58 : memref<10240x128xf32, #tpu.memory_space<vmem_shared>>) offsets(%dma_start3A_55 : memref<128xi32, #tpu.memory_space<vmem>>) semaphore(%run_scoped3A_53 : memref<!tpu.dma_semaphore, #tpu.memory_space<semaphore_mem>>) {add = true}
        %dma_wait3A = arith.constant 0 : i32
        %dma_wait3A_59 = tpu.memref_slice %arg5[%run_scoped3A_50, %run_scoped3A_51, %dma_wait3A] : memref<1x2x128xi32, #tpu.memory_space<vmem>> -> memref<1x1x128xi32, #tpu.memory_space<vmem>>
        %dma_wait3A_60 = tpu.memref_squeeze %dma_wait3A_59 : memref<1x1x128xi32, #tpu.memory_space<vmem>> -> memref<128xi32, #tpu.memory_space<vmem>>
        %dma_wait3A_61 = arith.constant 0 : i32
        %dma_wait3A_62 = arith.constant 0 : i32
        %dma_wait3A_63 = tpu.memref_slice %arg7[%dma_wait3A_61, %dma_wait3A_62] : memref<10240x128xf32, #tpu.memory_space<vmem_shared>> -> memref<10240x128xf32, #tpu.memory_space<vmem_shared>>
        tpu.wait_indirect_dma semaphore(%run_scoped3A_53 : memref<!tpu.dma_semaphore, #tpu.memory_space<semaphore_mem>>) src(%arg6 : memref<128x128xf32, #tpu.memory_space<vmem>>) dst(%dma_wait3A_63 : memref<10240x128xf32, #tpu.memory_space<vmem_shared>>)
        tpu.yield
      }) : () -> ()
      %scan3A_52 = arith.constant 0 : i32
      scf.yield %scan3A_52 : i32
    }
    %scan3A_25 = arith.constant 79 : i32
    %barrier3A_26 = arith.constant 0 : index
    tpu.barrier barrier_id(%barrier3A_26)
    %add3A_27 = arith.constant 0 : i32
    %add3A_28 = arith.addi %mul3A_2, %add3A_27 : i32
    "tpu.region"() ({
      %run_scoped3A = tpu.sem_alloc : memref<!tpu.dma_semaphore, #tpu.memory_space<semaphore_mem>>
      %dma_start3A = arith.constant 0 : i32
      %dma_start3A_47 = tpu.memref_slice %arg7[%add3A_28, %dma_start3A] : memref<10240x128xf32, #tpu.memory_space<vmem_shared>> -> memref<128x128xf32, #tpu.memory_space<vmem_shared>>
      %dma_start3A_48 = arith.constant 0 : i32
      %dma_start3A_49 = tpu.memref_slice %arg7[%add3A_28, %dma_start3A_48] : memref<10240x128xf32, #tpu.memory_space<vmem_shared>> -> memref<128x128xf32, #tpu.memory_space<vmem_shared>>
      tpu.enqueue_dma source(%dma_start3A_49 : memref<128x128xf32, #tpu.memory_space<vmem_shared>>) target(%arg6 : memref<128x128xf32, #tpu.memory_space<vmem>>) target_semaphore(%run_scoped3A : memref<!tpu.dma_semaphore, #tpu.memory_space<semaphore_mem>>)
      %dma_wait3A = arith.constant 0 : i32
      %dma_wait3A_50 = tpu.memref_slice %arg7[%add3A_28, %dma_wait3A] : memref<10240x128xf32, #tpu.memory_space<vmem_shared>> -> memref<128x128xf32, #tpu.memory_space<vmem_shared>>
      %dma_wait3A_51 = arith.constant 0 : i32
      %dma_wait3A_52 = tpu.memref_slice %arg7[%add3A_28, %dma_wait3A_51] : memref<10240x128xf32, #tpu.memory_space<vmem_shared>> -> memref<128x128xf32, #tpu.memory_space<vmem_shared>>
      tpu.wait_dma2 semaphore(%run_scoped3A : memref<!tpu.dma_semaphore, #tpu.memory_space<semaphore_mem>>) src(%dma_wait3A_52 : memref<128x128xf32, #tpu.memory_space<vmem_shared>>) dst(%arg6 : memref<128x128xf32, #tpu.memory_space<vmem>>)
      tpu.yield
    }) : () -> ()
    %add3A_29 = arith.constant 0 : i32
    %add3A_30 = arith.addi %mul3A_2, %add3A_29 : i32
    "tpu.region"() ({
      %run_scoped3A = tpu.sem_alloc : memref<!tpu.dma_semaphore, #tpu.memory_space<semaphore_mem>>
      %dma_start3A = arith.constant 0 : i32
      %dma_start3A_47 = tpu.memref_slice %arg4[%arg0, %add3A_30, %dma_start3A] : memref<2x10240x128xf32, #tpu.memory_space<hbm>> -> memref<1x128x128xf32, #tpu.memory_space<hbm>>
      %dma_start3A_48 = tpu.memref_squeeze %dma_start3A_47 : memref<1x128x128xf32, #tpu.memory_space<hbm>> -> memref<128x128xf32, #tpu.memory_space<hbm>>
      %dma_start3A_49 = arith.constant 0 : i32
      %dma_start3A_50 = tpu.memref_slice %arg4[%arg0, %add3A_30, %dma_start3A_49] : memref<2x10240x128xf32, #tpu.memory_space<hbm>> -> memref<1x128x128xf32, #tpu.memory_space<hbm>>
      %dma_start3A_51 = tpu.memref_squeeze %dma_start3A_50 : memref<1x128x128xf32, #tpu.memory_space<hbm>> -> memref<128x128xf32, #tpu.memory_space<hbm>>
      tpu.enqueue_dma source(%arg6 : memref<128x128xf32, #tpu.memory_space<vmem>>) target(%dma_start3A_51 : memref<128x128xf32, #tpu.memory_space<hbm>>) target_semaphore(%run_scoped3A : memref<!tpu.dma_semaphore, #tpu.memory_space<semaphore_mem>>)
      %dma_wait3A = arith.constant 0 : i32
      %dma_wait3A_52 = tpu.memref_slice %arg4[%arg0, %add3A_30, %dma_wait3A] : memref<2x10240x128xf32, #tpu.memory_space<hbm>> -> memref<1x128x128xf32, #tpu.memory_space<hbm>>
      %dma_wait3A_53 = tpu.memref_squeeze %dma_wait3A_52 : memref<1x128x128xf32, #tpu.memory_space<hbm>> -> memref<128x128xf32, #tpu.memory_space<hbm>>
      %dma_wait3A_54 = arith.constant 0 : i32
      %dma_wait3A_55 = tpu.memref_slice %arg4[%arg0, %add3A_30, %dma_wait3A_54] : memref<2x10240x128xf32, #tpu.memory_space<hbm>> -> memref<1x128x128xf32, #tpu.memory_space<hbm>>
      %dma_wait3A_56 = tpu.memref_squeeze %dma_wait3A_55 : memref<1x128x128xf32, #tpu.memory_space<hbm>> -> memref<128x128xf32, #tpu.memory_space<hbm>>
      tpu.wait_dma2 semaphore(%run_scoped3A : memref<!tpu.dma_semaphore, #tpu.memory_space<semaphore_mem>>) src(%arg6 : memref<128x128xf32, #tpu.memory_space<vmem>>) dst(%dma_wait3A_56 : memref<128x128xf32, #tpu.memory_space<hbm>>)
      tpu.yield
    }) : () -> ()
    %add3A_31 = arith.constant 128 : i32
    %add3A_32 = arith.addi %mul3A_2, %add3A_31 : i32
    "tpu.region"() ({
      %run_scoped3A = tpu.sem_alloc : memref<!tpu.dma_semaphore, #tpu.memory_space<semaphore_mem>>
      %dma_start3A = arith.constant 0 : i32
      %dma_start3A_47 = tpu.memref_slice %arg7[%add3A_32, %dma_start3A] : memref<10240x128xf32, #tpu.memory_space<vmem_shared>> -> memref<128x128xf32, #tpu.memory_space<vmem_shared>>
      %dma_start3A_48 = arith.constant 0 : i32
      %dma_start3A_49 = tpu.memref_slice %arg7[%add3A_32, %dma_start3A_48] : memref<10240x128xf32, #tpu.memory_space<vmem_shared>> -> memref<128x128xf32, #tpu.memory_space<vmem_shared>>
      tpu.enqueue_dma source(%dma_start3A_49 : memref<128x128xf32, #tpu.memory_space<vmem_shared>>) target(%arg6 : memref<128x128xf32, #tpu.memory_space<vmem>>) target_semaphore(%run_scoped3A : memref<!tpu.dma_semaphore, #tpu.memory_space<semaphore_mem>>)
      %dma_wait3A = arith.constant 0 : i32
      %dma_wait3A_50 = tpu.memref_slice %arg7[%add3A_32, %dma_wait3A] : memref<10240x128xf32, #tpu.memory_space<vmem_shared>> -> memref<128x128xf32, #tpu.memory_space<vmem_shared>>
      %dma_wait3A_51 = arith.constant 0 : i32
      %dma_wait3A_52 = tpu.memref_slice %arg7[%add3A_32, %dma_wait3A_51] : memref<10240x128xf32, #tpu.memory_space<vmem_shared>> -> memref<128x128xf32, #tpu.memory_space<vmem_shared>>
      tpu.wait_dma2 semaphore(%run_scoped3A : memref<!tpu.dma_semaphore, #tpu.memory_space<semaphore_mem>>) src(%dma_wait3A_52 : memref<128x128xf32, #tpu.memory_space<vmem_shared>>) dst(%arg6 : memref<128x128xf32, #tpu.memory_space<vmem>>)
      tpu.yield
    }) : () -> ()
    %add3A_33 = arith.constant 128 : i32
    %add3A_34 = arith.addi %mul3A_2, %add3A_33 : i32
    "tpu.region"() ({
      %run_scoped3A = tpu.sem_alloc : memref<!tpu.dma_semaphore, #tpu.memory_space<semaphore_mem>>
      %dma_start3A = arith.constant 0 : i32
      %dma_start3A_47 = tpu.memref_slice %arg4[%arg0, %add3A_34, %dma_start3A] : memref<2x10240x128xf32, #tpu.memory_space<hbm>> -> memref<1x128x128xf32, #tpu.memory_space<hbm>>
      %dma_start3A_48 = tpu.memref_squeeze %dma_start3A_47 : memref<1x128x128xf32, #tpu.memory_space<hbm>> -> memref<128x128xf32, #tpu.memory_space<hbm>>
      %dma_start3A_49 = arith.constant 0 : i32
      %dma_start3A_50 = tpu.memref_slice %arg4[%arg0, %add3A_34, %dma_start3A_49] : memref<2x10240x128xf32, #tpu.memory_space<hbm>> -> memref<1x128x128xf32, #tpu.memory_space<hbm>>
      %dma_start3A_51 = tpu.memref_squeeze %dma_start3A_50 : memref<1x128x128xf32, #tpu.memory_space<hbm>> -> memref<128x128xf32, #tpu.memory_space<hbm>>
      tpu.enqueue_dma source(%arg6 : memref<128x128xf32, #tpu.memory_space<vmem>>) target(%dma_start3A_51 : memref<128x128xf32, #tpu.memory_space<hbm>>) target_semaphore(%run_scoped3A : memref<!tpu.dma_semaphore, #tpu.memory_space<semaphore_mem>>)
      %dma_wait3A = arith.constant 0 : i32
      %dma_wait3A_52 = tpu.memref_slice %arg4[%arg0, %add3A_34, %dma_wait3A] : memref<2x10240x128xf32, #tpu.memory_space<hbm>> -> memref<1x128x128xf32, #tpu.memory_space<hbm>>
      %dma_wait3A_53 = tpu.memref_squeeze %dma_wait3A_52 : memref<1x128x128xf32, #tpu.memory_space<hbm>> -> memref<128x128xf32, #tpu.memory_space<hbm>>
      %dma_wait3A_54 = arith.constant 0 : i32
      %dma_wait3A_55 = tpu.memref_slice %arg4[%arg0, %add3A_34, %dma_wait3A_54] : memref<2x10240x128xf32, #tpu.memory_space<hbm>> -> memref<1x128x128xf32, #tpu.memory_space<hbm>>
      %dma_wait3A_56 = tpu.memref_squeeze %dma_wait3A_55 : memref<1x128x128xf32, #tpu.memory_space<hbm>> -> memref<128x128xf32, #tpu.memory_space<hbm>>
      tpu.wait_dma2 semaphore(%run_scoped3A : memref<!tpu.dma_semaphore, #tpu.memory_space<semaphore_mem>>) src(%arg6 : memref<128x128xf32, #tpu.memory_space<vmem>>) dst(%dma_wait3A_56 : memref<128x128xf32, #tpu.memory_space<hbm>>)
      tpu.yield
    }) : () -> ()
    %add3A_35 = arith.constant 256 : i32
    %add3A_36 = arith.addi %mul3A_2, %add3A_35 : i32
    "tpu.region"() ({
      %run_scoped3A = tpu.sem_alloc : memref<!tpu.dma_semaphore, #tpu.memory_space<semaphore_mem>>
      %dma_start3A = arith.constant 0 : i32
      %dma_start3A_47 = tpu.memref_slice %arg7[%add3A_36, %dma_start3A] : memref<10240x128xf32, #tpu.memory_space<vmem_shared>> -> memref<128x128xf32, #tpu.memory_space<vmem_shared>>
      %dma_start3A_48 = arith.constant 0 : i32
      %dma_start3A_49 = tpu.memref_slice %arg7[%add3A_36, %dma_start3A_48] : memref<10240x128xf32, #tpu.memory_space<vmem_shared>> -> memref<128x128xf32, #tpu.memory_space<vmem_shared>>
      tpu.enqueue_dma source(%dma_start3A_49 : memref<128x128xf32, #tpu.memory_space<vmem_shared>>) target(%arg6 : memref<128x128xf32, #tpu.memory_space<vmem>>) target_semaphore(%run_scoped3A : memref<!tpu.dma_semaphore, #tpu.memory_space<semaphore_mem>>)
      %dma_wait3A = arith.constant 0 : i32
      %dma_wait3A_50 = tpu.memref_slice %arg7[%add3A_36, %dma_wait3A] : memref<10240x128xf32, #tpu.memory_space<vmem_shared>> -> memref<128x128xf32, #tpu.memory_space<vmem_shared>>
      %dma_wait3A_51 = arith.constant 0 : i32
      %dma_wait3A_52 = tpu.memref_slice %arg7[%add3A_36, %dma_wait3A_51] : memref<10240x128xf32, #tpu.memory_space<vmem_shared>> -> memref<128x128xf32, #tpu.memory_space<vmem_shared>>
      tpu.wait_dma2 semaphore(%run_scoped3A : memref<!tpu.dma_semaphore, #tpu.memory_space<semaphore_mem>>) src(%dma_wait3A_52 : memref<128x128xf32, #tpu.memory_space<vmem_shared>>) dst(%arg6 : memref<128x128xf32, #tpu.memory_space<vmem>>)
      tpu.yield
    }) : () -> ()
    %add3A_37 = arith.constant 256 : i32
    %add3A_38 = arith.addi %mul3A_2, %add3A_37 : i32
    "tpu.region"() ({
      %run_scoped3A = tpu.sem_alloc : memref<!tpu.dma_semaphore, #tpu.memory_space<semaphore_mem>>
      %dma_start3A = arith.constant 0 : i32
      %dma_start3A_47 = tpu.memref_slice %arg4[%arg0, %add3A_38, %dma_start3A] : memref<2x10240x128xf32, #tpu.memory_space<hbm>> -> memref<1x128x128xf32, #tpu.memory_space<hbm>>
      %dma_start3A_48 = tpu.memref_squeeze %dma_start3A_47 : memref<1x128x128xf32, #tpu.memory_space<hbm>> -> memref<128x128xf32, #tpu.memory_space<hbm>>
      %dma_start3A_49 = arith.constant 0 : i32
      %dma_start3A_50 = tpu.memref_slice %arg4[%arg0, %add3A_38, %dma_start3A_49] : memref<2x10240x128xf32, #tpu.memory_space<hbm>> -> memref<1x128x128xf32, #tpu.memory_space<hbm>>
      %dma_start3A_51 = tpu.memref_squeeze %dma_start3A_50 : memref<1x128x128xf32, #tpu.memory_space<hbm>> -> memref<128x128xf32, #tpu.memory_space<hbm>>
      tpu.enqueue_dma source(%arg6 : memref<128x128xf32, #tpu.memory_space<vmem>>) target(%dma_start3A_51 : memref<128x128xf32, #tpu.memory_space<hbm>>) target_semaphore(%run_scoped3A : memref<!tpu.dma_semaphore, #tpu.memory_space<semaphore_mem>>)
      %dma_wait3A = arith.constant 0 : i32
      %dma_wait3A_52 = tpu.memref_slice %arg4[%arg0, %add3A_38, %dma_wait3A] : memref<2x10240x128xf32, #tpu.memory_space<hbm>> -> memref<1x128x128xf32, #tpu.memory_space<hbm>>
      %dma_wait3A_53 = tpu.memref_squeeze %dma_wait3A_52 : memref<1x128x128xf32, #tpu.memory_space<hbm>> -> memref<128x128xf32, #tpu.memory_space<hbm>>
      %dma_wait3A_54 = arith.constant 0 : i32
      %dma_wait3A_55 = tpu.memref_slice %arg4[%arg0, %add3A_38, %dma_wait3A_54] : memref<2x10240x128xf32, #tpu.memory_space<hbm>> -> memref<1x128x128xf32, #tpu.memory_space<hbm>>
      %dma_wait3A_56 = tpu.memref_squeeze %dma_wait3A_55 : memref<1x128x128xf32, #tpu.memory_space<hbm>> -> memref<128x128xf32, #tpu.memory_space<hbm>>
      tpu.wait_dma2 semaphore(%run_scoped3A : memref<!tpu.dma_semaphore, #tpu.memory_space<semaphore_mem>>) src(%arg6 : memref<128x128xf32, #tpu.memory_space<vmem>>) dst(%dma_wait3A_56 : memref<128x128xf32, #tpu.memory_space<hbm>>)
      tpu.yield
    }) : () -> ()
    %add3A_39 = arith.constant 384 : i32
    %add3A_40 = arith.addi %mul3A_2, %add3A_39 : i32
    "tpu.region"() ({
      %run_scoped3A = tpu.sem_alloc : memref<!tpu.dma_semaphore, #tpu.memory_space<semaphore_mem>>
      %dma_start3A = arith.constant 0 : i32
      %dma_start3A_47 = tpu.memref_slice %arg7[%add3A_40, %dma_start3A] : memref<10240x128xf32, #tpu.memory_space<vmem_shared>> -> memref<128x128xf32, #tpu.memory_space<vmem_shared>>
      %dma_start3A_48 = arith.constant 0 : i32
      %dma_start3A_49 = tpu.memref_slice %arg7[%add3A_40, %dma_start3A_48] : memref<10240x128xf32, #tpu.memory_space<vmem_shared>> -> memref<128x128xf32, #tpu.memory_space<vmem_shared>>
      tpu.enqueue_dma source(%dma_start3A_49 : memref<128x128xf32, #tpu.memory_space<vmem_shared>>) target(%arg6 : memref<128x128xf32, #tpu.memory_space<vmem>>) target_semaphore(%run_scoped3A : memref<!tpu.dma_semaphore, #tpu.memory_space<semaphore_mem>>)
      %dma_wait3A = arith.constant 0 : i32
      %dma_wait3A_50 = tpu.memref_slice %arg7[%add3A_40, %dma_wait3A] : memref<10240x128xf32, #tpu.memory_space<vmem_shared>> -> memref<128x128xf32, #tpu.memory_space<vmem_shared>>
      %dma_wait3A_51 = arith.constant 0 : i32
      %dma_wait3A_52 = tpu.memref_slice %arg7[%add3A_40, %dma_wait3A_51] : memref<10240x128xf32, #tpu.memory_space<vmem_shared>> -> memref<128x128xf32, #tpu.memory_space<vmem_shared>>
      tpu.wait_dma2 semaphore(%run_scoped3A : memref<!tpu.dma_semaphore, #tpu.memory_space<semaphore_mem>>) src(%dma_wait3A_52 : memref<128x128xf32, #tpu.memory_space<vmem_shared>>) dst(%arg6 : memref<128x128xf32, #tpu.memory_space<vmem>>)
      tpu.yield
    }) : () -> ()
    %add3A_41 = arith.constant 384 : i32
    %add3A_42 = arith.addi %mul3A_2, %add3A_41 : i32
    "tpu.region"() ({
      %run_scoped3A = tpu.sem_alloc : memref<!tpu.dma_semaphore, #tpu.memory_space<semaphore_mem>>
      %dma_start3A = arith.constant 0 : i32
      %dma_start3A_47 = tpu.memref_slice %arg4[%arg0, %add3A_42, %dma_start3A] : memref<2x10240x128xf32, #tpu.memory_space<hbm>> -> memref<1x128x128xf32, #tpu.memory_space<hbm>>
      %dma_start3A_48 = tpu.memref_squeeze %dma_start3A_47 : memref<1x128x128xf32, #tpu.memory_space<hbm>> -> memref<128x128xf32, #tpu.memory_space<hbm>>
      %dma_start3A_49 = arith.constant 0 : i32
      %dma_start3A_50 = tpu.memref_slice %arg4[%arg0, %add3A_42, %dma_start3A_49] : memref<2x10240x128xf32, #tpu.memory_space<hbm>> -> memref<1x128x128xf32, #tpu.memory_space<hbm>>
      %dma_start3A_51 = tpu.memref_squeeze %dma_start3A_50 : memref<1x128x128xf32, #tpu.memory_space<hbm>> -> memref<128x128xf32, #tpu.memory_space<hbm>>
      tpu.enqueue_dma source(%arg6 : memref<128x128xf32, #tpu.memory_space<vmem>>) target(%dma_start3A_51 : memref<128x128xf32, #tpu.memory_space<hbm>>) target_semaphore(%run_scoped3A : memref<!tpu.dma_semaphore, #tpu.memory_space<semaphore_mem>>)
      %dma_wait3A = arith.constant 0 : i32
      %dma_wait3A_52 = tpu.memref_slice %arg4[%arg0, %add3A_42, %dma_wait3A] : memref<2x10240x128xf32, #tpu.memory_space<hbm>> -> memref<1x128x128xf32, #tpu.memory_space<hbm>>
      %dma_wait3A_53 = tpu.memref_squeeze %dma_wait3A_52 : memref<1x128x128xf32, #tpu.memory_space<hbm>> -> memref<128x128xf32, #tpu.memory_space<hbm>>
      %dma_wait3A_54 = arith.constant 0 : i32
      %dma_wait3A_55 = tpu.memref_slice %arg4[%arg0, %add3A_42, %dma_wait3A_54] : memref<2x10240x128xf32, #tpu.memory_space<hbm>> -> memref<1x128x128xf32, #tpu.memory_space<hbm>>
      %dma_wait3A_56 = tpu.memref_squeeze %dma_wait3A_55 : memref<1x128x128xf32, #tpu.memory_space<hbm>> -> memref<128x128xf32, #tpu.memory_space<hbm>>
      tpu.wait_dma2 semaphore(%run_scoped3A : memref<!tpu.dma_semaphore, #tpu.memory_space<semaphore_mem>>) src(%arg6 : memref<128x128xf32, #tpu.memory_space<vmem>>) dst(%dma_wait3A_56 : memref<128x128xf32, #tpu.memory_space<hbm>>)
      tpu.yield
    }) : () -> ()
    %add3A_43 = arith.constant 512 : i32
    %add3A_44 = arith.addi %mul3A_2, %add3A_43 : i32
    "tpu.region"() ({
      %run_scoped3A = tpu.sem_alloc : memref<!tpu.dma_semaphore, #tpu.memory_space<semaphore_mem>>
      %dma_start3A = arith.constant 0 : i32
      %dma_start3A_47 = tpu.memref_slice %arg7[%add3A_44, %dma_start3A] : memref<10240x128xf32, #tpu.memory_space<vmem_shared>> -> memref<128x128xf32, #tpu.memory_space<vmem_shared>>
      %dma_start3A_48 = arith.constant 0 : i32
      %dma_start3A_49 = tpu.memref_slice %arg7[%add3A_44, %dma_start3A_48] : memref<10240x128xf32, #tpu.memory_space<vmem_shared>> -> memref<128x128xf32, #tpu.memory_space<vmem_shared>>
      tpu.enqueue_dma source(%dma_start3A_49 : memref<128x128xf32, #tpu.memory_space<vmem_shared>>) target(%arg6 : memref<128x128xf32, #tpu.memory_space<vmem>>) target_semaphore(%run_scoped3A : memref<!tpu.dma_semaphore, #tpu.memory_space<semaphore_mem>>)
      %dma_wait3A = arith.constant 0 : i32
      %dma_wait3A_50 = tpu.memref_slice %arg7[%add3A_44, %dma_wait3A] : memref<10240x128xf32, #tpu.memory_space<vmem_shared>> -> memref<128x128xf32, #tpu.memory_space<vmem_shared>>
      %dma_wait3A_51 = arith.constant 0 : i32
      %dma_wait3A_52 = tpu.memref_slice %arg7[%add3A_44, %dma_wait3A_51] : memref<10240x128xf32, #tpu.memory_space<vmem_shared>> -> memref<128x128xf32, #tpu.memory_space<vmem_shared>>
      tpu.wait_dma2 semaphore(%run_scoped3A : memref<!tpu.dma_semaphore, #tpu.memory_space<semaphore_mem>>) src(%dma_wait3A_52 : memref<128x128xf32, #tpu.memory_space<vmem_shared>>) dst(%arg6 : memref<128x128xf32, #tpu.memory_space<vmem>>)
      tpu.yield
    }) : () -> ()
    %add3A_45 = arith.constant 512 : i32
    %add3A_46 = arith.addi %mul3A_2, %add3A_45 : i32
    "tpu.region"() ({
      %run_scoped3A = tpu.sem_alloc : memref<!tpu.dma_semaphore, #tpu.memory_space<semaphore_mem>>
      %dma_start3A = arith.constant 0 : i32
      %dma_start3A_47 = tpu.memref_slice %arg4[%arg0, %add3A_46, %dma_start3A] : memref<2x10240x128xf32, #tpu.memory_space<hbm>> -> memref<1x128x128xf32, #tpu.memory_space<hbm>>
      %dma_start3A_48 = tpu.memref_squeeze %dma_start3A_47 : memref<1x128x128xf32, #tpu.memory_space<hbm>> -> memref<128x128xf32, #tpu.memory_space<hbm>>
      %dma_start3A_49 = arith.constant 0 : i32
      %dma_start3A_50 = tpu.memref_slice %arg4[%arg0, %add3A_46, %dma_start3A_49] : memref<2x10240x128xf32, #tpu.memory_space<hbm>> -> memref<1x128x128xf32, #tpu.memory_space<hbm>>
      %dma_start3A_51 = tpu.memref_squeeze %dma_start3A_50 : memref<1x128x128xf32, #tpu.memory_space<hbm>> -> memref<128x128xf32, #tpu.memory_space<hbm>>
      tpu.enqueue_dma source(%arg6 : memref<128x128xf32, #tpu.memory_space<vmem>>) target(%dma_start3A_51 : memref<128x128xf32, #tpu.memory_space<hbm>>) target_semaphore(%run_scoped3A : memref<!tpu.dma_semaphore, #tpu.memory_space<semaphore_mem>>)
      %dma_wait3A = arith.constant 0 : i32
      %dma_wait3A_52 = tpu.memref_slice %arg4[%arg0, %add3A_46, %dma_wait3A] : memref<2x10240x128xf32, #tpu.memory_space<hbm>> -> memref<1x128x128xf32, #tpu.memory_space<hbm>>
      %dma_wait3A_53 = tpu.memref_squeeze %dma_wait3A_52 : memref<1x128x128xf32, #tpu.memory_space<hbm>> -> memref<128x128xf32, #tpu.memory_space<hbm>>
      %dma_wait3A_54 = arith.constant 0 : i32
      %dma_wait3A_55 = tpu.memref_slice %arg4[%arg0, %add3A_46, %dma_wait3A_54] : memref<2x10240x128xf32, #tpu.memory_space<hbm>> -> memref<1x128x128xf32, #tpu.memory_space<hbm>>
      %dma_wait3A_56 = tpu.memref_squeeze %dma_wait3A_55 : memref<1x128x128xf32, #tpu.memory_space<hbm>> -> memref<128x128xf32, #tpu.memory_space<hbm>>
      tpu.wait_dma2 semaphore(%run_scoped3A : memref<!tpu.dma_semaphore, #tpu.memory_space<semaphore_mem>>) src(%arg6 : memref<128x128xf32, #tpu.memory_space<vmem>>) dst(%dma_wait3A_56 : memref<128x128xf32, #tpu.memory_space<hbm>>)
      tpu.yield
    }) : () -> ()
    return
  }
}

#map = affine_map<(d0, d1) -> (0, 0, 0)>
module attributes {stable_mosaic.version = 14 : i64} {
  func.func @body(%arg0: i32, %arg1: i32, %arg2: memref<32x79x128xi32, #tpu.memory_space<hbm>>, %arg3: memref<2x10240x128xf32, #tpu.memory_space<hbm>>, %arg4: memref<1x128xi32, #tpu.memory_space<vmem>>, %arg5: memref<128x128xf32, #tpu.memory_space<vmem>>, %arg6: memref<10240x128xf32, #tpu.memory_space<vmem_shared>>) attributes {dimension_semantics = [#tpu.dimension_semantics<core_parallel>, #tpu.dimension_semantics<subcore_parallel>], iteration_bounds = array<i64: 2, 16>, scalar_prefetch = 0 : i64, scratch_operands = 3 : i64, tpu.core_type = #tpu.core_type<sc_vector_subcore>, window_params = [{transform_indices = #map}, {transform_indices = #map}]} {
    %mul3A = arith.constant 2 : i32
    %mul3A_0 = arith.muli %arg1, %mul3A : i32
    %add3A = arith.addi %mul3A_0, %arg0 : i32
    %mul3A_1 = arith.constant 640 : i32
    %mul3A_2 = arith.muli %arg1, %mul3A_1 : i32
    %scan3A = arith.constant 0 : i32
    %scan3A_3 = arith.constant 0 : i32
    %scan3A_4 = arith.constant 128 : i32
    %scan3A_5 = arith.addi %scan3A_3, %scan3A_4 : i32
    %scan3A_6 = arith.constant 1 : i32
    %scan3A_7 = scf.for %scan3A_54 = %scan3A_3 to %scan3A_5 step %scan3A_6 iter_args(%scan3A_55 = %scan3A) -> (i32)  : i32 {
      %broadcast_in_dim3A = arith.constant 0.000000e+00 : f32
      %broadcast_in_dim3A_56 = vector.broadcast %broadcast_in_dim3A : f32 to vector<16xf32>
      %swap3A = arith.index_cast %scan3A_54 : i32 to index
      %swap3A_57 = arith.constant 0 : index
      %swap3A_58 = tpu.vector_load %arg5[%swap3A, %swap3A_57] {strides = array<i32>} : memref<128x128xf32, #tpu.memory_space<vmem>>, vector<1x16xf32>,
      %swap3A_59 = vector.shape_cast %swap3A_58 : vector<1x16xf32> to vector<16xf32>
      %swap3A_60 = vector.shape_cast %broadcast_in_dim3A_56 : vector<16xf32> to vector<1x16xf32>
      tpu.vector_store %arg5[%swap3A, %swap3A_57], %swap3A_60 {strides = array<i32>} : memref<128x128xf32, #tpu.memory_space<vmem>>, vector<1x16xf32>,
      %broadcast_in_dim3A_61 = arith.constant 0.000000e+00 : f32
      %broadcast_in_dim3A_62 = vector.broadcast %broadcast_in_dim3A_61 : f32 to vector<16xf32>
      %swap3A_63 = arith.index_cast %scan3A_54 : i32 to index
      %swap3A_64 = arith.constant 16 : index
      %swap3A_65 = tpu.vector_load %arg5[%swap3A_63, %swap3A_64] {strides = array<i32>} : memref<128x128xf32, #tpu.memory_space<vmem>>, vector<1x16xf32>,
      %swap3A_66 = vector.shape_cast %swap3A_65 : vector<1x16xf32> to vector<16xf32>
      %swap3A_67 = vector.shape_cast %broadcast_in_dim3A_62 : vector<16xf32> to vector<1x16xf32>
      tpu.vector_store %arg5[%swap3A_63, %swap3A_64], %swap3A_67 {strides = array<i32>} : memref<128x128xf32, #tpu.memory_space<vmem>>, vector<1x16xf32>,
      %broadcast_in_dim3A_68 = arith.constant 0.000000e+00 : f32
      %broadcast_in_dim3A_69 = vector.broadcast %broadcast_in_dim3A_68 : f32 to vector<16xf32>
      %swap3A_70 = arith.index_cast %scan3A_54 : i32 to index
      %swap3A_71 = arith.constant 32 : index
      %swap3A_72 = tpu.vector_load %arg5[%swap3A_70, %swap3A_71] {strides = array<i32>} : memref<128x128xf32, #tpu.memory_space<vmem>>, vector<1x16xf32>,
      %swap3A_73 = vector.shape_cast %swap3A_72 : vector<1x16xf32> to vector<16xf32>
      %swap3A_74 = vector.shape_cast %broadcast_in_dim3A_69 : vector<16xf32> to vector<1x16xf32>
      tpu.vector_store %arg5[%swap3A_70, %swap3A_71], %swap3A_74 {strides = array<i32>} : memref<128x128xf32, #tpu.memory_space<vmem>>, vector<1x16xf32>,
      %broadcast_in_dim3A_75 = arith.constant 0.000000e+00 : f32
      %broadcast_in_dim3A_76 = vector.broadcast %broadcast_in_dim3A_75 : f32 to vector<16xf32>
      %swap3A_77 = arith.index_cast %scan3A_54 : i32 to index
      %swap3A_78 = arith.constant 48 : index
      %swap3A_79 = tpu.vector_load %arg5[%swap3A_77, %swap3A_78] {strides = array<i32>} : memref<128x128xf32, #tpu.memory_space<vmem>>, vector<1x16xf32>,
      %swap3A_80 = vector.shape_cast %swap3A_79 : vector<1x16xf32> to vector<16xf32>
      %swap3A_81 = vector.shape_cast %broadcast_in_dim3A_76 : vector<16xf32> to vector<1x16xf32>
      tpu.vector_store %arg5[%swap3A_77, %swap3A_78], %swap3A_81 {strides = array<i32>} : memref<128x128xf32, #tpu.memory_space<vmem>>, vector<1x16xf32>,
      %broadcast_in_dim3A_82 = arith.constant 0.000000e+00 : f32
      %broadcast_in_dim3A_83 = vector.broadcast %broadcast_in_dim3A_82 : f32 to vector<16xf32>
      %swap3A_84 = arith.index_cast %scan3A_54 : i32 to index
      %swap3A_85 = arith.constant 64 : index
      %swap3A_86 = tpu.vector_load %arg5[%swap3A_84, %swap3A_85] {strides = array<i32>} : memref<128x128xf32, #tpu.memory_space<vmem>>, vector<1x16xf32>,
      %swap3A_87 = vector.shape_cast %swap3A_86 : vector<1x16xf32> to vector<16xf32>
      %swap3A_88 = vector.shape_cast %broadcast_in_dim3A_83 : vector<16xf32> to vector<1x16xf32>
      tpu.vector_store %arg5[%swap3A_84, %swap3A_85], %swap3A_88 {strides = array<i32>} : memref<128x128xf32, #tpu.memory_space<vmem>>, vector<1x16xf32>,
      %broadcast_in_dim3A_89 = arith.constant 0.000000e+00 : f32
      %broadcast_in_dim3A_90 = vector.broadcast %broadcast_in_dim3A_89 : f32 to vector<16xf32>
      %swap3A_91 = arith.index_cast %scan3A_54 : i32 to index
      %swap3A_92 = arith.constant 80 : index
      %swap3A_93 = tpu.vector_load %arg5[%swap3A_91, %swap3A_92] {strides = array<i32>} : memref<128x128xf32, #tpu.memory_space<vmem>>, vector<1x16xf32>,
      %swap3A_94 = vector.shape_cast %swap3A_93 : vector<1x16xf32> to vector<16xf32>
      %swap3A_95 = vector.shape_cast %broadcast_in_dim3A_90 : vector<16xf32> to vector<1x16xf32>
      tpu.vector_store %arg5[%swap3A_91, %swap3A_92], %swap3A_95 {strides = array<i32>} : memref<128x128xf32, #tpu.memory_space<vmem>>, vector<1x16xf32>,
      %broadcast_in_dim3A_96 = arith.constant 0.000000e+00 : f32
      %broadcast_in_dim3A_97 = vector.broadcast %broadcast_in_dim3A_96 : f32 to vector<16xf32>
      %swap3A_98 = arith.index_cast %scan3A_54 : i32 to index
      %swap3A_99 = arith.constant 96 : index
      %swap3A_100 = tpu.vector_load %arg5[%swap3A_98, %swap3A_99] {strides = array<i32>} : memref<128x128xf32, #tpu.memory_space<vmem>>, vector<1x16xf32>,
      %swap3A_101 = vector.shape_cast %swap3A_100 : vector<1x16xf32> to vector<16xf32>
      %swap3A_102 = vector.shape_cast %broadcast_in_dim3A_97 : vector<16xf32> to vector<1x16xf32>
      tpu.vector_store %arg5[%swap3A_98, %swap3A_99], %swap3A_102 {strides = array<i32>} : memref<128x128xf32, #tpu.memory_space<vmem>>, vector<1x16xf32>,
      %broadcast_in_dim3A_103 = arith.constant 0.000000e+00 : f32
      %broadcast_in_dim3A_104 = vector.broadcast %broadcast_in_dim3A_103 : f32 to vector<16xf32>
      %swap3A_105 = arith.index_cast %scan3A_54 : i32 to index
      %swap3A_106 = arith.constant 112 : index
      %swap3A_107 = tpu.vector_load %arg5[%swap3A_105, %swap3A_106] {strides = array<i32>} : memref<128x128xf32, #tpu.memory_space<vmem>>, vector<1x16xf32>,
      %swap3A_108 = vector.shape_cast %swap3A_107 : vector<1x16xf32> to vector<16xf32>
      %swap3A_109 = vector.shape_cast %broadcast_in_dim3A_104 : vector<16xf32> to vector<1x16xf32>
      tpu.vector_store %arg5[%swap3A_105, %swap3A_106], %swap3A_109 {strides = array<i32>} : memref<128x128xf32, #tpu.memory_space<vmem>>, vector<1x16xf32>,
      %scan3A_110 = arith.constant 0 : i32
      scf.yield %scan3A_110 : i32
    }
    %scan3A_8 = arith.constant 128 : i32
    %add3A_9 = arith.constant 0 : i32
    %add3A_10 = arith.addi %mul3A_2, %add3A_9 : i32
    "tpu.region"() ({
      %run_scoped3A = tpu.sem_alloc : memref<!tpu.dma_semaphore, #tpu.memory_space<semaphore_mem>>
      %dma_start3A = arith.constant 0 : i32
      %dma_start3A_54 = tpu.memref_slice %arg6[%add3A_10, %dma_start3A] : memref<10240x128xf32, #tpu.memory_space<vmem_shared>> -> memref<128x128xf32, #tpu.memory_space<vmem_shared>>
      %dma_start3A_55 = arith.constant 0 : i32
      %dma_start3A_56 = tpu.memref_slice %arg6[%add3A_10, %dma_start3A_55] : memref<10240x128xf32, #tpu.memory_space<vmem_shared>> -> memref<128x128xf32, #tpu.memory_space<vmem_shared>>
      tpu.enqueue_dma source(%arg5 : memref<128x128xf32, #tpu.memory_space<vmem>>) target(%dma_start3A_56 : memref<128x128xf32, #tpu.memory_space<vmem_shared>>) target_semaphore(%run_scoped3A : memref<!tpu.dma_semaphore, #tpu.memory_space<semaphore_mem>>)
      %dma_wait3A = arith.constant 0 : i32
      %dma_wait3A_57 = tpu.memref_slice %arg6[%add3A_10, %dma_wait3A] : memref<10240x128xf32, #tpu.memory_space<vmem_shared>> -> memref<128x128xf32, #tpu.memory_space<vmem_shared>>
      %dma_wait3A_58 = arith.constant 0 : i32
      %dma_wait3A_59 = tpu.memref_slice %arg6[%add3A_10, %dma_wait3A_58] : memref<10240x128xf32, #tpu.memory_space<vmem_shared>> -> memref<128x128xf32, #tpu.memory_space<vmem_shared>>
      tpu.wait_dma2 semaphore(%run_scoped3A : memref<!tpu.dma_semaphore, #tpu.memory_space<semaphore_mem>>) src(%arg5 : memref<128x128xf32, #tpu.memory_space<vmem>>) dst(%dma_wait3A_59 : memref<128x128xf32, #tpu.memory_space<vmem_shared>>)
      tpu.yield
    }) : () -> ()
    %add3A_11 = arith.constant 128 : i32
    %add3A_12 = arith.addi %mul3A_2, %add3A_11 : i32
    "tpu.region"() ({
      %run_scoped3A = tpu.sem_alloc : memref<!tpu.dma_semaphore, #tpu.memory_space<semaphore_mem>>
      %dma_start3A = arith.constant 0 : i32
      %dma_start3A_54 = tpu.memref_slice %arg6[%add3A_12, %dma_start3A] : memref<10240x128xf32, #tpu.memory_space<vmem_shared>> -> memref<128x128xf32, #tpu.memory_space<vmem_shared>>
      %dma_start3A_55 = arith.constant 0 : i32
      %dma_start3A_56 = tpu.memref_slice %arg6[%add3A_12, %dma_start3A_55] : memref<10240x128xf32, #tpu.memory_space<vmem_shared>> -> memref<128x128xf32, #tpu.memory_space<vmem_shared>>
      tpu.enqueue_dma source(%arg5 : memref<128x128xf32, #tpu.memory_space<vmem>>) target(%dma_start3A_56 : memref<128x128xf32, #tpu.memory_space<vmem_shared>>) target_semaphore(%run_scoped3A : memref<!tpu.dma_semaphore, #tpu.memory_space<semaphore_mem>>)
      %dma_wait3A = arith.constant 0 : i32
      %dma_wait3A_57 = tpu.memref_slice %arg6[%add3A_12, %dma_wait3A] : memref<10240x128xf32, #tpu.memory_space<vmem_shared>> -> memref<128x128xf32, #tpu.memory_space<vmem_shared>>
      %dma_wait3A_58 = arith.constant 0 : i32
      %dma_wait3A_59 = tpu.memref_slice %arg6[%add3A_12, %dma_wait3A_58] : memref<10240x128xf32, #tpu.memory_space<vmem_shared>> -> memref<128x128xf32, #tpu.memory_space<vmem_shared>>
      tpu.wait_dma2 semaphore(%run_scoped3A : memref<!tpu.dma_semaphore, #tpu.memory_space<semaphore_mem>>) src(%arg5 : memref<128x128xf32, #tpu.memory_space<vmem>>) dst(%dma_wait3A_59 : memref<128x128xf32, #tpu.memory_space<vmem_shared>>)
      tpu.yield
    }) : () -> ()
    %add3A_13 = arith.constant 256 : i32
    %add3A_14 = arith.addi %mul3A_2, %add3A_13 : i32
    "tpu.region"() ({
      %run_scoped3A = tpu.sem_alloc : memref<!tpu.dma_semaphore, #tpu.memory_space<semaphore_mem>>
      %dma_start3A = arith.constant 0 : i32
      %dma_start3A_54 = tpu.memref_slice %arg6[%add3A_14, %dma_start3A] : memref<10240x128xf32, #tpu.memory_space<vmem_shared>> -> memref<128x128xf32, #tpu.memory_space<vmem_shared>>
      %dma_start3A_55 = arith.constant 0 : i32
      %dma_start3A_56 = tpu.memref_slice %arg6[%add3A_14, %dma_start3A_55] : memref<10240x128xf32, #tpu.memory_space<vmem_shared>> -> memref<128x128xf32, #tpu.memory_space<vmem_shared>>
      tpu.enqueue_dma source(%arg5 : memref<128x128xf32, #tpu.memory_space<vmem>>) target(%dma_start3A_56 : memref<128x128xf32, #tpu.memory_space<vmem_shared>>) target_semaphore(%run_scoped3A : memref<!tpu.dma_semaphore, #tpu.memory_space<semaphore_mem>>)
      %dma_wait3A = arith.constant 0 : i32
      %dma_wait3A_57 = tpu.memref_slice %arg6[%add3A_14, %dma_wait3A] : memref<10240x128xf32, #tpu.memory_space<vmem_shared>> -> memref<128x128xf32, #tpu.memory_space<vmem_shared>>
      %dma_wait3A_58 = arith.constant 0 : i32
      %dma_wait3A_59 = tpu.memref_slice %arg6[%add3A_14, %dma_wait3A_58] : memref<10240x128xf32, #tpu.memory_space<vmem_shared>> -> memref<128x128xf32, #tpu.memory_space<vmem_shared>>
      tpu.wait_dma2 semaphore(%run_scoped3A : memref<!tpu.dma_semaphore, #tpu.memory_space<semaphore_mem>>) src(%arg5 : memref<128x128xf32, #tpu.memory_space<vmem>>) dst(%dma_wait3A_59 : memref<128x128xf32, #tpu.memory_space<vmem_shared>>)
      tpu.yield
    }) : () -> ()
    %add3A_15 = arith.constant 384 : i32
    %add3A_16 = arith.addi %mul3A_2, %add3A_15 : i32
    "tpu.region"() ({
      %run_scoped3A = tpu.sem_alloc : memref<!tpu.dma_semaphore, #tpu.memory_space<semaphore_mem>>
      %dma_start3A = arith.constant 0 : i32
      %dma_start3A_54 = tpu.memref_slice %arg6[%add3A_16, %dma_start3A] : memref<10240x128xf32, #tpu.memory_space<vmem_shared>> -> memref<128x128xf32, #tpu.memory_space<vmem_shared>>
      %dma_start3A_55 = arith.constant 0 : i32
      %dma_start3A_56 = tpu.memref_slice %arg6[%add3A_16, %dma_start3A_55] : memref<10240x128xf32, #tpu.memory_space<vmem_shared>> -> memref<128x128xf32, #tpu.memory_space<vmem_shared>>
      tpu.enqueue_dma source(%arg5 : memref<128x128xf32, #tpu.memory_space<vmem>>) target(%dma_start3A_56 : memref<128x128xf32, #tpu.memory_space<vmem_shared>>) target_semaphore(%run_scoped3A : memref<!tpu.dma_semaphore, #tpu.memory_space<semaphore_mem>>)
      %dma_wait3A = arith.constant 0 : i32
      %dma_wait3A_57 = tpu.memref_slice %arg6[%add3A_16, %dma_wait3A] : memref<10240x128xf32, #tpu.memory_space<vmem_shared>> -> memref<128x128xf32, #tpu.memory_space<vmem_shared>>
      %dma_wait3A_58 = arith.constant 0 : i32
      %dma_wait3A_59 = tpu.memref_slice %arg6[%add3A_16, %dma_wait3A_58] : memref<10240x128xf32, #tpu.memory_space<vmem_shared>> -> memref<128x128xf32, #tpu.memory_space<vmem_shared>>
      tpu.wait_dma2 semaphore(%run_scoped3A : memref<!tpu.dma_semaphore, #tpu.memory_space<semaphore_mem>>) src(%arg5 : memref<128x128xf32, #tpu.memory_space<vmem>>) dst(%dma_wait3A_59 : memref<128x128xf32, #tpu.memory_space<vmem_shared>>)
      tpu.yield
    }) : () -> ()
    %add3A_17 = arith.constant 512 : i32
    %add3A_18 = arith.addi %mul3A_2, %add3A_17 : i32
    "tpu.region"() ({
      %run_scoped3A = tpu.sem_alloc : memref<!tpu.dma_semaphore, #tpu.memory_space<semaphore_mem>>
      %dma_start3A = arith.constant 0 : i32
      %dma_start3A_54 = tpu.memref_slice %arg6[%add3A_18, %dma_start3A] : memref<10240x128xf32, #tpu.memory_space<vmem_shared>> -> memref<128x128xf32, #tpu.memory_space<vmem_shared>>
      %dma_start3A_55 = arith.constant 0 : i32
      %dma_start3A_56 = tpu.memref_slice %arg6[%add3A_18, %dma_start3A_55] : memref<10240x128xf32, #tpu.memory_space<vmem_shared>> -> memref<128x128xf32, #tpu.memory_space<vmem_shared>>
      tpu.enqueue_dma source(%arg5 : memref<128x128xf32, #tpu.memory_space<vmem>>) target(%dma_start3A_56 : memref<128x128xf32, #tpu.memory_space<vmem_shared>>) target_semaphore(%run_scoped3A : memref<!tpu.dma_semaphore, #tpu.memory_space<semaphore_mem>>)
      %dma_wait3A = arith.constant 0 : i32
      %dma_wait3A_57 = tpu.memref_slice %arg6[%add3A_18, %dma_wait3A] : memref<10240x128xf32, #tpu.memory_space<vmem_shared>> -> memref<128x128xf32, #tpu.memory_space<vmem_shared>>
      %dma_wait3A_58 = arith.constant 0 : i32
      %dma_wait3A_59 = tpu.memref_slice %arg6[%add3A_18, %dma_wait3A_58] : memref<10240x128xf32, #tpu.memory_space<vmem_shared>> -> memref<128x128xf32, #tpu.memory_space<vmem_shared>>
      tpu.wait_dma2 semaphore(%run_scoped3A : memref<!tpu.dma_semaphore, #tpu.memory_space<semaphore_mem>>) src(%arg5 : memref<128x128xf32, #tpu.memory_space<vmem>>) dst(%dma_wait3A_59 : memref<128x128xf32, #tpu.memory_space<vmem_shared>>)
      tpu.yield
    }) : () -> ()
    %scan3A_19 = arith.constant 0 : i32
    %scan3A_20 = arith.constant 0 : i32
    %scan3A_21 = arith.constant 128 : i32
    %scan3A_22 = arith.addi %scan3A_20, %scan3A_21 : i32
    %scan3A_23 = arith.constant 1 : i32
    %scan3A_24 = scf.for %scan3A_54 = %scan3A_20 to %scan3A_22 step %scan3A_23 iter_args(%scan3A_55 = %scan3A_19) -> (i32)  : i32 {
      %broadcast_in_dim3A = arith.constant 1.000000e+00 : f32
      %broadcast_in_dim3A_56 = vector.broadcast %broadcast_in_dim3A : f32 to vector<16xf32>
      %swap3A = arith.index_cast %scan3A_54 : i32 to index
      %swap3A_57 = arith.constant 0 : index
      %swap3A_58 = tpu.vector_load %arg5[%swap3A, %swap3A_57] {strides = array<i32>} : memref<128x128xf32, #tpu.memory_space<vmem>>, vector<1x16xf32>,
      %swap3A_59 = vector.shape_cast %swap3A_58 : vector<1x16xf32> to vector<16xf32>
      %swap3A_60 = vector.shape_cast %broadcast_in_dim3A_56 : vector<16xf32> to vector<1x16xf32>
      tpu.vector_store %arg5[%swap3A, %swap3A_57], %swap3A_60 {strides = array<i32>} : memref<128x128xf32, #tpu.memory_space<vmem>>, vector<1x16xf32>,
      %broadcast_in_dim3A_61 = arith.constant 1.000000e+00 : f32
      %broadcast_in_dim3A_62 = vector.broadcast %broadcast_in_dim3A_61 : f32 to vector<16xf32>
      %swap3A_63 = arith.index_cast %scan3A_54 : i32 to index
      %swap3A_64 = arith.constant 16 : index
      %swap3A_65 = tpu.vector_load %arg5[%swap3A_63, %swap3A_64] {strides = array<i32>} : memref<128x128xf32, #tpu.memory_space<vmem>>, vector<1x16xf32>,
      %swap3A_66 = vector.shape_cast %swap3A_65 : vector<1x16xf32> to vector<16xf32>
      %swap3A_67 = vector.shape_cast %broadcast_in_dim3A_62 : vector<16xf32> to vector<1x16xf32>
      tpu.vector_store %arg5[%swap3A_63, %swap3A_64], %swap3A_67 {strides = array<i32>} : memref<128x128xf32, #tpu.memory_space<vmem>>, vector<1x16xf32>,
      %broadcast_in_dim3A_68 = arith.constant 1.000000e+00 : f32
      %broadcast_in_dim3A_69 = vector.broadcast %broadcast_in_dim3A_68 : f32 to vector<16xf32>
      %swap3A_70 = arith.index_cast %scan3A_54 : i32 to index
      %swap3A_71 = arith.constant 32 : index
      %swap3A_72 = tpu.vector_load %arg5[%swap3A_70, %swap3A_71] {strides = array<i32>} : memref<128x128xf32, #tpu.memory_space<vmem>>, vector<1x16xf32>,
      %swap3A_73 = vector.shape_cast %swap3A_72 : vector<1x16xf32> to vector<16xf32>
      %swap3A_74 = vector.shape_cast %broadcast_in_dim3A_69 : vector<16xf32> to vector<1x16xf32>
      tpu.vector_store %arg5[%swap3A_70, %swap3A_71], %swap3A_74 {strides = array<i32>} : memref<128x128xf32, #tpu.memory_space<vmem>>, vector<1x16xf32>,
      %broadcast_in_dim3A_75 = arith.constant 1.000000e+00 : f32
      %broadcast_in_dim3A_76 = vector.broadcast %broadcast_in_dim3A_75 : f32 to vector<16xf32>
      %swap3A_77 = arith.index_cast %scan3A_54 : i32 to index
      %swap3A_78 = arith.constant 48 : index
      %swap3A_79 = tpu.vector_load %arg5[%swap3A_77, %swap3A_78] {strides = array<i32>} : memref<128x128xf32, #tpu.memory_space<vmem>>, vector<1x16xf32>,
      %swap3A_80 = vector.shape_cast %swap3A_79 : vector<1x16xf32> to vector<16xf32>
      %swap3A_81 = vector.shape_cast %broadcast_in_dim3A_76 : vector<16xf32> to vector<1x16xf32>
      tpu.vector_store %arg5[%swap3A_77, %swap3A_78], %swap3A_81 {strides = array<i32>} : memref<128x128xf32, #tpu.memory_space<vmem>>, vector<1x16xf32>,
      %broadcast_in_dim3A_82 = arith.constant 1.000000e+00 : f32
      %broadcast_in_dim3A_83 = vector.broadcast %broadcast_in_dim3A_82 : f32 to vector<16xf32>
      %swap3A_84 = arith.index_cast %scan3A_54 : i32 to index
      %swap3A_85 = arith.constant 64 : index
      %swap3A_86 = tpu.vector_load %arg5[%swap3A_84, %swap3A_85] {strides = array<i32>} : memref<128x128xf32, #tpu.memory_space<vmem>>, vector<1x16xf32>,
      %swap3A_87 = vector.shape_cast %swap3A_86 : vector<1x16xf32> to vector<16xf32>
      %swap3A_88 = vector.shape_cast %broadcast_in_dim3A_83 : vector<16xf32> to vector<1x16xf32>
      tpu.vector_store %arg5[%swap3A_84, %swap3A_85], %swap3A_88 {strides = array<i32>} : memref<128x128xf32, #tpu.memory_space<vmem>>, vector<1x16xf32>,
      %broadcast_in_dim3A_89 = arith.constant 1.000000e+00 : f32
      %broadcast_in_dim3A_90 = vector.broadcast %broadcast_in_dim3A_89 : f32 to vector<16xf32>
      %swap3A_91 = arith.index_cast %scan3A_54 : i32 to index
      %swap3A_92 = arith.constant 80 : index
      %swap3A_93 = tpu.vector_load %arg5[%swap3A_91, %swap3A_92] {strides = array<i32>} : memref<128x128xf32, #tpu.memory_space<vmem>>, vector<1x16xf32>,
      %swap3A_94 = vector.shape_cast %swap3A_93 : vector<1x16xf32> to vector<16xf32>
      %swap3A_95 = vector.shape_cast %broadcast_in_dim3A_90 : vector<16xf32> to vector<1x16xf32>
      tpu.vector_store %arg5[%swap3A_91, %swap3A_92], %swap3A_95 {strides = array<i32>} : memref<128x128xf32, #tpu.memory_space<vmem>>, vector<1x16xf32>,
      %broadcast_in_dim3A_96 = arith.constant 1.000000e+00 : f32
      %broadcast_in_dim3A_97 = vector.broadcast %broadcast_in_dim3A_96 : f32 to vector<16xf32>
      %swap3A_98 = arith.index_cast %scan3A_54 : i32 to index
      %swap3A_99 = arith.constant 96 : index
      %swap3A_100 = tpu.vector_load %arg5[%swap3A_98, %swap3A_99] {strides = array<i32>} : memref<128x128xf32, #tpu.memory_space<vmem>>, vector<1x16xf32>,
      %swap3A_101 = vector.shape_cast %swap3A_100 : vector<1x16xf32> to vector<16xf32>
      %swap3A_102 = vector.shape_cast %broadcast_in_dim3A_97 : vector<16xf32> to vector<1x16xf32>
      tpu.vector_store %arg5[%swap3A_98, %swap3A_99], %swap3A_102 {strides = array<i32>} : memref<128x128xf32, #tpu.memory_space<vmem>>, vector<1x16xf32>,
      %broadcast_in_dim3A_103 = arith.constant 1.000000e+00 : f32
      %broadcast_in_dim3A_104 = vector.broadcast %broadcast_in_dim3A_103 : f32 to vector<16xf32>
      %swap3A_105 = arith.index_cast %scan3A_54 : i32 to index
      %swap3A_106 = arith.constant 112 : index
      %swap3A_107 = tpu.vector_load %arg5[%swap3A_105, %swap3A_106] {strides = array<i32>} : memref<128x128xf32, #tpu.memory_space<vmem>>, vector<1x16xf32>,
      %swap3A_108 = vector.shape_cast %swap3A_107 : vector<1x16xf32> to vector<16xf32>
      %swap3A_109 = vector.shape_cast %broadcast_in_dim3A_104 : vector<16xf32> to vector<1x16xf32>
      tpu.vector_store %arg5[%swap3A_105, %swap3A_106], %swap3A_109 {strides = array<i32>} : memref<128x128xf32, #tpu.memory_space<vmem>>, vector<1x16xf32>,
      %scan3A_110 = arith.constant 0 : i32
      scf.yield %scan3A_110 : i32
    }
    %scan3A_25 = arith.constant 128 : i32
    %barrier3A = arith.constant 0 : index
    tpu.barrier barrier_id(%barrier3A)
    %scan3A_26 = arith.constant 0 : i32
    %scan3A_27 = arith.constant 0 : i32
    %scan3A_28 = arith.constant 79 : i32
    %scan3A_29 = arith.addi %scan3A_27, %scan3A_28 : i32
    %scan3A_30 = arith.constant 1 : i32
    %scan3A_31 = scf.for %scan3A_54 = %scan3A_27 to %scan3A_29 step %scan3A_30 iter_args(%scan3A_55 = %scan3A_26) -> (i32)  : i32 {
      "tpu.region"() ({
        %run_scoped3A_57 = tpu.sem_alloc : memref<!tpu.dma_semaphore, #tpu.memory_space<semaphore_mem>>
        %dma_start3A = arith.constant 0 : i32
        %dma_start3A_58 = tpu.memref_slice %arg2[%add3A, %scan3A_54, %dma_start3A] : memref<32x79x128xi32, #tpu.memory_space<hbm>> -> memref<1x1x128xi32, #tpu.memory_space<hbm>>
        %dma_start3A_59 = tpu.memref_squeeze %dma_start3A_58 : memref<1x1x128xi32, #tpu.memory_space<hbm>> -> memref<1x128xi32, #tpu.memory_space<hbm>>
        %dma_start3A_60 = arith.constant 0 : i32
        %dma_start3A_61 = tpu.memref_slice %arg2[%add3A, %scan3A_54, %dma_start3A_60] : memref<32x79x128xi32, #tpu.memory_space<hbm>> -> memref<1x1x128xi32, #tpu.memory_space<hbm>>
        %dma_start3A_62 = tpu.memref_squeeze %dma_start3A_61 : memref<1x1x128xi32, #tpu.memory_space<hbm>> -> memref<1x128xi32, #tpu.memory_space<hbm>>
        tpu.enqueue_dma source(%dma_start3A_62 : memref<1x128xi32, #tpu.memory_space<hbm>>) target(%arg4 : memref<1x128xi32, #tpu.memory_space<vmem>>) target_semaphore(%run_scoped3A_57 : memref<!tpu.dma_semaphore, #tpu.memory_space<semaphore_mem>>)
        %dma_wait3A = arith.constant 0 : i32
        %dma_wait3A_63 = tpu.memref_slice %arg2[%add3A, %scan3A_54, %dma_wait3A] : memref<32x79x128xi32, #tpu.memory_space<hbm>> -> memref<1x1x128xi32, #tpu.memory_space<hbm>>
        %dma_wait3A_64 = tpu.memref_squeeze %dma_wait3A_63 : memref<1x1x128xi32, #tpu.memory_space<hbm>> -> memref<1x128xi32, #tpu.memory_space<hbm>>
        %dma_wait3A_65 = arith.constant 0 : i32
        %dma_wait3A_66 = tpu.memref_slice %arg2[%add3A, %scan3A_54, %dma_wait3A_65] : memref<32x79x128xi32, #tpu.memory_space<hbm>> -> memref<1x1x128xi32, #tpu.memory_space<hbm>>
        %dma_wait3A_67 = tpu.memref_squeeze %dma_wait3A_66 : memref<1x1x128xi32, #tpu.memory_space<hbm>> -> memref<1x128xi32, #tpu.memory_space<hbm>>
        tpu.wait_dma2 semaphore(%run_scoped3A_57 : memref<!tpu.dma_semaphore, #tpu.memory_space<semaphore_mem>>) src(%dma_wait3A_67 : memref<1x128xi32, #tpu.memory_space<hbm>>) dst(%arg4 : memref<1x128xi32, #tpu.memory_space<vmem>>)
        tpu.yield
      }) : () -> ()
      %run_scoped3A = arith.constant 0 : i32
      "tpu.region"() ({
        %run_scoped3A_57 = tpu.sem_alloc : memref<!tpu.dma_semaphore, #tpu.memory_space<semaphore_mem>>
        %dma_start3A = arith.constant 0 : i32
        %dma_start3A_58 = tpu.memref_slice %arg4[%run_scoped3A, %dma_start3A] : memref<1x128xi32, #tpu.memory_space<vmem>> -> memref<1x128xi32, #tpu.memory_space<vmem>>
        %dma_start3A_59 = tpu.memref_squeeze %dma_start3A_58 : memref<1x128xi32, #tpu.memory_space<vmem>> -> memref<128xi32, #tpu.memory_space<vmem>>
        %dma_start3A_60 = arith.constant 0 : i32
        %dma_start3A_61 = arith.constant 0 : i32
        %dma_start3A_62 = tpu.memref_slice %arg6[%dma_start3A_60, %dma_start3A_61] : memref<10240x128xf32, #tpu.memory_space<vmem_shared>> -> memref<10240x128xf32, #tpu.memory_space<vmem_shared>>
        tpu.enqueue_indirect_dma source(%arg5 : memref<128x128xf32, #tpu.memory_space<vmem>>) target(%dma_start3A_62 : memref<10240x128xf32, #tpu.memory_space<vmem_shared>>) offsets(%dma_start3A_59 : memref<128xi32, #tpu.memory_space<vmem>>) semaphore(%run_scoped3A_57 : memref<!tpu.dma_semaphore, #tpu.memory_space<semaphore_mem>>) {add = true}
        %dma_wait3A = arith.constant 0 : i32
        %dma_wait3A_63 = tpu.memref_slice %arg4[%run_scoped3A, %dma_wait3A] : memref<1x128xi32, #tpu.memory_space<vmem>> -> memref<1x128xi32, #tpu.memory_space<vmem>>
        %dma_wait3A_64 = tpu.memref_squeeze %dma_wait3A_63 : memref<1x128xi32, #tpu.memory_space<vmem>> -> memref<128xi32, #tpu.memory_space<vmem>>
        %dma_wait3A_65 = arith.constant 0 : i32
        %dma_wait3A_66 = arith.constant 0 : i32
        %dma_wait3A_67 = tpu.memref_slice %arg6[%dma_wait3A_65, %dma_wait3A_66] : memref<10240x128xf32, #tpu.memory_space<vmem_shared>> -> memref<10240x128xf32, #tpu.memory_space<vmem_shared>>
        tpu.wait_indirect_dma semaphore(%run_scoped3A_57 : memref<!tpu.dma_semaphore, #tpu.memory_space<semaphore_mem>>) src(%arg5 : memref<128x128xf32, #tpu.memory_space<vmem>>) dst(%dma_wait3A_67 : memref<10240x128xf32, #tpu.memory_space<vmem_shared>>)
        tpu.yield
      }) : () -> ()
      %scan3A_56 = arith.constant 0 : i32
      scf.yield %scan3A_56 : i32
    }
    %scan3A_32 = arith.constant 79 : i32
    %barrier3A_33 = arith.constant 0 : index
    tpu.barrier barrier_id(%barrier3A_33)
    %add3A_34 = arith.constant 0 : i32
    %add3A_35 = arith.addi %mul3A_2, %add3A_34 : i32
    "tpu.region"() ({
      %run_scoped3A = tpu.sem_alloc : memref<!tpu.dma_semaphore, #tpu.memory_space<semaphore_mem>>
      %dma_start3A = arith.constant 0 : i32
      %dma_start3A_54 = tpu.memref_slice %arg6[%add3A_35, %dma_start3A] : memref<10240x128xf32, #tpu.memory_space<vmem_shared>> -> memref<128x128xf32, #tpu.memory_space<vmem_shared>>
      %dma_start3A_55 = arith.constant 0 : i32
      %dma_start3A_56 = tpu.memref_slice %arg6[%add3A_35, %dma_start3A_55] : memref<10240x128xf32, #tpu.memory_space<vmem_shared>> -> memref<128x128xf32, #tpu.memory_space<vmem_shared>>
      tpu.enqueue_dma source(%dma_start3A_56 : memref<128x128xf32, #tpu.memory_space<vmem_shared>>) target(%arg5 : memref<128x128xf32, #tpu.memory_space<vmem>>) target_semaphore(%run_scoped3A : memref<!tpu.dma_semaphore, #tpu.memory_space<semaphore_mem>>)
      %dma_wait3A = arith.constant 0 : i32
      %dma_wait3A_57 = tpu.memref_slice %arg6[%add3A_35, %dma_wait3A] : memref<10240x128xf32, #tpu.memory_space<vmem_shared>> -> memref<128x128xf32, #tpu.memory_space<vmem_shared>>
      %dma_wait3A_58 = arith.constant 0 : i32
      %dma_wait3A_59 = tpu.memref_slice %arg6[%add3A_35, %dma_wait3A_58] : memref<10240x128xf32, #tpu.memory_space<vmem_shared>> -> memref<128x128xf32, #tpu.memory_space<vmem_shared>>
      tpu.wait_dma2 semaphore(%run_scoped3A : memref<!tpu.dma_semaphore, #tpu.memory_space<semaphore_mem>>) src(%dma_wait3A_59 : memref<128x128xf32, #tpu.memory_space<vmem_shared>>) dst(%arg5 : memref<128x128xf32, #tpu.memory_space<vmem>>)
      tpu.yield
    }) : () -> ()
    %add3A_36 = arith.constant 0 : i32
    %add3A_37 = arith.addi %mul3A_2, %add3A_36 : i32
    "tpu.region"() ({
      %run_scoped3A = tpu.sem_alloc : memref<!tpu.dma_semaphore, #tpu.memory_space<semaphore_mem>>
      %dma_start3A = arith.constant 0 : i32
      %dma_start3A_54 = tpu.memref_slice %arg3[%arg0, %add3A_37, %dma_start3A] : memref<2x10240x128xf32, #tpu.memory_space<hbm>> -> memref<1x128x128xf32, #tpu.memory_space<hbm>>
      %dma_start3A_55 = tpu.memref_squeeze %dma_start3A_54 : memref<1x128x128xf32, #tpu.memory_space<hbm>> -> memref<128x128xf32, #tpu.memory_space<hbm>>
      %dma_start3A_56 = arith.constant 0 : i32
      %dma_start3A_57 = tpu.memref_slice %arg3[%arg0, %add3A_37, %dma_start3A_56] : memref<2x10240x128xf32, #tpu.memory_space<hbm>> -> memref<1x128x128xf32, #tpu.memory_space<hbm>>
      %dma_start3A_58 = tpu.memref_squeeze %dma_start3A_57 : memref<1x128x128xf32, #tpu.memory_space<hbm>> -> memref<128x128xf32, #tpu.memory_space<hbm>>
      tpu.enqueue_dma source(%arg5 : memref<128x128xf32, #tpu.memory_space<vmem>>) target(%dma_start3A_58 : memref<128x128xf32, #tpu.memory_space<hbm>>) target_semaphore(%run_scoped3A : memref<!tpu.dma_semaphore, #tpu.memory_space<semaphore_mem>>)
      %dma_wait3A = arith.constant 0 : i32
      %dma_wait3A_59 = tpu.memref_slice %arg3[%arg0, %add3A_37, %dma_wait3A] : memref<2x10240x128xf32, #tpu.memory_space<hbm>> -> memref<1x128x128xf32, #tpu.memory_space<hbm>>
      %dma_wait3A_60 = tpu.memref_squeeze %dma_wait3A_59 : memref<1x128x128xf32, #tpu.memory_space<hbm>> -> memref<128x128xf32, #tpu.memory_space<hbm>>
      %dma_wait3A_61 = arith.constant 0 : i32
      %dma_wait3A_62 = tpu.memref_slice %arg3[%arg0, %add3A_37, %dma_wait3A_61] : memref<2x10240x128xf32, #tpu.memory_space<hbm>> -> memref<1x128x128xf32, #tpu.memory_space<hbm>>
      %dma_wait3A_63 = tpu.memref_squeeze %dma_wait3A_62 : memref<1x128x128xf32, #tpu.memory_space<hbm>> -> memref<128x128xf32, #tpu.memory_space<hbm>>
      tpu.wait_dma2 semaphore(%run_scoped3A : memref<!tpu.dma_semaphore, #tpu.memory_space<semaphore_mem>>) src(%arg5 : memref<128x128xf32, #tpu.memory_space<vmem>>) dst(%dma_wait3A_63 : memref<128x128xf32, #tpu.memory_space<hbm>>)
      tpu.yield
    }) : () -> ()
    %add3A_38 = arith.constant 128 : i32
    %add3A_39 = arith.addi %mul3A_2, %add3A_38 : i32
    "tpu.region"() ({
      %run_scoped3A = tpu.sem_alloc : memref<!tpu.dma_semaphore, #tpu.memory_space<semaphore_mem>>
      %dma_start3A = arith.constant 0 : i32
      %dma_start3A_54 = tpu.memref_slice %arg6[%add3A_39, %dma_start3A] : memref<10240x128xf32, #tpu.memory_space<vmem_shared>> -> memref<128x128xf32, #tpu.memory_space<vmem_shared>>
      %dma_start3A_55 = arith.constant 0 : i32
      %dma_start3A_56 = tpu.memref_slice %arg6[%add3A_39, %dma_start3A_55] : memref<10240x128xf32, #tpu.memory_space<vmem_shared>> -> memref<128x128xf32, #tpu.memory_space<vmem_shared>>
      tpu.enqueue_dma source(%dma_start3A_56 : memref<128x128xf32, #tpu.memory_space<vmem_shared>>) target(%arg5 : memref<128x128xf32, #tpu.memory_space<vmem>>) target_semaphore(%run_scoped3A : memref<!tpu.dma_semaphore, #tpu.memory_space<semaphore_mem>>)
      %dma_wait3A = arith.constant 0 : i32
      %dma_wait3A_57 = tpu.memref_slice %arg6[%add3A_39, %dma_wait3A] : memref<10240x128xf32, #tpu.memory_space<vmem_shared>> -> memref<128x128xf32, #tpu.memory_space<vmem_shared>>
      %dma_wait3A_58 = arith.constant 0 : i32
      %dma_wait3A_59 = tpu.memref_slice %arg6[%add3A_39, %dma_wait3A_58] : memref<10240x128xf32, #tpu.memory_space<vmem_shared>> -> memref<128x128xf32, #tpu.memory_space<vmem_shared>>
      tpu.wait_dma2 semaphore(%run_scoped3A : memref<!tpu.dma_semaphore, #tpu.memory_space<semaphore_mem>>) src(%dma_wait3A_59 : memref<128x128xf32, #tpu.memory_space<vmem_shared>>) dst(%arg5 : memref<128x128xf32, #tpu.memory_space<vmem>>)
      tpu.yield
    }) : () -> ()
    %add3A_40 = arith.constant 128 : i32
    %add3A_41 = arith.addi %mul3A_2, %add3A_40 : i32
    "tpu.region"() ({
      %run_scoped3A = tpu.sem_alloc : memref<!tpu.dma_semaphore, #tpu.memory_space<semaphore_mem>>
      %dma_start3A = arith.constant 0 : i32
      %dma_start3A_54 = tpu.memref_slice %arg3[%arg0, %add3A_41, %dma_start3A] : memref<2x10240x128xf32, #tpu.memory_space<hbm>> -> memref<1x128x128xf32, #tpu.memory_space<hbm>>
      %dma_start3A_55 = tpu.memref_squeeze %dma_start3A_54 : memref<1x128x128xf32, #tpu.memory_space<hbm>> -> memref<128x128xf32, #tpu.memory_space<hbm>>
      %dma_start3A_56 = arith.constant 0 : i32
      %dma_start3A_57 = tpu.memref_slice %arg3[%arg0, %add3A_41, %dma_start3A_56] : memref<2x10240x128xf32, #tpu.memory_space<hbm>> -> memref<1x128x128xf32, #tpu.memory_space<hbm>>
      %dma_start3A_58 = tpu.memref_squeeze %dma_start3A_57 : memref<1x128x128xf32, #tpu.memory_space<hbm>> -> memref<128x128xf32, #tpu.memory_space<hbm>>
      tpu.enqueue_dma source(%arg5 : memref<128x128xf32, #tpu.memory_space<vmem>>) target(%dma_start3A_58 : memref<128x128xf32, #tpu.memory_space<hbm>>) target_semaphore(%run_scoped3A : memref<!tpu.dma_semaphore, #tpu.memory_space<semaphore_mem>>)
      %dma_wait3A = arith.constant 0 : i32
      %dma_wait3A_59 = tpu.memref_slice %arg3[%arg0, %add3A_41, %dma_wait3A] : memref<2x10240x128xf32, #tpu.memory_space<hbm>> -> memref<1x128x128xf32, #tpu.memory_space<hbm>>
      %dma_wait3A_60 = tpu.memref_squeeze %dma_wait3A_59 : memref<1x128x128xf32, #tpu.memory_space<hbm>> -> memref<128x128xf32, #tpu.memory_space<hbm>>
      %dma_wait3A_61 = arith.constant 0 : i32
      %dma_wait3A_62 = tpu.memref_slice %arg3[%arg0, %add3A_41, %dma_wait3A_61] : memref<2x10240x128xf32, #tpu.memory_space<hbm>> -> memref<1x128x128xf32, #tpu.memory_space<hbm>>
      %dma_wait3A_63 = tpu.memref_squeeze %dma_wait3A_62 : memref<1x128x128xf32, #tpu.memory_space<hbm>> -> memref<128x128xf32, #tpu.memory_space<hbm>>
      tpu.wait_dma2 semaphore(%run_scoped3A : memref<!tpu.dma_semaphore, #tpu.memory_space<semaphore_mem>>) src(%arg5 : memref<128x128xf32, #tpu.memory_space<vmem>>) dst(%dma_wait3A_63 : memref<128x128xf32, #tpu.memory_space<hbm>>)
      tpu.yield
    }) : () -> ()
    %add3A_42 = arith.constant 256 : i32
    %add3A_43 = arith.addi %mul3A_2, %add3A_42 : i32
    "tpu.region"() ({
      %run_scoped3A = tpu.sem_alloc : memref<!tpu.dma_semaphore, #tpu.memory_space<semaphore_mem>>
      %dma_start3A = arith.constant 0 : i32
      %dma_start3A_54 = tpu.memref_slice %arg6[%add3A_43, %dma_start3A] : memref<10240x128xf32, #tpu.memory_space<vmem_shared>> -> memref<128x128xf32, #tpu.memory_space<vmem_shared>>
      %dma_start3A_55 = arith.constant 0 : i32
      %dma_start3A_56 = tpu.memref_slice %arg6[%add3A_43, %dma_start3A_55] : memref<10240x128xf32, #tpu.memory_space<vmem_shared>> -> memref<128x128xf32, #tpu.memory_space<vmem_shared>>
      tpu.enqueue_dma source(%dma_start3A_56 : memref<128x128xf32, #tpu.memory_space<vmem_shared>>) target(%arg5 : memref<128x128xf32, #tpu.memory_space<vmem>>) target_semaphore(%run_scoped3A : memref<!tpu.dma_semaphore, #tpu.memory_space<semaphore_mem>>)
      %dma_wait3A = arith.constant 0 : i32
      %dma_wait3A_57 = tpu.memref_slice %arg6[%add3A_43, %dma_wait3A] : memref<10240x128xf32, #tpu.memory_space<vmem_shared>> -> memref<128x128xf32, #tpu.memory_space<vmem_shared>>
      %dma_wait3A_58 = arith.constant 0 : i32
      %dma_wait3A_59 = tpu.memref_slice %arg6[%add3A_43, %dma_wait3A_58] : memref<10240x128xf32, #tpu.memory_space<vmem_shared>> -> memref<128x128xf32, #tpu.memory_space<vmem_shared>>
      tpu.wait_dma2 semaphore(%run_scoped3A : memref<!tpu.dma_semaphore, #tpu.memory_space<semaphore_mem>>) src(%dma_wait3A_59 : memref<128x128xf32, #tpu.memory_space<vmem_shared>>) dst(%arg5 : memref<128x128xf32, #tpu.memory_space<vmem>>)
      tpu.yield
    }) : () -> ()
    %add3A_44 = arith.constant 256 : i32
    %add3A_45 = arith.addi %mul3A_2, %add3A_44 : i32
    "tpu.region"() ({
      %run_scoped3A = tpu.sem_alloc : memref<!tpu.dma_semaphore, #tpu.memory_space<semaphore_mem>>
      %dma_start3A = arith.constant 0 : i32
      %dma_start3A_54 = tpu.memref_slice %arg3[%arg0, %add3A_45, %dma_start3A] : memref<2x10240x128xf32, #tpu.memory_space<hbm>> -> memref<1x128x128xf32, #tpu.memory_space<hbm>>
      %dma_start3A_55 = tpu.memref_squeeze %dma_start3A_54 : memref<1x128x128xf32, #tpu.memory_space<hbm>> -> memref<128x128xf32, #tpu.memory_space<hbm>>
      %dma_start3A_56 = arith.constant 0 : i32
      %dma_start3A_57 = tpu.memref_slice %arg3[%arg0, %add3A_45, %dma_start3A_56] : memref<2x10240x128xf32, #tpu.memory_space<hbm>> -> memref<1x128x128xf32, #tpu.memory_space<hbm>>
      %dma_start3A_58 = tpu.memref_squeeze %dma_start3A_57 : memref<1x128x128xf32, #tpu.memory_space<hbm>> -> memref<128x128xf32, #tpu.memory_space<hbm>>
      tpu.enqueue_dma source(%arg5 : memref<128x128xf32, #tpu.memory_space<vmem>>) target(%dma_start3A_58 : memref<128x128xf32, #tpu.memory_space<hbm>>) target_semaphore(%run_scoped3A : memref<!tpu.dma_semaphore, #tpu.memory_space<semaphore_mem>>)
      %dma_wait3A = arith.constant 0 : i32
      %dma_wait3A_59 = tpu.memref_slice %arg3[%arg0, %add3A_45, %dma_wait3A] : memref<2x10240x128xf32, #tpu.memory_space<hbm>> -> memref<1x128x128xf32, #tpu.memory_space<hbm>>
      %dma_wait3A_60 = tpu.memref_squeeze %dma_wait3A_59 : memref<1x128x128xf32, #tpu.memory_space<hbm>> -> memref<128x128xf32, #tpu.memory_space<hbm>>
      %dma_wait3A_61 = arith.constant 0 : i32
      %dma_wait3A_62 = tpu.memref_slice %arg3[%arg0, %add3A_45, %dma_wait3A_61] : memref<2x10240x128xf32, #tpu.memory_space<hbm>> -> memref<1x128x128xf32, #tpu.memory_space<hbm>>
      %dma_wait3A_63 = tpu.memref_squeeze %dma_wait3A_62 : memref<1x128x128xf32, #tpu.memory_space<hbm>> -> memref<128x128xf32, #tpu.memory_space<hbm>>
      tpu.wait_dma2 semaphore(%run_scoped3A : memref<!tpu.dma_semaphore, #tpu.memory_space<semaphore_mem>>) src(%arg5 : memref<128x128xf32, #tpu.memory_space<vmem>>) dst(%dma_wait3A_63 : memref<128x128xf32, #tpu.memory_space<hbm>>)
      tpu.yield
    }) : () -> ()
    %add3A_46 = arith.constant 384 : i32
    %add3A_47 = arith.addi %mul3A_2, %add3A_46 : i32
    "tpu.region"() ({
      %run_scoped3A = tpu.sem_alloc : memref<!tpu.dma_semaphore, #tpu.memory_space<semaphore_mem>>
      %dma_start3A = arith.constant 0 : i32
      %dma_start3A_54 = tpu.memref_slice %arg6[%add3A_47, %dma_start3A] : memref<10240x128xf32, #tpu.memory_space<vmem_shared>> -> memref<128x128xf32, #tpu.memory_space<vmem_shared>>
      %dma_start3A_55 = arith.constant 0 : i32
      %dma_start3A_56 = tpu.memref_slice %arg6[%add3A_47, %dma_start3A_55] : memref<10240x128xf32, #tpu.memory_space<vmem_shared>> -> memref<128x128xf32, #tpu.memory_space<vmem_shared>>
      tpu.enqueue_dma source(%dma_start3A_56 : memref<128x128xf32, #tpu.memory_space<vmem_shared>>) target(%arg5 : memref<128x128xf32, #tpu.memory_space<vmem>>) target_semaphore(%run_scoped3A : memref<!tpu.dma_semaphore, #tpu.memory_space<semaphore_mem>>)
      %dma_wait3A = arith.constant 0 : i32
      %dma_wait3A_57 = tpu.memref_slice %arg6[%add3A_47, %dma_wait3A] : memref<10240x128xf32, #tpu.memory_space<vmem_shared>> -> memref<128x128xf32, #tpu.memory_space<vmem_shared>>
      %dma_wait3A_58 = arith.constant 0 : i32
      %dma_wait3A_59 = tpu.memref_slice %arg6[%add3A_47, %dma_wait3A_58] : memref<10240x128xf32, #tpu.memory_space<vmem_shared>> -> memref<128x128xf32, #tpu.memory_space<vmem_shared>>
      tpu.wait_dma2 semaphore(%run_scoped3A : memref<!tpu.dma_semaphore, #tpu.memory_space<semaphore_mem>>) src(%dma_wait3A_59 : memref<128x128xf32, #tpu.memory_space<vmem_shared>>) dst(%arg5 : memref<128x128xf32, #tpu.memory_space<vmem>>)
      tpu.yield
    }) : () -> ()
    %add3A_48 = arith.constant 384 : i32
    %add3A_49 = arith.addi %mul3A_2, %add3A_48 : i32
    "tpu.region"() ({
      %run_scoped3A = tpu.sem_alloc : memref<!tpu.dma_semaphore, #tpu.memory_space<semaphore_mem>>
      %dma_start3A = arith.constant 0 : i32
      %dma_start3A_54 = tpu.memref_slice %arg3[%arg0, %add3A_49, %dma_start3A] : memref<2x10240x128xf32, #tpu.memory_space<hbm>> -> memref<1x128x128xf32, #tpu.memory_space<hbm>>
      %dma_start3A_55 = tpu.memref_squeeze %dma_start3A_54 : memref<1x128x128xf32, #tpu.memory_space<hbm>> -> memref<128x128xf32, #tpu.memory_space<hbm>>
      %dma_start3A_56 = arith.constant 0 : i32
      %dma_start3A_57 = tpu.memref_slice %arg3[%arg0, %add3A_49, %dma_start3A_56] : memref<2x10240x128xf32, #tpu.memory_space<hbm>> -> memref<1x128x128xf32, #tpu.memory_space<hbm>>
      %dma_start3A_58 = tpu.memref_squeeze %dma_start3A_57 : memref<1x128x128xf32, #tpu.memory_space<hbm>> -> memref<128x128xf32, #tpu.memory_space<hbm>>
      tpu.enqueue_dma source(%arg5 : memref<128x128xf32, #tpu.memory_space<vmem>>) target(%dma_start3A_58 : memref<128x128xf32, #tpu.memory_space<hbm>>) target_semaphore(%run_scoped3A : memref<!tpu.dma_semaphore, #tpu.memory_space<semaphore_mem>>)
      %dma_wait3A = arith.constant 0 : i32
      %dma_wait3A_59 = tpu.memref_slice %arg3[%arg0, %add3A_49, %dma_wait3A] : memref<2x10240x128xf32, #tpu.memory_space<hbm>> -> memref<1x128x128xf32, #tpu.memory_space<hbm>>
      %dma_wait3A_60 = tpu.memref_squeeze %dma_wait3A_59 : memref<1x128x128xf32, #tpu.memory_space<hbm>> -> memref<128x128xf32, #tpu.memory_space<hbm>>
      %dma_wait3A_61 = arith.constant 0 : i32
      %dma_wait3A_62 = tpu.memref_slice %arg3[%arg0, %add3A_49, %dma_wait3A_61] : memref<2x10240x128xf32, #tpu.memory_space<hbm>> -> memref<1x128x128xf32, #tpu.memory_space<hbm>>
      %dma_wait3A_63 = tpu.memref_squeeze %dma_wait3A_62 : memref<1x128x128xf32, #tpu.memory_space<hbm>> -> memref<128x128xf32, #tpu.memory_space<hbm>>
      tpu.wait_dma2 semaphore(%run_scoped3A : memref<!tpu.dma_semaphore, #tpu.memory_space<semaphore_mem>>) src(%arg5 : memref<128x128xf32, #tpu.memory_space<vmem>>) dst(%dma_wait3A_63 : memref<128x128xf32, #tpu.memory_space<hbm>>)
      tpu.yield
    }) : () -> ()
    %add3A_50 = arith.constant 512 : i32
    %add3A_51 = arith.addi %mul3A_2, %add3A_50 : i32
    "tpu.region"() ({
      %run_scoped3A = tpu.sem_alloc : memref<!tpu.dma_semaphore, #tpu.memory_space<semaphore_mem>>
      %dma_start3A = arith.constant 0 : i32
      %dma_start3A_54 = tpu.memref_slice %arg6[%add3A_51, %dma_start3A] : memref<10240x128xf32, #tpu.memory_space<vmem_shared>> -> memref<128x128xf32, #tpu.memory_space<vmem_shared>>
      %dma_start3A_55 = arith.constant 0 : i32
      %dma_start3A_56 = tpu.memref_slice %arg6[%add3A_51, %dma_start3A_55] : memref<10240x128xf32, #tpu.memory_space<vmem_shared>> -> memref<128x128xf32, #tpu.memory_space<vmem_shared>>
      tpu.enqueue_dma source(%dma_start3A_56 : memref<128x128xf32, #tpu.memory_space<vmem_shared>>) target(%arg5 : memref<128x128xf32, #tpu.memory_space<vmem>>) target_semaphore(%run_scoped3A : memref<!tpu.dma_semaphore, #tpu.memory_space<semaphore_mem>>)
      %dma_wait3A = arith.constant 0 : i32
      %dma_wait3A_57 = tpu.memref_slice %arg6[%add3A_51, %dma_wait3A] : memref<10240x128xf32, #tpu.memory_space<vmem_shared>> -> memref<128x128xf32, #tpu.memory_space<vmem_shared>>
      %dma_wait3A_58 = arith.constant 0 : i32
      %dma_wait3A_59 = tpu.memref_slice %arg6[%add3A_51, %dma_wait3A_58] : memref<10240x128xf32, #tpu.memory_space<vmem_shared>> -> memref<128x128xf32, #tpu.memory_space<vmem_shared>>
      tpu.wait_dma2 semaphore(%run_scoped3A : memref<!tpu.dma_semaphore, #tpu.memory_space<semaphore_mem>>) src(%dma_wait3A_59 : memref<128x128xf32, #tpu.memory_space<vmem_shared>>) dst(%arg5 : memref<128x128xf32, #tpu.memory_space<vmem>>)
      tpu.yield
    }) : () -> ()
    %add3A_52 = arith.constant 512 : i32
    %add3A_53 = arith.addi %mul3A_2, %add3A_52 : i32
    "tpu.region"() ({
      %run_scoped3A = tpu.sem_alloc : memref<!tpu.dma_semaphore, #tpu.memory_space<semaphore_mem>>
      %dma_start3A = arith.constant 0 : i32
      %dma_start3A_54 = tpu.memref_slice %arg3[%arg0, %add3A_53, %dma_start3A] : memref<2x10240x128xf32, #tpu.memory_space<hbm>> -> memref<1x128x128xf32, #tpu.memory_space<hbm>>
      %dma_start3A_55 = tpu.memref_squeeze %dma_start3A_54 : memref<1x128x128xf32, #tpu.memory_space<hbm>> -> memref<128x128xf32, #tpu.memory_space<hbm>>
      %dma_start3A_56 = arith.constant 0 : i32
      %dma_start3A_57 = tpu.memref_slice %arg3[%arg0, %add3A_53, %dma_start3A_56] : memref<2x10240x128xf32, #tpu.memory_space<hbm>> -> memref<1x128x128xf32, #tpu.memory_space<hbm>>
      %dma_start3A_58 = tpu.memref_squeeze %dma_start3A_57 : memref<1x128x128xf32, #tpu.memory_space<hbm>> -> memref<128x128xf32, #tpu.memory_space<hbm>>
      tpu.enqueue_dma source(%arg5 : memref<128x128xf32, #tpu.memory_space<vmem>>) target(%dma_start3A_58 : memref<128x128xf32, #tpu.memory_space<hbm>>) target_semaphore(%run_scoped3A : memref<!tpu.dma_semaphore, #tpu.memory_space<semaphore_mem>>)
      %dma_wait3A = arith.constant 0 : i32
      %dma_wait3A_59 = tpu.memref_slice %arg3[%arg0, %add3A_53, %dma_wait3A] : memref<2x10240x128xf32, #tpu.memory_space<hbm>> -> memref<1x128x128xf32, #tpu.memory_space<hbm>>
      %dma_wait3A_60 = tpu.memref_squeeze %dma_wait3A_59 : memref<1x128x128xf32, #tpu.memory_space<hbm>> -> memref<128x128xf32, #tpu.memory_space<hbm>>
      %dma_wait3A_61 = arith.constant 0 : i32
      %dma_wait3A_62 = tpu.memref_slice %arg3[%arg0, %add3A_53, %dma_wait3A_61] : memref<2x10240x128xf32, #tpu.memory_space<hbm>> -> memref<1x128x128xf32, #tpu.memory_space<hbm>>
      %dma_wait3A_63 = tpu.memref_squeeze %dma_wait3A_62 : memref<1x128x128xf32, #tpu.memory_space<hbm>> -> memref<128x128xf32, #tpu.memory_space<hbm>>
      tpu.wait_dma2 semaphore(%run_scoped3A : memref<!tpu.dma_semaphore, #tpu.memory_space<semaphore_mem>>) src(%arg5 : memref<128x128xf32, #tpu.memory_space<vmem>>) dst(%dma_wait3A_63 : memref<128x128xf32, #tpu.memory_space<hbm>>)
      tpu.yield
    }) : () -> ()
    return
  }
}

module attributes {stable_mosaic.version = 14 : i64} {
  func.func @_tc1_body(%arg0: i32, %arg1: memref<2000x128xf32, #tpu.memory_space<vmem>>, %arg2: memref<128x128xf32, #tpu.memory_space<vmem>>, %arg3: memref<128x128xf32, #tpu.memory_space<vmem>>, %arg4: memref<1x128xf32, #tpu.memory_space<vmem>>, %arg5: memref<2000x128xf32, #tpu.memory_space<vmem>>, %arg6: memref<2000x128xf32, #tpu.memory_space<vmem>>) attributes {dimension_semantics = [#tpu.dimension_semantics<arbitrary>], iteration_bounds = array<i64: 5>, scalar_prefetch = 0 : i64, scratch_operands = 0 : i64, tpu.core_type = #tpu.core_type<tc>, window_params = [{transform_indices = @transform_0, window_bounds = array<i64: 2000, 128>}, {pipeline_mode = #tpu.pipeline_mode<synchronous>, transform_indices = @transform_1, window_bounds = array<i64: 128, 128>}, {pipeline_mode = #tpu.pipeline_mode<synchronous>, transform_indices = @transform_2, window_bounds = array<i64: 128, 128>}, {pipeline_mode = #tpu.pipeline_mode<synchronous>, transform_indices = @transform_3, window_bounds = array<i64: 1, 128>}, {transform_indices = @transform_4, window_bounds = array<i64: 2000, 128>}, {transform_indices = @transform_5, window_bounds = array<i64: 2000, 128>}]} {
    %get3A = arith.constant 0 : index
    %get3A_0 = arith.constant 0 : index
    %get3A_1 = vector.load %arg1[%get3A, %get3A_0] : memref<2000x128xf32, #tpu.memory_space<vmem>>, vector<2000x128xf32>
    %get3A_2 = arith.constant 0 : index
    %get3A_3 = arith.constant 0 : index
    %get3A_4 = vector.load %arg2[%get3A_2, %get3A_3] : memref<128x128xf32, #tpu.memory_space<vmem>>, vector<128x128xf32>
    %dot_general3A = arith.constant dense<0.000000e+00> : vector<2000x128xf32>
    %dot_general3A_5 = tpu.matmul %get3A_1, %get3A_4, %dot_general3A {dimension_numbers = #tpu.dot_dimension_numbers<[1], [0], [0], [1], [0, 0, 1, 1], [], []>, transpose_lhs_hint = false} : vector<2000x128xf32>, vector<128x128xf32>, vector<2000x128xf32> -> vector<2000x128xf32>
    %swap3A = arith.constant 0 : index
    %swap3A_6 = arith.constant 0 : index
    %swap3A_7 = vector.load %arg5[%swap3A, %swap3A_6] : memref<2000x128xf32, #tpu.memory_space<vmem>>, vector<2000x128xf32>
    tpu.vector_store %arg5[%swap3A, %swap3A_6], %dot_general3A_5 {strides = array<i32>} : memref<2000x128xf32, #tpu.memory_space<vmem>>, vector<2000x128xf32>,
    %get3A_8 = arith.constant 0 : index
    %get3A_9 = arith.constant 0 : index
    %get3A_10 = vector.load %arg3[%get3A_8, %get3A_9] : memref<128x128xf32, #tpu.memory_space<vmem>>, vector<128x128xf32>
    %dot_general3A_11 = arith.constant dense<0.000000e+00> : vector<2000x128xf32>
    %dot_general3A_12 = tpu.matmul %get3A_1, %get3A_10, %dot_general3A_11 {dimension_numbers = #tpu.dot_dimension_numbers<[1], [0], [0], [1], [0, 0, 1, 1], [], []>, transpose_lhs_hint = false} : vector<2000x128xf32>, vector<128x128xf32>, vector<2000x128xf32> -> vector<2000x128xf32>
    %get3A_13 = arith.constant 0 : index
    %get3A_14 = arith.constant 0 : index
    %get3A_15 = vector.load %arg4[%get3A_13, %get3A_14] : memref<1x128xf32, #tpu.memory_space<vmem>>, vector<1x128xf32>
    %add3A = vector.broadcast %get3A_15 : vector<1x128xf32> to vector<2000x128xf32>
    %add3A_16 = arith.addf %dot_general3A_12, %add3A : vector<2000x128xf32>
    %swap3A_17 = arith.constant 0 : index
    %swap3A_18 = arith.constant 0 : index
    %swap3A_19 = vector.load %arg6[%swap3A_17, %swap3A_18] : memref<2000x128xf32, #tpu.memory_space<vmem>>, vector<2000x128xf32>
    tpu.vector_store %arg6[%swap3A_17, %swap3A_18], %add3A_16 {strides = array<i32>} : memref<2000x128xf32, #tpu.memory_space<vmem>>, vector<2000x128xf32>,
    return
  }
  func.func @transform_0(%arg0: i32) -> (i32, i32) {
    %c0_i32 = arith.constant 0 : i32
    %c0_i32_0 = arith.constant 0 : i32
    return %arg0, %c0_i32 : i32, i32
  }
  func.func @transform_1(%arg0: i32) -> (i32, i32) {
    %c0_i32 = arith.constant 0 : i32
    %c0_i32_0 = arith.constant 0 : i32
    %c0_i32_1 = arith.constant 0 : i32
    return %c0_i32, %c0_i32_0 : i32, i32
  }
  func.func @transform_2(%arg0: i32) -> (i32, i32) {
    %c0_i32 = arith.constant 0 : i32
    %c0_i32_0 = arith.constant 0 : i32
    %c0_i32_1 = arith.constant 0 : i32
    return %c0_i32, %c0_i32_0 : i32, i32
  }
  func.func @transform_3(%arg0: i32) -> (i32, i32) {
    %c0_i32 = arith.constant 0 : i32
    %c0_i32_0 = arith.constant 0 : i32
    %c0_i32_1 = arith.constant 0 : i32
    return %c0_i32, %c0_i32_0 : i32, i32
  }
  func.func @transform_4(%arg0: i32) -> (i32, i32) {
    %c0_i32 = arith.constant 0 : i32
    %c0_i32_0 = arith.constant 0 : i32
    return %arg0, %c0_i32 : i32, i32
  }
  func.func @transform_5(%arg0: i32) -> (i32, i32) {
    %c0_i32 = arith.constant 0 : i32
    %c0_i32_0 = arith.constant 0 : i32
    return %arg0, %c0_i32 : i32, i32
  }
}

module attributes {stable_mosaic.version = 14 : i64} {
  func.func @_tc2_body(%arg0: i32, %arg1: memref<2x2000x128xf32, #tpu.memory_space<vmem>>, %arg2: memref<2x2000x128xf32, #tpu.memory_space<vmem>>, %arg3: memref<2000x128xf32, #tpu.memory_space<vmem>>, %arg4: memref<128x128xf32, #tpu.memory_space<vmem>>, %arg5: memref<128x128xf32, #tpu.memory_space<vmem>>, %arg6: memref<1x128xf32, #tpu.memory_space<vmem>>, %arg7: memref<2000x128xf32, #tpu.memory_space<vmem>>, %arg8: memref<2000x128xf32, #tpu.memory_space<vmem>>) attributes {dimension_semantics = [#tpu.dimension_semantics<arbitrary>], iteration_bounds = array<i64: 5>, scalar_prefetch = 0 : i64, scratch_operands = 0 : i64, tpu.core_type = #tpu.core_type<tc>, window_params = [{transform_indices = @transform_0, window_bounds = array<i64: 2, 2000, 128>}, {transform_indices = @transform_1, window_bounds = array<i64: 2, 2000, 128>}, {transform_indices = @transform_2, window_bounds = array<i64: 2000, 128>}, {pipeline_mode = #tpu.pipeline_mode<synchronous>, transform_indices = @transform_3, window_bounds = array<i64: 128, 128>}, {pipeline_mode = #tpu.pipeline_mode<synchronous>, transform_indices = @transform_4, window_bounds = array<i64: 128, 128>}, {pipeline_mode = #tpu.pipeline_mode<synchronous>, transform_indices = @transform_5, window_bounds = array<i64: 1, 128>}, {transform_indices = @transform_6, window_bounds = array<i64: 2000, 128>}, {transform_indices = @transform_7, window_bounds = array<i64: 2000, 128>}]} {
    %get3A = arith.constant 0 : index
    %get3A_0 = arith.constant 0 : index
    %get3A_1 = arith.constant 0 : index
    %get3A_2 = vector.load %arg2[%get3A, %get3A_0, %get3A_1] : memref<2x2000x128xf32, #tpu.memory_space<vmem>>, vector<1x2000x1xf32>
    %get3A_3 = vector.shape_cast %get3A_2 : vector<1x2000x1xf32> to vector<2000x1xf32>
    %get3A_4 = arith.constant 1 : index
    %get3A_5 = arith.constant 0 : index
    %get3A_6 = arith.constant 0 : index
    %get3A_7 = vector.load %arg2[%get3A_4, %get3A_5, %get3A_6] : memref<2x2000x128xf32, #tpu.memory_space<vmem>>, vector<1x2000x1xf32>
    %get3A_8 = vector.shape_cast %get3A_7 : vector<1x2000x1xf32> to vector<2000x1xf32>
    %add3A = arith.addf %get3A_3, %get3A_8 : vector<2000x1xf32>
    %max3A = arith.constant 1.000000e+00 : f32
    %max3A_9 = vector.broadcast %max3A : f32 to vector<2000x1xf32>
    %max3A_10 = arith.maximumf %add3A, %max3A_9 : vector<2000x1xf32>
    %div3A = arith.constant 1.000000e+00 : f32
    %div3A_11 = vector.broadcast %div3A : f32 to vector<2000x1xf32>
    %div3A_12 = arith.divf %div3A_11, %max3A_10 : vector<2000x1xf32>
    %get3A_13 = arith.constant 0 : index
    %get3A_14 = arith.constant 0 : index
    %get3A_15 = arith.constant 0 : index
    %get3A_16 = vector.load %arg1[%get3A_13, %get3A_14, %get3A_15] : memref<2x2000x128xf32, #tpu.memory_space<vmem>>, vector<1x2000x128xf32>
    %get3A_17 = vector.shape_cast %get3A_16 : vector<1x2000x128xf32> to vector<2000x128xf32>
    %get3A_18 = arith.constant 1 : index
    %get3A_19 = arith.constant 0 : index
    %get3A_20 = arith.constant 0 : index
    %get3A_21 = vector.load %arg1[%get3A_18, %get3A_19, %get3A_20] : memref<2x2000x128xf32, #tpu.memory_space<vmem>>, vector<1x2000x128xf32>
    %get3A_22 = vector.shape_cast %get3A_21 : vector<1x2000x128xf32> to vector<2000x128xf32>
    %add3A_23 = arith.addf %get3A_17, %get3A_22 : vector<2000x128xf32>
    %mul3A = vector.broadcast %div3A_12 : vector<2000x1xf32> to vector<2000x128xf32>
    %mul3A_24 = arith.mulf %add3A_23, %mul3A : vector<2000x128xf32>
    %get3A_25 = arith.constant 0 : index
    %get3A_26 = arith.constant 0 : index
    %get3A_27 = vector.load %arg3[%get3A_25, %get3A_26] : memref<2000x128xf32, #tpu.memory_space<vmem>>, vector<2000x128xf32>
    %add3A_28 = arith.addf %mul3A_24, %get3A_27 : vector<2000x128xf32>
    %max3A_29 = arith.constant 0.000000e+00 : f32
    %max3A_30 = vector.broadcast %max3A_29 : f32 to vector<2000x128xf32>
    %max3A_31 = arith.maximumf %add3A_28, %max3A_30 : vector<2000x128xf32>
    %get3A_32 = arith.constant 0 : index
    %get3A_33 = arith.constant 0 : index
    %get3A_34 = vector.load %arg4[%get3A_32, %get3A_33] : memref<128x128xf32, #tpu.memory_space<vmem>>, vector<128x128xf32>
    %dot_general3A = arith.constant dense<0.000000e+00> : vector<2000x128xf32>
    %dot_general3A_35 = tpu.matmul %max3A_31, %get3A_34, %dot_general3A {dimension_numbers = #tpu.dot_dimension_numbers<[1], [0], [0], [1], [0, 0, 1, 1], [], []>, transpose_lhs_hint = false} : vector<2000x128xf32>, vector<128x128xf32>, vector<2000x128xf32> -> vector<2000x128xf32>
    %swap3A = arith.constant 0 : index
    %swap3A_36 = arith.constant 0 : index
    %swap3A_37 = vector.load %arg7[%swap3A, %swap3A_36] : memref<2000x128xf32, #tpu.memory_space<vmem>>, vector<2000x128xf32>
    tpu.vector_store %arg7[%swap3A, %swap3A_36], %dot_general3A_35 {strides = array<i32>} : memref<2000x128xf32, #tpu.memory_space<vmem>>, vector<2000x128xf32>,
    %get3A_38 = arith.constant 0 : index
    %get3A_39 = arith.constant 0 : index
    %get3A_40 = vector.load %arg5[%get3A_38, %get3A_39] : memref<128x128xf32, #tpu.memory_space<vmem>>, vector<128x128xf32>
    %dot_general3A_41 = arith.constant dense<0.000000e+00> : vector<2000x128xf32>
    %dot_general3A_42 = tpu.matmul %max3A_31, %get3A_40, %dot_general3A_41 {dimension_numbers = #tpu.dot_dimension_numbers<[1], [0], [0], [1], [0, 0, 1, 1], [], []>, transpose_lhs_hint = false} : vector<2000x128xf32>, vector<128x128xf32>, vector<2000x128xf32> -> vector<2000x128xf32>
    %get3A_43 = arith.constant 0 : index
    %get3A_44 = arith.constant 0 : index
    %get3A_45 = vector.load %arg6[%get3A_43, %get3A_44] : memref<1x128xf32, #tpu.memory_space<vmem>>, vector<1x128xf32>
    %add3A_46 = vector.broadcast %get3A_45 : vector<1x128xf32> to vector<2000x128xf32>
    %add3A_47 = arith.addf %dot_general3A_42, %add3A_46 : vector<2000x128xf32>
    %swap3A_48 = arith.constant 0 : index
    %swap3A_49 = arith.constant 0 : index
    %swap3A_50 = vector.load %arg8[%swap3A_48, %swap3A_49] : memref<2000x128xf32, #tpu.memory_space<vmem>>, vector<2000x128xf32>
    tpu.vector_store %arg8[%swap3A_48, %swap3A_49], %add3A_47 {strides = array<i32>} : memref<2000x128xf32, #tpu.memory_space<vmem>>, vector<2000x128xf32>,
    return
  }
  func.func @transform_0(%arg0: i32) -> (i32, i32, i32) {
    %c0_i32 = arith.constant 0 : i32
    %c0_i32_0 = arith.constant 0 : i32
    %c0_i32_1 = arith.constant 0 : i32
    return %c0_i32, %arg0, %c0_i32_0 : i32, i32, i32
  }
  func.func @transform_1(%arg0: i32) -> (i32, i32, i32) {
    %c0_i32 = arith.constant 0 : i32
    %c0_i32_0 = arith.constant 0 : i32
    %c0_i32_1 = arith.constant 0 : i32
    return %c0_i32, %arg0, %c0_i32_0 : i32, i32, i32
  }
  func.func @transform_2(%arg0: i32) -> (i32, i32) {
    %c0_i32 = arith.constant 0 : i32
    %c0_i32_0 = arith.constant 0 : i32
    return %arg0, %c0_i32 : i32, i32
  }
  func.func @transform_3(%arg0: i32) -> (i32, i32) {
    %c0_i32 = arith.constant 0 : i32
    %c0_i32_0 = arith.constant 0 : i32
    %c0_i32_1 = arith.constant 0 : i32
    return %c0_i32, %c0_i32_0 : i32, i32
  }
  func.func @transform_4(%arg0: i32) -> (i32, i32) {
    %c0_i32 = arith.constant 0 : i32
    %c0_i32_0 = arith.constant 0 : i32
    %c0_i32_1 = arith.constant 0 : i32
    return %c0_i32, %c0_i32_0 : i32, i32
  }
  func.func @transform_5(%arg0: i32) -> (i32, i32) {
    %c0_i32 = arith.constant 0 : i32
    %c0_i32_0 = arith.constant 0 : i32
    %c0_i32_1 = arith.constant 0 : i32
    return %c0_i32, %c0_i32_0 : i32, i32
  }
  func.func @transform_6(%arg0: i32) -> (i32, i32) {
    %c0_i32 = arith.constant 0 : i32
    %c0_i32_0 = arith.constant 0 : i32
    return %arg0, %c0_i32 : i32, i32
  }
  func.func @transform_7(%arg0: i32) -> (i32, i32) {
    %c0_i32 = arith.constant 0 : i32
    %c0_i32_0 = arith.constant 0 : i32
    return %arg0, %c0_i32 : i32, i32
  }
}

module attributes {stable_mosaic.version = 14 : i64} {
  func.func @_tc3_body(%arg0: i32, %arg1: memref<2x2000x128xf32, #tpu.memory_space<vmem>>, %arg2: memref<2x2000x128xf32, #tpu.memory_space<vmem>>, %arg3: memref<2000x128xf32, #tpu.memory_space<vmem>>, %arg4: memref<128x64xf32, #tpu.memory_space<vmem>>, %arg5: memref<1x64xf32, #tpu.memory_space<vmem>>, %arg6: memref<2000x64xf32, #tpu.memory_space<vmem>>) attributes {dimension_semantics = [#tpu.dimension_semantics<arbitrary>], iteration_bounds = array<i64: 5>, scalar_prefetch = 0 : i64, scratch_operands = 0 : i64, tpu.core_type = #tpu.core_type<tc>, window_params = [{transform_indices = @transform_0, window_bounds = array<i64: 2, 2000, 128>}, {transform_indices = @transform_1, window_bounds = array<i64: 2, 2000, 128>}, {transform_indices = @transform_2, window_bounds = array<i64: 2000, 128>}, {pipeline_mode = #tpu.pipeline_mode<synchronous>, transform_indices = @transform_3, window_bounds = array<i64: 128, 64>}, {pipeline_mode = #tpu.pipeline_mode<synchronous>, transform_indices = @transform_4, window_bounds = array<i64: 1, 64>}, {transform_indices = @transform_5, window_bounds = array<i64: 2000, 64>}]} {
    %get3A = arith.constant 0 : index
    %get3A_0 = arith.constant 0 : index
    %get3A_1 = arith.constant 0 : index
    %get3A_2 = vector.load %arg2[%get3A, %get3A_0, %get3A_1] : memref<2x2000x128xf32, #tpu.memory_space<vmem>>, vector<1x2000x1xf32>
    %get3A_3 = vector.shape_cast %get3A_2 : vector<1x2000x1xf32> to vector<2000x1xf32>
    %get3A_4 = arith.constant 1 : index
    %get3A_5 = arith.constant 0 : index
    %get3A_6 = arith.constant 0 : index
    %get3A_7 = vector.load %arg2[%get3A_4, %get3A_5, %get3A_6] : memref<2x2000x128xf32, #tpu.memory_space<vmem>>, vector<1x2000x1xf32>
    %get3A_8 = vector.shape_cast %get3A_7 : vector<1x2000x1xf32> to vector<2000x1xf32>
    %add3A = arith.addf %get3A_3, %get3A_8 : vector<2000x1xf32>
    %max3A = arith.constant 1.000000e+00 : f32
    %max3A_9 = vector.broadcast %max3A : f32 to vector<2000x1xf32>
    %max3A_10 = arith.maximumf %add3A, %max3A_9 : vector<2000x1xf32>
    %div3A = arith.constant 1.000000e+00 : f32
    %div3A_11 = vector.broadcast %div3A : f32 to vector<2000x1xf32>
    %div3A_12 = arith.divf %div3A_11, %max3A_10 : vector<2000x1xf32>
    %get3A_13 = arith.constant 0 : index
    %get3A_14 = arith.constant 0 : index
    %get3A_15 = arith.constant 0 : index
    %get3A_16 = vector.load %arg1[%get3A_13, %get3A_14, %get3A_15] : memref<2x2000x128xf32, #tpu.memory_space<vmem>>, vector<1x2000x128xf32>
    %get3A_17 = vector.shape_cast %get3A_16 : vector<1x2000x128xf32> to vector<2000x128xf32>
    %get3A_18 = arith.constant 1 : index
    %get3A_19 = arith.constant 0 : index
    %get3A_20 = arith.constant 0 : index
    %get3A_21 = vector.load %arg1[%get3A_18, %get3A_19, %get3A_20] : memref<2x2000x128xf32, #tpu.memory_space<vmem>>, vector<1x2000x128xf32>
    %get3A_22 = vector.shape_cast %get3A_21 : vector<1x2000x128xf32> to vector<2000x128xf32>
    %add3A_23 = arith.addf %get3A_17, %get3A_22 : vector<2000x128xf32>
    %mul3A = vector.broadcast %div3A_12 : vector<2000x1xf32> to vector<2000x128xf32>
    %mul3A_24 = arith.mulf %add3A_23, %mul3A : vector<2000x128xf32>
    %get3A_25 = arith.constant 0 : index
    %get3A_26 = arith.constant 0 : index
    %get3A_27 = vector.load %arg3[%get3A_25, %get3A_26] : memref<2000x128xf32, #tpu.memory_space<vmem>>, vector<2000x128xf32>
    %add3A_28 = arith.addf %mul3A_24, %get3A_27 : vector<2000x128xf32>
    %get3A_29 = arith.constant 0 : index
    %get3A_30 = arith.constant 0 : index
    %get3A_31 = vector.load %arg4[%get3A_29, %get3A_30] : memref<128x64xf32, #tpu.memory_space<vmem>>, vector<128x64xf32>
    %dot_general3A = arith.constant dense<0.000000e+00> : vector<2000x64xf32>
    %dot_general3A_32 = tpu.matmul %add3A_28, %get3A_31, %dot_general3A {dimension_numbers = #tpu.dot_dimension_numbers<[1], [0], [0], [1], [0, 0, 1, 1], [], []>, transpose_lhs_hint = false} : vector<2000x128xf32>, vector<128x64xf32>, vector<2000x64xf32> -> vector<2000x64xf32>
    %get3A_33 = arith.constant 0 : index
    %get3A_34 = arith.constant 0 : index
    %get3A_35 = vector.load %arg5[%get3A_33, %get3A_34] : memref<1x64xf32, #tpu.memory_space<vmem>>, vector<1x64xf32>
    %add3A_36 = vector.broadcast %get3A_35 : vector<1x64xf32> to vector<2000x64xf32>
    %add3A_37 = arith.addf %dot_general3A_32, %add3A_36 : vector<2000x64xf32>
    %swap3A = arith.constant 0 : index
    %swap3A_38 = arith.constant 0 : index
    %swap3A_39 = vector.load %arg6[%swap3A, %swap3A_38] : memref<2000x64xf32, #tpu.memory_space<vmem>>, vector<2000x64xf32>
    tpu.vector_store %arg6[%swap3A, %swap3A_38], %add3A_37 {strides = array<i32>} : memref<2000x64xf32, #tpu.memory_space<vmem>>, vector<2000x64xf32>,
    return
  }
  func.func @transform_0(%arg0: i32) -> (i32, i32, i32) {
    %c0_i32 = arith.constant 0 : i32
    %c0_i32_0 = arith.constant 0 : i32
    %c0_i32_1 = arith.constant 0 : i32
    return %c0_i32, %arg0, %c0_i32_0 : i32, i32, i32
  }
  func.func @transform_1(%arg0: i32) -> (i32, i32, i32) {
    %c0_i32 = arith.constant 0 : i32
    %c0_i32_0 = arith.constant 0 : i32
    %c0_i32_1 = arith.constant 0 : i32
    return %c0_i32, %arg0, %c0_i32_0 : i32, i32, i32
  }
  func.func @transform_2(%arg0: i32) -> (i32, i32) {
    %c0_i32 = arith.constant 0 : i32
    %c0_i32_0 = arith.constant 0 : i32
    return %arg0, %c0_i32 : i32, i32
  }
  func.func @transform_3(%arg0: i32) -> (i32, i32) {
    %c0_i32 = arith.constant 0 : i32
    %c0_i32_0 = arith.constant 0 : i32
    %c0_i32_1 = arith.constant 0 : i32
    return %c0_i32, %c0_i32_0 : i32, i32
  }
  func.func @transform_4(%arg0: i32) -> (i32, i32) {
    %c0_i32 = arith.constant 0 : i32
    %c0_i32_0 = arith.constant 0 : i32
    %c0_i32_1 = arith.constant 0 : i32
    return %c0_i32, %c0_i32_0 : i32, i32
  }
  func.func @transform_5(%arg0: i32) -> (i32, i32) {
    %c0_i32 = arith.constant 0 : i32
    %c0_i32_0 = arith.constant 0 : i32
    return %arg0, %c0_i32 : i32, i32
  }
}

</mosaic_0001>

<sc_bundles>
// kernel: kernel.11.cloned.1.call-start
scs
__scs_entry_jumppad:
0x0: {  	(pc) =	sbr.rel $0x88, $3  }
0x1: {  	(tag) =	ssettag $0x0;
	lr =	simm.s32 $0x1  }
0x2: {  	[smem:$0x3F97] =	sst lr;
	_ =	strace $0xD0000000  }
0x3: {  	_ = 	snop  }
0x4: {  	_ = 	snop  }
0x5: {  	_ = 	snop  }
0x6: {  	_ = 	snop  }
0x7: {  	_ = 	snop  }
__scs_overlays_trampoline_lowered:
0x8: {  	[smem:$0x3FA6] =	sst s0  }
0x9: {  	[smem:$0x3FA7] =	sst s1  }
0xa: {  	[smem:$0x3FA8] =	sst s2  }
0xb: {  	[smem:$0x3FA9] =	sst s3  }
0xc: {  	[smem:$0x3FAA] =	sst s4  }
0xd: {  	[smem:$0x3FAB] =	sst s5  }
0xe: {  	[smem:$0x3FAC] =	sst s6  }
0xf: {  	[smem:$0x3FAD] =	sst s7  }
0x10: {  	[smem:$0x3FAE] =	sst s8  }
0x11: {  	[smem:$0x3FAF] =	sst s9;
	s0 =	simm.s32 @!p0 $0x0  }
0x12: {  	s1 =	sld [smem:$0x3F95];
	s0 =	simm.s32 @p0 $0x1  }
0x13: {  	[smem:$0x3FB0] =	sst s0;
	s0 =	simm.s32 @!p1 $0x0  }
0x14: {  	s2 =	sld [smem:$0x3F94];
	s0 =	simm.s32 @p1 $0x1  }
0x15: {  	[smem:$0x3FB1] =	sst s0;
	s0 =	simm.s32 @!p2 $0x0  }
0x16: {  	s3 =	sld [smem:$0x3FDB];
	s0 =	simm.s32 @p2 $0x1  }
0x17: {  	s4 =	simm.s32 $0x1BF5;
	[smem:$0x3FB3] =	sst s0  }
0x18: {  	s0 =	sld [smem:$0x3F96];
	_ =	swait.ge [sflag:s4], $0x0  }
0x19: {  	s7 =	sld [smem:$0x3F97]  }
0x1a: {  	s8 =	sadd.s32 $0xFFFFE003, lr  }
0x1b: {  	s9 =	sadd.s32 $0xFFFFFEF7, lr;
	s5 =	simm.s32 $0xFFFFFFFF;
	p2 =	slt.u32 s8, $0xFFFFF086  }
0x1c: {  	p1 =	slt.u32 s9, $0xF7A;
	s5 =	simm.s32 @!p2 $0x0  }
0x1d: {  	s5 =	simm.s32 @p1 $0x1;
	p0 =	seq.s32 s7, s2  }
0x1e: {  	s7 =	smul.u32 @!p0 $0xF7A, s2;
	p2 =	seq.s32 @!p0 s5, $0x0  }
0x1f: {  	s9 =	smul.u32 $0xF7A, s1;
	s8 =	simm.s32 @!p0 $0x1BF5;
	p2 =	por !p2, p0  }
0x20: {  	[sflag:s8] =	ssyncset.s32 @!p0 $0xFFFFF086;
	s6 =	sadd.s32 @!p0 s3, s7;
	s7 =	simm.s32 @!p0 $0x108  }
0x21: {  	s3 =	sadd.s32 s3, s9;
	s6 =	sadd.s32 @!p0 $0x88, s6;
	s7 =	simm.s32 @p2 $0x1082  }
0x22: {  	[simem:s7], [sflag:s8] =	dma.local @!p0 [hbm:s6], $0xF7A  }
0x23: {  	s9 =	sor.u32 $0xD0000000, s2;
	s6 =	simm.s32 $0x108;
	_ =	swait.ge @!p0 [sflag:s8], $0x0  }
0x24: {  	s3 =	sadd.s32 $0x88, s3;
	s6 =	simm.s32 @!p1 $0x1082;
	[sflag:s4] =	ssyncset.s32 $0xFFFFF086  }
0x25: {  	[simem:s6], [sflag:s4] =	dma.local [hbm:s3], $0xF7A  }
0x26: {  	[smem:$0x3F97] =	sst s1;
	(tag) =	ssettag s2;
	_ =	strace s9  }
0x27: {  	s1 =	sld [smem:$0x3FA7]  }
0x28: {  	s2 =	sld [smem:$0x3FA8]  }
0x29: {  	s4 =	sld [smem:$0x3FAA]  }
0x2a: {  	p0 =	seq.s32 s5, $0x0;
	s5 =	sld [smem:$0x3FAB]  }
0x2b: {  	s6 =	sld [smem:$0x3FAC]  }
0x2c: {  	s7 =	sld [smem:$0x3FAD]  }
0x2d: {  	s3 =	simm.s32 $0x108;
	s8 =	sld [smem:$0x3FAE]  }
0x2e: {  	s3 =	simm.s32 @!p0 $0x1082;
	s9 =	sld [smem:$0x3FAF]  }
0x2f: {  	lr =	sadd.s32 s0, s3;
	s0 =	sld [smem:$0x3FA6]  }
0x30: {  	s3 =	sld [smem:$0x3FA9]  }
0x31: {  	[smem:$0x3FB2] =	sst s10  }
0x32: {  	s10 =	sld [smem:$0x3FB0];
	_ =	sdelay $0x3  }
0x33: {  	p0 =	seq.s32 s10, $0x1;
	s10 =	sld [smem:$0x3FB2];
	_ =	sdelay $0x3  }
0x34: {  	[smem:$0x3FB2] =	sst s10  }
0x35: {  	s10 =	sld [smem:$0x3FB1];
	_ =	sdelay $0x3  }
0x36: {  	p1 =	seq.s32 s10, $0x1;
	s10 =	sld [smem:$0x3FB2];
	_ =	sdelay $0x3  }
0x37: {  	[smem:$0x3FB2] =	sst s10  }
0x38: {  	s10 =	sld [smem:$0x3FB3]  }
0x39: {  	_ = 	snop;
	(pc) =	sbr.ind lr, $3  }
0x3a: {  	_ = 	snop  }
0x3b: {  	_ = 	snop  }
0x3c: {  	p2 =	seq.s32 s10, $0x1;
	s10 =	sld [smem:$0x3FB2]  }
0x3d: {  	_ =	shalt  }
0x3e: {  	_ =	shalt  }
0x3f: {  	_ =	shalt  }
0x40: {  	_ =	shalt  }
0x41: {  	_ =	shalt  }
0x42: {  	_ =	shalt  }
0x43: {  	_ =	shalt  }
0x44: {  	_ =	shalt  }
0x45: {  	_ =	shalt  }
0x46: {  	_ =	shalt  }
0x47: {  	_ =	shalt  }
0x48: {  	_ =	shalt  }
0x49: {  	_ =	shalt  }
0x4a: {  	_ =	shalt  }
0x4b: {  	_ =	shalt  }
0x4c: {  	_ =	shalt  }
0x4d: {  	_ =	shalt  }
0x4e: {  	_ =	shalt  }
0x4f: {  	_ =	shalt  }
0x50: {  	_ =	shalt  }
0x51: {  	_ =	shalt  }
0x52: {  	_ =	shalt  }
0x53: {  	_ =	shalt  }
0x54: {  	_ =	shalt  }
0x55: {  	_ =	shalt  }
0x56: {  	_ =	shalt  }
0x57: {  	_ =	shalt  }
0x58: {  	_ =	shalt  }
0x59: {  	_ =	shalt  }
0x5a: {  	_ =	shalt  }
0x5b: {  	_ =	shalt  }
0x5c: {  	_ =	shalt  }
0x5d: {  	_ =	shalt  }
0x5e: {  	_ =	shalt  }
0x5f: {  	_ =	shalt  }
0x60: {  	_ =	shalt  }
0x61: {  	_ =	shalt  }
0x62: {  	_ =	shalt  }
0x63: {  	_ =	shalt  }
0x64: {  	_ =	shalt  }
0x65: {  	_ =	shalt  }
0x66: {  	_ =	shalt  }
0x67: {  	_ =	shalt  }
0x68: {  	_ =	shalt  }
0x69: {  	_ =	shalt  }
0x6a: {  	_ =	shalt  }
0x6b: {  	_ =	shalt  }
0x6c: {  	_ =	shalt  }
0x6d: {  	_ =	shalt  }
0x6e: {  	_ =	shalt  }
0x6f: {  	_ =	shalt  }
0x70: {  	_ =	shalt  }
0x71: {  	_ =	shalt  }
0x72: {  	_ =	shalt  }
0x73: {  	_ =	shalt  }
0x74: {  	_ =	shalt  }
0x75: {  	_ =	shalt  }
0x76: {  	_ =	shalt  }
0x77: {  	_ =	shalt  }
0x78: {  	_ =	shalt  }
0x79: {  	_ =	shalt  }
0x7a: {  	_ =	shalt  }
0x7b: {  	_ =	shalt  }
0x7c: {  	_ =	shalt  }
0x7d: {  	_ =	shalt  }
0x7e: {  	_ =	shalt  }
0x7f: {  	_ =	shalt  }
0x80: {  	_ =	shalt  }
0x81: {  	_ =	shalt  }
0x82: {  	_ =	shalt  }
0x83: {  	_ =	shalt  }
0x84: {  	_ =	shalt  }
0x85: {  	_ =	shalt  }
0x86: {  	_ =	shalt  }
0x87: {  	_ =	shalt  }
.Lfunc_end0:
.L_simem_size_0:
called_computation.1_lowered:
.L_overlay_start_0:
0x88: {  	s2 =	sld [smem:$0x3FD9]  }
0x89: {  	s3 =	sld [smem:$0x3FFE];
	_ =	sdelay $0x1  }
0x8a: {  	s1 =	srdreg.scid  }
0x8b: {  	s0 =	sand.u32 $0x1, s1  }
0x8c: {  	s17 =	sshll.u32 s0, $0xA;
	s2 =	sadd.s32 s3, s2  }
0x8d: {  	s2 =	sadd.s32 s2, s17  }
0x8e: {  	[smem:$0x3FBE] =	sst s2  }
0x8f: {  	_ = 	snop  }
0x90: {  	s2 =	sld [smem:$0x3FD0];
	(tm) =	ssettm $0x1  }
0x91: {  	s18 =	sld [smem:$0x3FFB];
	_ =	sdelay $0x3  }
0x92: {  	_ =	strace s18  }
0x93: {  	s3 =	sld [smem:$0x3FFC];
	_ =	sdelay $0x3  }
0x94: {  	_ =	strace s3  }
0x95: {  	s3 =	sld [smem:$0x3FFD];
	_ =	sdelay $0x3  }
0x96: {  	_ =	strace s3  }
0x97: {  	_ =	strace $0x8FFFFFFF  }
0x98: {  	s19 =	sld [smem:$0x3FDB];
	_ =	sdelay $0x1  }
0x99: {  	s4 =	simm.s32 $_scs_section_size  }
0x9a: {  	s5 =	simm.s32 $_size__tile_overlayer_lowered;
	s6 =	simm.s32 $_tile_overlayer_lowered  }
0x9b: {  	s22 =	simm.s32 $0x1BFF;
	s21 =	sshll.u32 s6, $0x1;
	s3 =	sadd.s32 s4, s19  }
0x9c: {  	s7 =	simm.s32 $0x0;
	s20 =	sshll.u32 s5, $0x1;
	s5 =	sadd.s32 s21, s3  }
0x9d: {  	[timem:s7], [sflag:s22] =	dma.local [hbm:s5], s20  }
0x9e: {  	_ =	swait.ge [sflag:s22], s20  }
0x9f: {  	s4 =	ssub.s32 $0x0, s20;
	[sflag:s22] =	ssyncset.done $0x0  }
0xa0: {  	[sflag:s22] =	ssyncadd.s32 s4;
	_ =	sdelay $0x1  }
0xa1: {  	s23 =	simm.s32 $0x1B8B  }
0xa2: {  	_ =	swait.ge [sflag:s23], $0x1  }
0xa3: {  	[sflag:s23] =	ssyncset.done $0x0  }
0xa4: {  	s25 =	simm.s32 $0x1B8E;
	s24 =	sld [smem:$0x3FFE];
	[sflag:s23] =	ssyncadd.s32 $0xFFFFFFFF  }
0xa5: {  	s26 =	simm.s32 $execute0_lowered;
	[smem:$0x3FD2] =	sst s25  }
0xa6: {  	s5 =	sshll.u32 s26, $0x1;
	_ =	strace $0x80000046;
	[dreg:$0x1] =	wrdreg $0xFFFFFFFF  }
0xa7: {  	s28 =	simm.s32 $_size_execute0_lowered;
	s3 =	sadd.s32 s3, s5;
	[dreg:$0x0] =	wrdreg $0x0  }
0xa8: {  	s5 =	sshll.u32 s28, $0x1;
	[dreg:$0x2] =	wrdreg s3  }
0xa9: {  	[dreg:$0x3] =	wrdreg s5  }
0xaa: {  	[dreg:$0x4] =	wrdreg $0xC0  }
0xab: {  	_ =	task [dreg:s7], $0x5FFFF  }
0xac: {  	[dreg:$0x1] =	wrdreg $0xFFFFFFFF  }
0xad: {  	[dreg:$0x0] =	wrdreg $0x60  }
0xae: {  	[dreg:$0x2] =	wrdreg s24  }
0xaf: {  	[dreg:$0x3] =	wrdreg s2  }
0xb0: {  	[dreg:$0x4] =	wrdreg $0x41000  }
0xb1: {  	[dreg:$0x5] =	wrdreg $0xA  }
0xb2: {  	_ =	task.clear_ibuf [dreg:s7], $0x6FFFF;
	_ =	strace $0x90000046  }
0xb3: {  	s29 =	simm.s32 $0xA;
	_ =	strace $0x80000048  }
0xb4: {  	_ =	swait.ge [sflag:s29], $0x1  }
0xb5: {  	[sflag:s29] =	ssyncadd.s32 $0xFFFFFFFF  }
0xb6: {  	_ =	strace $0x90000048  }
0xb7: {  	_ =	sfence  }
0xb8: {  	s30 =	sld [smem:$0x0];
	_ =	sdelay $0x2  }
0xb9: {  	s31 =	sshll.u32 s1, $0xD;
	s1 =	sshrl.u32 s1, $0x2  }
0xba: {  	s3 =	sand.u32 $0x4000, s31;
	s1 =	sadd.s32 s1, s30  }
0xbb: {  	s0 =	sor.u32 s3, s0;
	s1 =	sshll.u32 s1, $0x11  }
0xbc: {  	s0 =	sor.u32 s1, s0  }
0xbd: {  	s0 =	sadd.s32 $0x8F2B, s0  }
0xbe: {  	[sflag:s0] =	ssyncadd.remote.s32 $0x1  }
0xbf: {  	_ =	sfence.sel $0xFFFF  }
0xc0: {  	[dreg:$0x0] =	wrdreg $0xFFFFFFFF;
	(pc) =	sbr.abs _section_cstart, $3  }
0xc1: {  	[dreg:$0x1] =	wrdreg $0xFFFFFFFF  }
0xc2: {  	_ =	task.clear_ibuf [dreg:s7], $0x2FFFF;
	_ =	strace $0x9FFFFFFF  }
0xc3: {  	(tm) =	ssettm $0x7FFFFFFF  }
tec
execute0_lowered:
.L_overlay_start_1:
0x0: {  	(tag) =	ssettag $0x1  }
0x1: {  	s5 =	rddreg [dreg:$0x0]  }
0x2: {  	s16 =	rddreg [dreg:$0x1]  }
0x3: {  	s2 =	rddreg [dreg:$0x2]  }
0x4: {  	s0 =	rddreg [dreg:$0x3];
	s1 =	stileid.u32  }
0x5: {  	s4 =	srdreg.scid;
	s3 =	simm.s32 $0x0;
	s7 =	smul.u32 $0x50000, s1  }
0x6: {  	s12 =	sand.u32 $0x1, s4;
	[smem:$0x7FF] =	sst s3;
	s9 =	smul.u32 $0x14000, s1  }
0x7: {  	s4 =	sadd.s32 $0x2600, s5;
	s14 =	sadd.s32 $0x29800, s5;
	s20 =	smul.u32 $0x9E00, s1  }
0x8: {  	s6 =	ssub.s32 $0x2, s12;
	_ =	strace $0x80000047;
	s13 =	smul.u32 $0x140000, s12  }
0x9: {  	s21 =	smul.u32 $0x4F00, s12;
	s8 =	sshrl.u32 s6, $0x1;
	s26 =	sshrl.u32 s7, $0x2  }
0xa: {  	s11 =	sadd.s32 $0x4000, s9;
	s17 =	sadd.s32 $0x8000, s9;
	s18 =	sadd.s32 $0xC000, s9  }
0xb: {  	s19 =	sadd.s32 $0x10000, s9;
	s15 =	ssub.s32 s6, s8;
	s5 =	sadd.s32 s26, s2  }
0xc: {  	s6 =	sadd.s32 s11, s2;
	s7 =	sadd.s32 s17, s2;
	s10 =	sadd.s32 s9, s13  }
0xd: {  	s8 =	sadd.s32 s18, s2;
	s9 =	sadd.s32 s19, s2;
	s11 =	sadd.s32 s13, s11  }
0xe: {  	s17 =	sadd.s32 s13, s17;
	s28 =	sadd.s32 s13, s18;
	s13 =	sadd.s32 s13, s19  }
0xf: {  	s30 =	sadd.s32 s21, s20;
	s18 =	simm.s32 $0x1;
	s19 =	simm.s32 $0x80  }
0x10: {  	s20 =	simm.s32 $0x0;
	s10 =	sshrl.u32 s10, $0x3;
	s11 =	sshrl.u32 s11, $0x3  }
0x11: {  	s17 =	sshrl.u32 s17, $0x3;
	s29 =	sshrl.u32 s13, $0x3;
	s31 =	sshrl.u32 s30, $0x3  }
0x12: {  	s15 =	smax.u32 s15, $0x1;
	s10 =	sadd.s32 s14, s10;
	s11 =	sadd.s32 s14, s11  }
0x13: {  	s12 =	sadd.s32 s14, s17;
	s17 =	sshrl.u32 s28, $0x3;
	s16 =	sadd.s32 s31, s16  }
0x14: {  	v0 =	vimm.f32 $0.0e+00;
	s13 =	sadd.s32 s14, s17;
	s14 =	sadd.s32 s14, s29;
	s17 =	simm.s32 $0x100  }
.LBB2_1:
0x15: {  	s21 =	simm.s32 $0x0;
	s22 =	simm.s32 $0x200  }
.LBB2_2:
0x16: {  	p0 =	sne.s32 s22, $0xFE00;
	[tilespmem:s21+$0x170] =	vst v0  }
0x17: {  	[tilespmem:s21+$0x100] =	vst v0  }
0x18: {  	[tilespmem:s21+$0x110] =	vst v0  }
.Ltmp0:
0x19: {  	[tilespmem:s21+$0x120] =	vst v0;
	(pc) =	sbr.rel @p0 .LBB2_2-.Ltmp0, $4  }
0x1a: {  	[tilespmem:s21+$0x130] =	vst v0  }
0x1b: {  	[tilespmem:s21+$0x140] =	vst v0  }
0x1c: {  	[tilespmem:s21+$0x150] =	vst v0  }
0x1d: {  	[tilespmem:s21+$0x160] =	vst v0;
	s21 =	sshra.s32 s22, $0x2;
	s22 =	sadd.s32 $0x200, s22  }
0x1e: {  	[tilespmem:s21+$0x170] =	vst v0  }
0x1f: {  	[tilespmem:s21+$0x100] =	vst v0  }
0x20: {  	[tilespmem:s21+$0x110] =	vst v0  }
0x21: {  	[tilespmem:s21+$0x120] =	vst v0  }
0x22: {  	[tilespmem:s21+$0x130] =	vst v0  }
0x23: {  	[tilespmem:s21+$0x140] =	vst v0  }
0x24: {  	[tilespmem:s21+$0x150] =	vst v0  }
0x25: {  	[tilespmem:s21+$0x160] =	vst v0  }
0x26: {  	[spmem:s5] =	stream.linear.scatter [tilespmem:s17], [sflag:$0x1], $0x4000, $0x38;
	[tilespmem:$0x18100] =	vst v63  }
0x27: {  	_ =	swait.ge [sflag:s18], $0x4000  }
0x28: {  	[sflag:s18] =	ssyncset.done $0x0  }
0x29: {  	[sflag:s18] =	ssyncadd.s32 $0xFFFFC000  }
0x2a: {  	[spmem:s6] =	stream.linear.scatter [tilespmem:s17], [sflag:$0x1], $0x4000, $0x38;
	[tilespmem:$0x18100] =	vst v63  }
0x2b: {  	_ =	swait.ge [sflag:s18], $0x4000  }
0x2c: {  	[sflag:s18] =	ssyncset.done $0x0  }
0x2d: {  	[sflag:s18] =	ssyncadd.s32 $0xFFFFC000  }
0x2e: {  	[spmem:s7] =	stream.linear.scatter [tilespmem:s17], [sflag:$0x1], $0x4000, $0x38;
	[tilespmem:$0x18100] =	vst v63  }
0x2f: {  	_ =	swait.ge [sflag:s18], $0x4000  }
0x30: {  	[sflag:s18] =	ssyncset.done $0x0  }
0x31: {  	[sflag:s18] =	ssyncadd.s32 $0xFFFFC000  }
0x32: {  	[spmem:s8] =	stream.linear.scatter [tilespmem:s17], [sflag:$0x1], $0x4000, $0x38;
	[tilespmem:$0x18100] =	vst v63  }
0x33: {  	_ =	swait.ge [sflag:s18], $0x4000  }
0x34: {  	[sflag:s18] =	ssyncset.done $0x0  }
0x35: {  	[sflag:s18] =	ssyncadd.s32 $0xFFFFC000  }
0x36: {  	[spmem:s9] =	stream.linear.scatter [tilespmem:s17], [sflag:$0x1], $0x4000, $0x38;
	[tilespmem:$0x18100] =	vst v63  }
0x37: {  	_ =	swait.ge [sflag:s18], $0x4000  }
0x38: {  	[sflag:s18] =	ssyncset.done $0x0  }
0x39: {  	[sflag:s18] =	ssyncadd.s32 $0xFFFFC000  }
0x3a: {  	s31 =	sadd.s32 $0x0, s16;
	[bflag:$0x0] =	sbarrier.arrive $0xFFFF  }
0x3b: {  	[tilespmem:s3], [sflag:$0x1] =	stream.linear.gather [hbm4b:s31+s3], $0x100, $0x38;
	[tilespmem:$0x18100] =	vst v63  }
0x3c: {  	_ =	swait.ge [sflag:s18], $0x100  }
0x3d: {  	[sflag:s18] =	ssyncset.done $0x0  }
0x3e: {  	[sflag:s18] =	ssyncadd.s32 $0xFFFFFF00  }
0x3f: {  	[tilespmem:s17], [sflag:$0x1] =	stream.indirect.gather [hbm4b:s4+s19], $0x80, s3, s19, $0xb8;
	[tilespmem:$0x18100] =	vst v63  }
0x40: {  	_ =	swait.ge [sflag:s18], $0x4000  }
0x41: {  	[sflag:s18] =	ssyncset.done $0x0  }
0x42: {  	[sflag:s18] =	ssyncadd.s32 $0xFFFFC000  }
0x43: {  	[spmem:s2] =	stream.indirect.scatter.add.f32 [tilespmem:s17], [sflag:$0x1], $0x80, s19, s19, $0xb8;
	[tilespmem:$0x18100] =	vst v63  }
0x44: {  	_ =	swait.ge [sflag:s18], $0x4000  }
0x45: {  	s21 =	simm.s32 $0x20;
	s22 =	simm.s32 $0x40;
	[sflag:s18] =	ssyncset.done $0x0  }
.LBB2_4:
0x46: {  	s23 =	sadd.s32 s21, s16  }
0x47: {  	[sflag:s18] =	ssyncadd.s32 $0xFFFFC000;
	s21 =	smov.u32 s22;
	s24 =	sadd.s32 $0x20, s22  }
0x48: {  	[tilespmem:s3], [sflag:$0x1] =	stream.linear.gather [hbm4b:s23+s3], $0x100, $0x38;
	[tilespmem:$0x18100] =	vst v63  }
0x49: {  	p0 =	sne.s32 s22, $0x9C0;
	_ =	swait.ge [sflag:s18], $0x100  }
0x4a: {  	[sflag:s18] =	ssyncset.done $0x0  }
0x4b: {  	[sflag:s18] =	ssyncadd.s32 $0xFFFFFF00  }
0x4c: {  	[tilespmem:s17], [sflag:$0x1] =	stream.indirect.gather [hbm4b:s4+s19], $0x80, s3, s19, $0xb8;
	[tilespmem:$0x18100] =	vst v63  }
0x4d: {  	_ =	swait.ge [sflag:s18], $0x4000  }
.Ltmp1:
0x4e: {  	[sflag:s18] =	ssyncset.done $0x0;
	(pc) =	sbr.rel @p0 .LBB2_4-.Ltmp1, $4  }
0x4f: {  	[sflag:s18] =	ssyncadd.s32 $0xFFFFC000  }
0x50: {  	[spmem:s2] =	stream.indirect.scatter.add.f32 [tilespmem:s17], [sflag:$0x1], $0x80, s19, s19, $0xb8;
	[tilespmem:$0x18100] =	vst v63  }
0x51: {  	_ =	swait.ge [sflag:s18], $0x4000  }
0x52: {  	s22 =	smov.u32 s24;
	[sflag:s18] =	ssyncset.done $0x0  }
0x53: {  	s21 =	sadd.s32 s21, s16;
	[sflag:s18] =	ssyncadd.s32 $0xFFFFC000  }
0x54: {  	[tilespmem:s3], [sflag:$0x1] =	stream.linear.gather [hbm4b:s21+s3], $0x100, $0x38;
	[tilespmem:$0x18100] =	vst v63  }
0x55: {  	_ =	swait.ge [sflag:s18], $0x100  }
0x56: {  	[sflag:s18] =	ssyncset.done $0x0  }
0x57: {  	[sflag:s18] =	ssyncadd.s32 $0xFFFFFF00  }
0x58: {  	[tilespmem:s17], [sflag:$0x1] =	stream.indirect.gather [hbm4b:s4+s19], $0x80, s3, s19, $0xb8;
	[tilespmem:$0x18100] =	vst v63  }
0x59: {  	_ =	swait.ge [sflag:s18], $0x4000  }
0x5a: {  	[sflag:s18] =	ssyncset.done $0x0  }
0x5b: {  	[sflag:s18] =	ssyncadd.s32 $0xFFFFC000  }
0x5c: {  	[spmem:s2] =	stream.indirect.scatter.add.f32 [tilespmem:s17], [sflag:$0x1], $0x80, s19, s19, $0xb8;
	[tilespmem:$0x18100] =	vst v63  }
0x5d: {  	_ =	swait.ge [sflag:s18], $0x4000  }
0x5e: {  	[sflag:s18] =	ssyncset.done $0x0  }
0x5f: {  	[sflag:s18] =	ssyncadd.s32 $0xFFFFC000  }
0x60: {  	[bflag:$0x0] =	sbarrier.arrive $0xFFFF  }
0x61: {  	[tilespmem:s17], [sflag:$0x1] =	stream.linear.gather [spmem:s5], $0x4000, $0x38;
	[tilespmem:$0x18100] =	vst v63  }
0x62: {  	_ =	swait.ge [sflag:s18], $0x4000  }
0x63: {  	[sflag:s18] =	ssyncset.done $0x0  }
0x64: {  	[sflag:s18] =	ssyncadd.s32 $0xFFFFC000  }
0x65: {  	[hbm4b:s10+s3] =	stream.linear.scatter [tilespmem:s17], [sflag:$0x1], $0x4000, $0x38;
	[tilespmem:$0x18100] =	vst v63  }
0x66: {  	_ =	swait.ge [sflag:s18], $0x4000  }
0x67: {  	[sflag:s18] =	ssyncset.done $0x0  }
0x68: {  	[sflag:s18] =	ssyncadd.s32 $0xFFFFC000  }
0x69: {  	[tilespmem:s17], [sflag:$0x1] =	stream.linear.gather [spmem:s6], $0x4000, $0x38;
	[tilespmem:$0x18100] =	vst v63  }
0x6a: {  	_ =	swait.ge [sflag:s18], $0x4000  }
0x6b: {  	[sflag:s18] =	ssyncset.done $0x0  }
0x6c: {  	[sflag:s18] =	ssyncadd.s32 $0xFFFFC000  }
0x6d: {  	[hbm4b:s11+s3] =	stream.linear.scatter [tilespmem:s17], [sflag:$0x1], $0x4000, $0x38;
	[tilespmem:$0x18100] =	vst v63  }
0x6e: {  	_ =	swait.ge [sflag:s18], $0x4000  }
0x6f: {  	[sflag:s18] =	ssyncset.done $0x0  }
0x70: {  	[sflag:s18] =	ssyncadd.s32 $0xFFFFC000  }
0x71: {  	[tilespmem:s17], [sflag:$0x1] =	stream.linear.gather [spmem:s7], $0x4000, $0x38;
	[tilespmem:$0x18100] =	vst v63  }
0x72: {  	_ =	swait.ge [sflag:s18], $0x4000  }
0x73: {  	[sflag:s18] =	ssyncset.done $0x0  }
0x74: {  	[sflag:s18] =	ssyncadd.s32 $0xFFFFC000  }
0x75: {  	[hbm4b:s12+s3] =	stream.linear.scatter [tilespmem:s17], [sflag:$0x1], $0x4000, $0x38;
	[tilespmem:$0x18100] =	vst v63  }
0x76: {  	_ =	swait.ge [sflag:s18], $0x4000  }
0x77: {  	[sflag:s18] =	ssyncset.done $0x0  }
0x78: {  	[sflag:s18] =	ssyncadd.s32 $0xFFFFC000  }
0x79: {  	[tilespmem:s17], [sflag:$0x1] =	stream.linear.gather [spmem:s8], $0x4000, $0x38;
	[tilespmem:$0x18100] =	vst v63  }
0x7a: {  	_ =	swait.ge [sflag:s18], $0x4000  }
0x7b: {  	[sflag:s18] =	ssyncset.done $0x0  }
0x7c: {  	[sflag:s18] =	ssyncadd.s32 $0xFFFFC000  }
0x7d: {  	[hbm4b:s13+s3] =	stream.linear.scatter [tilespmem:s17], [sflag:$0x1], $0x4000, $0x38;
	[tilespmem:$0x18100] =	vst v63  }
0x7e: {  	_ =	swait.ge [sflag:s18], $0x4000  }
0x7f: {  	[sflag:s18] =	ssyncset.done $0x0  }
0x80: {  	[sflag:s18] =	ssyncadd.s32 $0xFFFFC000  }
0x81: {  	[tilespmem:s17], [sflag:$0x1] =	stream.linear.gather [spmem:s9], $0x4000, $0x38;
	[tilespmem:$0x18100] =	vst v63  }
0x82: {  	s20 =	sadd.s32 $0x1, s20;
	_ =	swait.ge [sflag:s18], $0x4000  }
0x83: {  	p0 =	sne.s32 s20, s15;
	[sflag:s18] =	ssyncset.done $0x0  }
.Ltmp2:
0x84: {  	[sflag:s18] =	ssyncadd.s32 $0xFFFFC000;
	(pc) =	sbr.rel @p0 .LBB2_1-.Ltmp2, $4  }
0x85: {  	[hbm4b:s14+s3] =	stream.linear.scatter [tilespmem:s17], [sflag:$0x1], $0x4000, $0x38;
	[tilespmem:$0x18100] =	vst v63  }
0x86: {  	_ =	swait.ge [sflag:s18], $0x4000  }
0x87: {  	[sflag:s18] =	ssyncset.done $0x0  }
0x88: {  	[sflag:s18] =	ssyncadd.s32 $0xFFFFC000  }
0x89: {  	_ =	sfence.sel $0x180000  }
0x8a: {  	[bflag:$0x0] =	sbarrier.arrive $0xFFFF  }
0x8b: {  	p0 =	sne.s32 s1, $0x0;
	_ =	strace $0x90000047  }
0x8c: {  	s0 =	sadd.s32 @!p0 $0x100000, s0;
	[bflag:$0x2] =	sbarrier.arrive $0xFFFF  }
0x8d: {  	[sflag:s0] =	ssyncadd.tile.s32 @!p0 $0x1;
	_ =	shalt  }
.Lfunc_end2:
_tile_overlayer_lowered:
.L_overlay_start_2:
0x8e: {  	(tag) =	ssettag $0x2  }
0x8f: {  	s0 =	rddreg [dreg:$0x0];
	s2 =	stileid.u32  }
0x90: {  	s1 =	rddreg [dreg:$0x1];
	p0 =	sne.s32 s2, $0x0  }
0x91: {  	s3 =	rddreg [dreg:$0x2];
	[bflag:$0x3] =	sbarrier.arrive $0xFFFF;
	s2 =	simm.s32 @!p0 $0x1C01  }
0x92: {  	[timem:s3], [sflag:s2] =	dma.local @!p0 [hbm:s0], s1  }
0x93: {  	s0 =	simm.s32 @!p0 $0x1  }
0x94: {  	_ =	swait.ge @!p0 [sflag:s0], s1  }
0x95: {  	s1 =	ssub.s32 @!p0 $0x0, s1;
	[sflag:s0] =	ssyncset.done @!p0 $0x0  }
0x96: {  	[sflag:s0] =	ssyncadd.s32 @!p0 s1  }
0x97: {  	[bflag:$0x3] =	sbarrier.arrive $0xFFFF  }
0x98: {  	_ =	shalt  }

// kernel: kernel.14.cloned.1.call-start
scs
__scs_entry_jumppad:
0x0: {  	(pc) =	sbr.rel $0x88, $3  }
0x1: {  	(tag) =	ssettag $0x0;
	lr =	simm.s32 $0x1  }
0x2: {  	[smem:$0x3F97] =	sst lr;
	_ =	strace $0xD0000000  }
0x3: {  	_ = 	snop  }
0x4: {  	_ = 	snop  }
0x5: {  	_ = 	snop  }
0x6: {  	_ = 	snop  }
0x7: {  	_ = 	snop  }
__scs_overlays_trampoline_lowered:
0x8: {  	[smem:$0x3FA6] =	sst s0  }
0x9: {  	[smem:$0x3FA7] =	sst s1  }
0xa: {  	[smem:$0x3FA8] =	sst s2  }
0xb: {  	[smem:$0x3FA9] =	sst s3  }
0xc: {  	[smem:$0x3FAA] =	sst s4  }
0xd: {  	[smem:$0x3FAB] =	sst s5  }
0xe: {  	[smem:$0x3FAC] =	sst s6  }
0xf: {  	[smem:$0x3FAD] =	sst s7  }
0x10: {  	[smem:$0x3FAE] =	sst s8  }
0x11: {  	[smem:$0x3FAF] =	sst s9;
	s0 =	simm.s32 @!p0 $0x0  }
0x12: {  	s1 =	sld [smem:$0x3F95];
	s0 =	simm.s32 @p0 $0x1  }
0x13: {  	[smem:$0x3FB0] =	sst s0;
	s0 =	simm.s32 @!p1 $0x0  }
0x14: {  	s2 =	sld [smem:$0x3F94];
	s0 =	simm.s32 @p1 $0x1  }
0x15: {  	[smem:$0x3FB1] =	sst s0;
	s0 =	simm.s32 @!p2 $0x0  }
0x16: {  	s3 =	sld [smem:$0x3FDB];
	s0 =	simm.s32 @p2 $0x1  }
0x17: {  	s4 =	simm.s32 $0x1BF5;
	[smem:$0x3FB3] =	sst s0  }
0x18: {  	s0 =	sld [smem:$0x3F96];
	_ =	swait.ge [sflag:s4], $0x0  }
0x19: {  	s7 =	sld [smem:$0x3F97]  }
0x1a: {  	s8 =	sadd.s32 $0xFFFFE003, lr  }
0x1b: {  	s9 =	sadd.s32 $0xFFFFFEF7, lr;
	s5 =	simm.s32 $0xFFFFFFFF;
	p2 =	slt.u32 s8, $0xFFFFF086  }
0x1c: {  	p1 =	slt.u32 s9, $0xF7A;
	s5 =	simm.s32 @!p2 $0x0  }
0x1d: {  	s5 =	simm.s32 @p1 $0x1;
	p0 =	seq.s32 s7, s2  }
0x1e: {  	s7 =	smul.u32 @!p0 $0xF7A, s2;
	p2 =	seq.s32 @!p0 s5, $0x0  }
0x1f: {  	s9 =	smul.u32 $0xF7A, s1;
	s8 =	simm.s32 @!p0 $0x1BF5;
	p2 =	por !p2, p0  }
0x20: {  	[sflag:s8] =	ssyncset.s32 @!p0 $0xFFFFF086;
	s6 =	sadd.s32 @!p0 s3, s7;
	s7 =	simm.s32 @!p0 $0x108  }
0x21: {  	s3 =	sadd.s32 s3, s9;
	s6 =	sadd.s32 @!p0 $0x88, s6;
	s7 =	simm.s32 @p2 $0x1082  }
0x22: {  	[simem:s7], [sflag:s8] =	dma.local @!p0 [hbm:s6], $0xF7A  }
0x23: {  	s9 =	sor.u32 $0xD0000000, s2;
	s6 =	simm.s32 $0x108;
	_ =	swait.ge @!p0 [sflag:s8], $0x0  }
0x24: {  	s3 =	sadd.s32 $0x88, s3;
	s6 =	simm.s32 @!p1 $0x1082;
	[sflag:s4] =	ssyncset.s32 $0xFFFFF086  }
0x25: {  	[simem:s6], [sflag:s4] =	dma.local [hbm:s3], $0xF7A  }
0x26: {  	[smem:$0x3F97] =	sst s1;
	(tag) =	ssettag s2;
	_ =	strace s9  }
0x27: {  	s1 =	sld [smem:$0x3FA7]  }
0x28: {  	s2 =	sld [smem:$0x3FA8]  }
0x29: {  	s4 =	sld [smem:$0x3FAA]  }
0x2a: {  	p0 =	seq.s32 s5, $0x0;
	s5 =	sld [smem:$0x3FAB]  }
0x2b: {  	s6 =	sld [smem:$0x3FAC]  }
0x2c: {  	s7 =	sld [smem:$0x3FAD]  }
0x2d: {  	s3 =	simm.s32 $0x108;
	s8 =	sld [smem:$0x3FAE]  }
0x2e: {  	s3 =	simm.s32 @!p0 $0x1082;
	s9 =	sld [smem:$0x3FAF]  }
0x2f: {  	lr =	sadd.s32 s0, s3;
	s0 =	sld [smem:$0x3FA6]  }
0x30: {  	s3 =	sld [smem:$0x3FA9]  }
0x31: {  	[smem:$0x3FB2] =	sst s10  }
0x32: {  	s10 =	sld [smem:$0x3FB0];
	_ =	sdelay $0x3  }
0x33: {  	p0 =	seq.s32 s10, $0x1;
	s10 =	sld [smem:$0x3FB2];
	_ =	sdelay $0x3  }
0x34: {  	[smem:$0x3FB2] =	sst s10  }
0x35: {  	s10 =	sld [smem:$0x3FB1];
	_ =	sdelay $0x3  }
0x36: {  	p1 =	seq.s32 s10, $0x1;
	s10 =	sld [smem:$0x3FB2];
	_ =	sdelay $0x3  }
0x37: {  	[smem:$0x3FB2] =	sst s10  }
0x38: {  	s10 =	sld [smem:$0x3FB3]  }
0x39: {  	_ = 	snop;
	(pc) =	sbr.ind lr, $3  }
0x3a: {  	_ = 	snop  }
0x3b: {  	_ = 	snop  }
0x3c: {  	p2 =	seq.s32 s10, $0x1;
	s10 =	sld [smem:$0x3FB2]  }
0x3d: {  	_ =	shalt  }
0x3e: {  	_ =	shalt  }
0x3f: {  	_ =	shalt  }
0x40: {  	_ =	shalt  }
0x41: {  	_ =	shalt  }
0x42: {  	_ =	shalt  }
0x43: {  	_ =	shalt  }
0x44: {  	_ =	shalt  }
0x45: {  	_ =	shalt  }
0x46: {  	_ =	shalt  }
0x47: {  	_ =	shalt  }
0x48: {  	_ =	shalt  }
0x49: {  	_ =	shalt  }
0x4a: {  	_ =	shalt  }
0x4b: {  	_ =	shalt  }
0x4c: {  	_ =	shalt  }
0x4d: {  	_ =	shalt  }
0x4e: {  	_ =	shalt  }
0x4f: {  	_ =	shalt  }
0x50: {  	_ =	shalt  }
0x51: {  	_ =	shalt  }
0x52: {  	_ =	shalt  }
0x53: {  	_ =	shalt  }
0x54: {  	_ =	shalt  }
0x55: {  	_ =	shalt  }
0x56: {  	_ =	shalt  }
0x57: {  	_ =	shalt  }
0x58: {  	_ =	shalt  }
0x59: {  	_ =	shalt  }
0x5a: {  	_ =	shalt  }
0x5b: {  	_ =	shalt  }
0x5c: {  	_ =	shalt  }
0x5d: {  	_ =	shalt  }
0x5e: {  	_ =	shalt  }
0x5f: {  	_ =	shalt  }
0x60: {  	_ =	shalt  }
0x61: {  	_ =	shalt  }
0x62: {  	_ =	shalt  }
0x63: {  	_ =	shalt  }
0x64: {  	_ =	shalt  }
0x65: {  	_ =	shalt  }
0x66: {  	_ =	shalt  }
0x67: {  	_ =	shalt  }
0x68: {  	_ =	shalt  }
0x69: {  	_ =	shalt  }
0x6a: {  	_ =	shalt  }
0x6b: {  	_ =	shalt  }
0x6c: {  	_ =	shalt  }
0x6d: {  	_ =	shalt  }
0x6e: {  	_ =	shalt  }
0x6f: {  	_ =	shalt  }
0x70: {  	_ =	shalt  }
0x71: {  	_ =	shalt  }
0x72: {  	_ =	shalt  }
0x73: {  	_ =	shalt  }
0x74: {  	_ =	shalt  }
0x75: {  	_ =	shalt  }
0x76: {  	_ =	shalt  }
0x77: {  	_ =	shalt  }
0x78: {  	_ =	shalt  }
0x79: {  	_ =	shalt  }
0x7a: {  	_ =	shalt  }
0x7b: {  	_ =	shalt  }
0x7c: {  	_ =	shalt  }
0x7d: {  	_ =	shalt  }
0x7e: {  	_ =	shalt  }
0x7f: {  	_ =	shalt  }
0x80: {  	_ =	shalt  }
0x81: {  	_ =	shalt  }
0x82: {  	_ =	shalt  }
0x83: {  	_ =	shalt  }
0x84: {  	_ =	shalt  }
0x85: {  	_ =	shalt  }
0x86: {  	_ =	shalt  }
0x87: {  	_ =	shalt  }
.Lfunc_end0:
.L_simem_size_0:
called_computation.2_lowered:
.L_overlay_start_0:
0x88: {  	s2 =	sld [smem:$0x3FD9]  }
0x89: {  	s3 =	sld [smem:$0x3FFE];
	_ =	sdelay $0x1  }
0x8a: {  	s1 =	srdreg.scid  }
0x8b: {  	s0 =	sand.u32 $0x1, s1  }
0x8c: {  	s17 =	sshll.u32 s0, $0xA;
	s2 =	sadd.s32 s3, s2  }
0x8d: {  	s2 =	sadd.s32 s2, s17  }
0x8e: {  	[smem:$0x3FBE] =	sst s2  }
0x8f: {  	_ = 	snop  }
0x90: {  	s2 =	sld [smem:$0x3FD0];
	(tm) =	ssettm $0x1  }
0x91: {  	s18 =	sld [smem:$0x3FFB];
	_ =	sdelay $0x3  }
0x92: {  	_ =	strace s18  }
0x93: {  	s3 =	sld [smem:$0x3FFC];
	_ =	sdelay $0x3  }
0x94: {  	_ =	strace s3  }
0x95: {  	s3 =	sld [smem:$0x3FFD];
	_ =	sdelay $0x3  }
0x96: {  	_ =	strace s3  }
0x97: {  	_ =	strace $0x8FFFFFFF  }
0x98: {  	s19 =	sld [smem:$0x3FDB];
	_ =	sdelay $0x1  }
0x99: {  	s4 =	simm.s32 $_scs_section_size  }
0x9a: {  	s5 =	simm.s32 $_size__tile_overlayer_lowered;
	s6 =	simm.s32 $_tile_overlayer_lowered  }
0x9b: {  	s22 =	simm.s32 $0x1BFF;
	s21 =	sshll.u32 s6, $0x1;
	s3 =	sadd.s32 s4, s19  }
0x9c: {  	s7 =	simm.s32 $0x0;
	s20 =	sshll.u32 s5, $0x1;
	s5 =	sadd.s32 s21, s3  }
0x9d: {  	[timem:s7], [sflag:s22] =	dma.local [hbm:s5], s20  }
0x9e: {  	_ =	swait.ge [sflag:s22], s20  }
0x9f: {  	s4 =	ssub.s32 $0x0, s20;
	[sflag:s22] =	ssyncset.done $0x0  }
0xa0: {  	[sflag:s22] =	ssyncadd.s32 s4;
	_ =	sdelay $0x1  }
0xa1: {  	s23 =	simm.s32 $0x1B8B  }
0xa2: {  	_ =	swait.ge [sflag:s23], $0x1  }
0xa3: {  	[sflag:s23] =	ssyncset.done $0x0  }
0xa4: {  	s25 =	simm.s32 $0x1B8E;
	s24 =	sld [smem:$0x3FFE];
	[sflag:s23] =	ssyncadd.s32 $0xFFFFFFFF  }
0xa5: {  	s26 =	simm.s32 $execute0_lowered;
	[smem:$0x3FD2] =	sst s25  }
0xa6: {  	s5 =	sshll.u32 s26, $0x1;
	_ =	strace $0x8000004C;
	[dreg:$0x1] =	wrdreg $0xFFFFFFFF  }
0xa7: {  	s28 =	simm.s32 $_size_execute0_lowered;
	s3 =	sadd.s32 s3, s5;
	[dreg:$0x0] =	wrdreg $0x0  }
0xa8: {  	s5 =	sshll.u32 s28, $0x1;
	[dreg:$0x2] =	wrdreg s3  }
0xa9: {  	[dreg:$0x3] =	wrdreg s5  }
0xaa: {  	[dreg:$0x4] =	wrdreg $0xC0  }
0xab: {  	_ =	task [dreg:s7], $0x5FFFF  }
0xac: {  	[dreg:$0x1] =	wrdreg $0xFFFFFFFF  }
0xad: {  	[dreg:$0x0] =	wrdreg $0x60  }
0xae: {  	[dreg:$0x2] =	wrdreg s24  }
0xaf: {  	[dreg:$0x3] =	wrdreg s2  }
0xb0: {  	[dreg:$0x4] =	wrdreg $0x41000  }
0xb1: {  	[dreg:$0x5] =	wrdreg $0x9  }
0xb2: {  	_ =	task.clear_ibuf [dreg:s7], $0x6FFFF;
	_ =	strace $0x9000004C  }
0xb3: {  	s29 =	simm.s32 $0x9;
	_ =	strace $0x8000004E  }
0xb4: {  	_ =	swait.ge [sflag:s29], $0x1  }
0xb5: {  	[sflag:s29] =	ssyncadd.s32 $0xFFFFFFFF  }
0xb6: {  	_ =	strace $0x9000004E  }
0xb7: {  	_ =	sfence  }
0xb8: {  	s30 =	sld [smem:$0x0];
	_ =	sdelay $0x2  }
0xb9: {  	s31 =	sshll.u32 s1, $0xD;
	s1 =	sshrl.u32 s1, $0x2  }
0xba: {  	s3 =	sand.u32 $0x4000, s31;
	s1 =	sadd.s32 s1, s30  }
0xbb: {  	s0 =	sor.u32 s3, s0;
	s1 =	sshll.u32 s1, $0x11  }
0xbc: {  	s0 =	sor.u32 s1, s0  }
0xbd: {  	s0 =	sadd.s32 $0x8F2B, s0  }
0xbe: {  	[sflag:s0] =	ssyncadd.remote.s32 $0x1  }
0xbf: {  	_ =	sfence.sel $0xFFFF  }
0xc0: {  	[dreg:$0x0] =	wrdreg $0xFFFFFFFF;
	(pc) =	sbr.abs _section_cstart, $3  }
0xc1: {  	[dreg:$0x1] =	wrdreg $0xFFFFFFFF  }
0xc2: {  	_ =	task.clear_ibuf [dreg:s7], $0x2FFFF;
	_ =	strace $0x9FFFFFFF  }
0xc3: {  	(tm) =	ssettm $0x7FFFFFFF  }
tec
execute0_lowered:
.L_overlay_start_1:
0x0: {  	(tag) =	ssettag $0x1  }
0x1: {  	s5 =	rddreg [dreg:$0x0]  }
0x2: {  	s16 =	rddreg [dreg:$0x1]  }
0x3: {  	s2 =	rddreg [dreg:$0x2]  }
0x4: {  	s0 =	rddreg [dreg:$0x3];
	s1 =	stileid.u32  }
0x5: {  	s4 =	srdreg.scid;
	s3 =	simm.s32 $0x0;
	s7 =	smul.u32 $0x50000, s1  }
0x6: {  	s12 =	sand.u32 $0x1, s4;
	[smem:$0x7FF] =	sst s3;
	s9 =	smul.u32 $0x14000, s1  }
0x7: {  	s4 =	sadd.s32 $0x2600, s5;
	s14 =	sadd.s32 $0x29800, s5;
	s20 =	smul.u32 $0x9E00, s1  }
0x8: {  	s6 =	ssub.s32 $0x2, s12;
	_ =	strace $0x8000004D;
	s13 =	smul.u32 $0x140000, s12  }
0x9: {  	s21 =	smul.u32 $0x4F00, s12;
	s8 =	sshrl.u32 s6, $0x1;
	s26 =	sshrl.u32 s7, $0x2  }
0xa: {  	s11 =	sadd.s32 $0x4000, s9;
	s17 =	sadd.s32 $0x8000, s9;
	s18 =	sadd.s32 $0xC000, s9  }
0xb: {  	s19 =	sadd.s32 $0x10000, s9;
	s15 =	ssub.s32 s6, s8;
	s5 =	sadd.s32 s26, s2  }
0xc: {  	s6 =	sadd.s32 s11, s2;
	s7 =	sadd.s32 s17, s2;
	s10 =	sadd.s32 s9, s13  }
0xd: {  	s8 =	sadd.s32 s18, s2;
	s9 =	sadd.s32 s19, s2;
	s11 =	sadd.s32 s13, s11  }
0xe: {  	s17 =	sadd.s32 s13, s17;
	s28 =	sadd.s32 s13, s18;
	s13 =	sadd.s32 s13, s19  }
0xf: {  	s30 =	sadd.s32 s21, s20;
	s18 =	simm.s32 $0x1;
	s19 =	simm.s32 $0x80  }
0x10: {  	s20 =	simm.s32 $0x0;
	s10 =	sshrl.u32 s10, $0x3;
	s11 =	sshrl.u32 s11, $0x3  }
0x11: {  	s17 =	sshrl.u32 s17, $0x3;
	s29 =	sshrl.u32 s13, $0x3;
	s31 =	sshrl.u32 s30, $0x3  }
0x12: {  	s15 =	smax.u32 s15, $0x1;
	s10 =	sadd.s32 s14, s10;
	s11 =	sadd.s32 s14, s11  }
0x13: {  	s12 =	sadd.s32 s14, s17;
	s17 =	sshrl.u32 s28, $0x3;
	s16 =	sadd.s32 s31, s16  }
0x14: {  	v0 =	vimm.f32 $0.0e+00;
	s13 =	sadd.s32 s14, s17;
	s14 =	sadd.s32 s14, s29;
	s17 =	simm.s32 $0x100  }
.LBB2_1:
0x15: {  	s21 =	simm.s32 $0x0;
	s22 =	simm.s32 $0x200  }
.LBB2_2:
0x16: {  	p0 =	sne.s32 s22, $0xFE00;
	[tilespmem:s21+$0x170] =	vst v0  }
0x17: {  	[tilespmem:s21+$0x100] =	vst v0  }
0x18: {  	[tilespmem:s21+$0x110] =	vst v0  }
.Ltmp0:
0x19: {  	[tilespmem:s21+$0x120] =	vst v0;
	(pc) =	sbr.rel @p0 .LBB2_2-.Ltmp0, $4  }
0x1a: {  	[tilespmem:s21+$0x130] =	vst v0  }
0x1b: {  	[tilespmem:s21+$0x140] =	vst v0  }
0x1c: {  	[tilespmem:s21+$0x150] =	vst v0  }
0x1d: {  	[tilespmem:s21+$0x160] =	vst v0;
	s21 =	sshra.s32 s22, $0x2;
	s22 =	sadd.s32 $0x200, s22  }
0x1e: {  	[tilespmem:s21+$0x170] =	vst v0  }
0x1f: {  	[tilespmem:s21+$0x100] =	vst v0  }
0x20: {  	[tilespmem:s21+$0x110] =	vst v0  }
0x21: {  	[tilespmem:s21+$0x120] =	vst v0  }
0x22: {  	[tilespmem:s21+$0x130] =	vst v0  }
0x23: {  	[tilespmem:s21+$0x140] =	vst v0  }
0x24: {  	[tilespmem:s21+$0x150] =	vst v0  }
0x25: {  	[tilespmem:s21+$0x160] =	vst v0  }
0x26: {  	[spmem:s5] =	stream.linear.scatter [tilespmem:s17], [sflag:$0x1], $0x4000, $0x38;
	[tilespmem:$0x18100] =	vst v63  }
0x27: {  	_ =	swait.ge [sflag:s18], $0x4000  }
0x28: {  	[sflag:s18] =	ssyncset.done $0x0  }
0x29: {  	[sflag:s18] =	ssyncadd.s32 $0xFFFFC000  }
0x2a: {  	[spmem:s6] =	stream.linear.scatter [tilespmem:s17], [sflag:$0x1], $0x4000, $0x38;
	[tilespmem:$0x18100] =	vst v63  }
0x2b: {  	_ =	swait.ge [sflag:s18], $0x4000  }
0x2c: {  	[sflag:s18] =	ssyncset.done $0x0  }
0x2d: {  	[sflag:s18] =	ssyncadd.s32 $0xFFFFC000  }
0x2e: {  	[spmem:s7] =	stream.linear.scatter [tilespmem:s17], [sflag:$0x1], $0x4000, $0x38;
	[tilespmem:$0x18100] =	vst v63  }
0x2f: {  	_ =	swait.ge [sflag:s18], $0x4000  }
0x30: {  	[sflag:s18] =	ssyncset.done $0x0  }
0x31: {  	[sflag:s18] =	ssyncadd.s32 $0xFFFFC000  }
0x32: {  	[spmem:s8] =	stream.linear.scatter [tilespmem:s17], [sflag:$0x1], $0x4000, $0x38;
	[tilespmem:$0x18100] =	vst v63  }
0x33: {  	_ =	swait.ge [sflag:s18], $0x4000  }
0x34: {  	[sflag:s18] =	ssyncset.done $0x0  }
0x35: {  	[sflag:s18] =	ssyncadd.s32 $0xFFFFC000  }
0x36: {  	[spmem:s9] =	stream.linear.scatter [tilespmem:s17], [sflag:$0x1], $0x4000, $0x38;
	[tilespmem:$0x18100] =	vst v63  }
0x37: {  	_ =	swait.ge [sflag:s18], $0x4000  }
0x38: {  	[sflag:s18] =	ssyncset.done $0x0  }
0x39: {  	[sflag:s18] =	ssyncadd.s32 $0xFFFFC000  }
0x3a: {  	s31 =	sadd.s32 $0x0, s16;
	[bflag:$0x0] =	sbarrier.arrive $0xFFFF  }
0x3b: {  	[tilespmem:s3], [sflag:$0x1] =	stream.linear.gather [hbm4b:s31+s3], $0x100, $0x38;
	[tilespmem:$0x18100] =	vst v63  }
0x3c: {  	_ =	swait.ge [sflag:s18], $0x100  }
0x3d: {  	[sflag:s18] =	ssyncset.done $0x0  }
0x3e: {  	[sflag:s18] =	ssyncadd.s32 $0xFFFFFF00  }
0x3f: {  	[tilespmem:s17], [sflag:$0x1] =	stream.indirect.gather [hbm4b:s4+s19], $0x80, s3, s19, $0xb8;
	[tilespmem:$0x18100] =	vst v63  }
0x40: {  	_ =	swait.ge [sflag:s18], $0x4000  }
0x41: {  	[sflag:s18] =	ssyncset.done $0x0  }
0x42: {  	[sflag:s18] =	ssyncadd.s32 $0xFFFFC000  }
0x43: {  	[spmem:s2] =	stream.indirect.scatter.add.f32 [tilespmem:s17], [sflag:$0x1], $0x80, s19, s19, $0xb8;
	[tilespmem:$0x18100] =	vst v63  }
0x44: {  	_ =	swait.ge [sflag:s18], $0x4000  }
0x45: {  	s21 =	simm.s32 $0x20;
	s22 =	simm.s32 $0x40;
	[sflag:s18] =	ssyncset.done $0x0  }
.LBB2_4:
0x46: {  	s23 =	sadd.s32 s21, s16  }
0x47: {  	[sflag:s18] =	ssyncadd.s32 $0xFFFFC000;
	s21 =	smov.u32 s22;
	s24 =	sadd.s32 $0x20, s22  }
0x48: {  	[tilespmem:s3], [sflag:$0x1] =	stream.linear.gather [hbm4b:s23+s3], $0x100, $0x38;
	[tilespmem:$0x18100] =	vst v63  }
0x49: {  	p0 =	sne.s32 s22, $0x9C0;
	_ =	swait.ge [sflag:s18], $0x100  }
0x4a: {  	[sflag:s18] =	ssyncset.done $0x0  }
0x4b: {  	[sflag:s18] =	ssyncadd.s32 $0xFFFFFF00  }
0x4c: {  	[tilespmem:s17], [sflag:$0x1] =	stream.indirect.gather [hbm4b:s4+s19], $0x80, s3, s19, $0xb8;
	[tilespmem:$0x18100] =	vst v63  }
0x4d: {  	_ =	swait.ge [sflag:s18], $0x4000  }
.Ltmp1:
0x4e: {  	[sflag:s18] =	ssyncset.done $0x0;
	(pc) =	sbr.rel @p0 .LBB2_4-.Ltmp1, $4  }
0x4f: {  	[sflag:s18] =	ssyncadd.s32 $0xFFFFC000  }
0x50: {  	[spmem:s2] =	stream.indirect.scatter.add.f32 [tilespmem:s17], [sflag:$0x1], $0x80, s19, s19, $0xb8;
	[tilespmem:$0x18100] =	vst v63  }
0x51: {  	_ =	swait.ge [sflag:s18], $0x4000  }
0x52: {  	s22 =	smov.u32 s24;
	[sflag:s18] =	ssyncset.done $0x0  }
0x53: {  	s21 =	sadd.s32 s21, s16;
	[sflag:s18] =	ssyncadd.s32 $0xFFFFC000  }
0x54: {  	[tilespmem:s3], [sflag:$0x1] =	stream.linear.gather [hbm4b:s21+s3], $0x100, $0x38;
	[tilespmem:$0x18100] =	vst v63  }
0x55: {  	_ =	swait.ge [sflag:s18], $0x100  }
0x56: {  	[sflag:s18] =	ssyncset.done $0x0  }
0x57: {  	[sflag:s18] =	ssyncadd.s32 $0xFFFFFF00  }
0x58: {  	[tilespmem:s17], [sflag:$0x1] =	stream.indirect.gather [hbm4b:s4+s19], $0x80, s3, s19, $0xb8;
	[tilespmem:$0x18100] =	vst v63  }
0x59: {  	_ =	swait.ge [sflag:s18], $0x4000  }
0x5a: {  	[sflag:s18] =	ssyncset.done $0x0  }
0x5b: {  	[sflag:s18] =	ssyncadd.s32 $0xFFFFC000  }
0x5c: {  	[spmem:s2] =	stream.indirect.scatter.add.f32 [tilespmem:s17], [sflag:$0x1], $0x80, s19, s19, $0xb8;
	[tilespmem:$0x18100] =	vst v63  }
0x5d: {  	_ =	swait.ge [sflag:s18], $0x4000  }
0x5e: {  	[sflag:s18] =	ssyncset.done $0x0  }
0x5f: {  	[sflag:s18] =	ssyncadd.s32 $0xFFFFC000  }
0x60: {  	[bflag:$0x0] =	sbarrier.arrive $0xFFFF  }
0x61: {  	[tilespmem:s17], [sflag:$0x1] =	stream.linear.gather [spmem:s5], $0x4000, $0x38;
	[tilespmem:$0x18100] =	vst v63  }
0x62: {  	_ =	swait.ge [sflag:s18], $0x4000  }
0x63: {  	[sflag:s18] =	ssyncset.done $0x0  }
0x64: {  	[sflag:s18] =	ssyncadd.s32 $0xFFFFC000  }
0x65: {  	[hbm4b:s10+s3] =	stream.linear.scatter [tilespmem:s17], [sflag:$0x1], $0x4000, $0x38;
	[tilespmem:$0x18100] =	vst v63  }
0x66: {  	_ =	swait.ge [sflag:s18], $0x4000  }
0x67: {  	[sflag:s18] =	ssyncset.done $0x0  }
0x68: {  	[sflag:s18] =	ssyncadd.s32 $0xFFFFC000  }
0x69: {  	[tilespmem:s17], [sflag:$0x1] =	stream.linear.gather [spmem:s6], $0x4000, $0x38;
	[tilespmem:$0x18100] =	vst v63  }
0x6a: {  	_ =	swait.ge [sflag:s18], $0x4000  }
0x6b: {  	[sflag:s18] =	ssyncset.done $0x0  }
0x6c: {  	[sflag:s18] =	ssyncadd.s32 $0xFFFFC000  }
0x6d: {  	[hbm4b:s11+s3] =	stream.linear.scatter [tilespmem:s17], [sflag:$0x1], $0x4000, $0x38;
	[tilespmem:$0x18100] =	vst v63  }
0x6e: {  	_ =	swait.ge [sflag:s18], $0x4000  }
0x6f: {  	[sflag:s18] =	ssyncset.done $0x0  }
0x70: {  	[sflag:s18] =	ssyncadd.s32 $0xFFFFC000  }
0x71: {  	[tilespmem:s17], [sflag:$0x1] =	stream.linear.gather [spmem:s7], $0x4000, $0x38;
	[tilespmem:$0x18100] =	vst v63  }
0x72: {  	_ =	swait.ge [sflag:s18], $0x4000  }
0x73: {  	[sflag:s18] =	ssyncset.done $0x0  }
0x74: {  	[sflag:s18] =	ssyncadd.s32 $0xFFFFC000  }
0x75: {  	[hbm4b:s12+s3] =	stream.linear.scatter [tilespmem:s17], [sflag:$0x1], $0x4000, $0x38;
	[tilespmem:$0x18100] =	vst v63  }
0x76: {  	_ =	swait.ge [sflag:s18], $0x4000  }
0x77: {  	[sflag:s18] =	ssyncset.done $0x0  }
0x78: {  	[sflag:s18] =	ssyncadd.s32 $0xFFFFC000  }
0x79: {  	[tilespmem:s17], [sflag:$0x1] =	stream.linear.gather [spmem:s8], $0x4000, $0x38;
	[tilespmem:$0x18100] =	vst v63  }
0x7a: {  	_ =	swait.ge [sflag:s18], $0x4000  }
0x7b: {  	[sflag:s18] =	ssyncset.done $0x0  }
0x7c: {  	[sflag:s18] =	ssyncadd.s32 $0xFFFFC000  }
0x7d: {  	[hbm4b:s13+s3] =	stream.linear.scatter [tilespmem:s17], [sflag:$0x1], $0x4000, $0x38;
	[tilespmem:$0x18100] =	vst v63  }
0x7e: {  	_ =	swait.ge [sflag:s18], $0x4000  }
0x7f: {  	[sflag:s18] =	ssyncset.done $0x0  }
0x80: {  	[sflag:s18] =	ssyncadd.s32 $0xFFFFC000  }
0x81: {  	[tilespmem:s17], [sflag:$0x1] =	stream.linear.gather [spmem:s9], $0x4000, $0x38;
	[tilespmem:$0x18100] =	vst v63  }
0x82: {  	s20 =	sadd.s32 $0x1, s20;
	_ =	swait.ge [sflag:s18], $0x4000  }
0x83: {  	p0 =	sne.s32 s20, s15;
	[sflag:s18] =	ssyncset.done $0x0  }
.Ltmp2:
0x84: {  	[sflag:s18] =	ssyncadd.s32 $0xFFFFC000;
	(pc) =	sbr.rel @p0 .LBB2_1-.Ltmp2, $4  }
0x85: {  	[hbm4b:s14+s3] =	stream.linear.scatter [tilespmem:s17], [sflag:$0x1], $0x4000, $0x38;
	[tilespmem:$0x18100] =	vst v63  }
0x86: {  	_ =	swait.ge [sflag:s18], $0x4000  }
0x87: {  	[sflag:s18] =	ssyncset.done $0x0  }
0x88: {  	[sflag:s18] =	ssyncadd.s32 $0xFFFFC000  }
0x89: {  	_ =	sfence.sel $0x180000  }
0x8a: {  	[bflag:$0x0] =	sbarrier.arrive $0xFFFF  }
0x8b: {  	p0 =	sne.s32 s1, $0x0;
	_ =	strace $0x9000004D  }
0x8c: {  	s0 =	sadd.s32 @!p0 $0x100000, s0;
	[bflag:$0x2] =	sbarrier.arrive $0xFFFF  }
0x8d: {  	[sflag:s0] =	ssyncadd.tile.s32 @!p0 $0x1;
	_ =	shalt  }
.Lfunc_end2:
_tile_overlayer_lowered:
.L_overlay_start_2:
0x8e: {  	(tag) =	ssettag $0x2  }
0x8f: {  	s0 =	rddreg [dreg:$0x0];
	s2 =	stileid.u32  }
0x90: {  	s1 =	rddreg [dreg:$0x1];
	p0 =	sne.s32 s2, $0x0  }
0x91: {  	s3 =	rddreg [dreg:$0x2];
	[bflag:$0x3] =	sbarrier.arrive $0xFFFF;
	s2 =	simm.s32 @!p0 $0x1C01  }
0x92: {  	[timem:s3], [sflag:s2] =	dma.local @!p0 [hbm:s0], s1  }
0x93: {  	s0 =	simm.s32 @!p0 $0x1  }
0x94: {  	_ =	swait.ge @!p0 [sflag:s0], s1  }
0x95: {  	s1 =	ssub.s32 @!p0 $0x0, s1;
	[sflag:s0] =	ssyncset.done @!p0 $0x0  }
0x96: {  	[sflag:s0] =	ssyncadd.s32 @!p0 s1  }
0x97: {  	[bflag:$0x3] =	sbarrier.arrive $0xFFFF  }
0x98: {  	_ =	shalt  }

// kernel: kernel.8.cloned.1.call-start
scs
__scs_entry_jumppad:
0x0: {  	(pc) =	sbr.rel $0x88, $3  }
0x1: {  	(tag) =	ssettag $0x0;
	lr =	simm.s32 $0x1  }
0x2: {  	[smem:$0x3F97] =	sst lr;
	_ =	strace $0xD0000000  }
0x3: {  	_ = 	snop  }
0x4: {  	_ = 	snop  }
0x5: {  	_ = 	snop  }
0x6: {  	_ = 	snop  }
0x7: {  	_ = 	snop  }
__scs_overlays_trampoline_lowered:
0x8: {  	[smem:$0x3FA6] =	sst s0  }
0x9: {  	[smem:$0x3FA7] =	sst s1  }
0xa: {  	[smem:$0x3FA8] =	sst s2  }
0xb: {  	[smem:$0x3FA9] =	sst s3  }
0xc: {  	[smem:$0x3FAA] =	sst s4  }
0xd: {  	[smem:$0x3FAB] =	sst s5  }
0xe: {  	[smem:$0x3FAC] =	sst s6  }
0xf: {  	[smem:$0x3FAD] =	sst s7  }
0x10: {  	[smem:$0x3FAE] =	sst s8  }
0x11: {  	[smem:$0x3FAF] =	sst s9;
	s0 =	simm.s32 @!p0 $0x0  }
0x12: {  	s1 =	sld [smem:$0x3F95];
	s0 =	simm.s32 @p0 $0x1  }
0x13: {  	[smem:$0x3FB0] =	sst s0;
	s0 =	simm.s32 @!p1 $0x0  }
0x14: {  	s2 =	sld [smem:$0x3F94];
	s0 =	simm.s32 @p1 $0x1  }
0x15: {  	[smem:$0x3FB1] =	sst s0;
	s0 =	simm.s32 @!p2 $0x0  }
0x16: {  	s3 =	sld [smem:$0x3FDB];
	s0 =	simm.s32 @p2 $0x1  }
0x17: {  	s4 =	simm.s32 $0x1BF5;
	[smem:$0x3FB3] =	sst s0  }
0x18: {  	s0 =	sld [smem:$0x3F96];
	_ =	swait.ge [sflag:s4], $0x0  }
0x19: {  	s7 =	sld [smem:$0x3F97]  }
0x1a: {  	s8 =	sadd.s32 $0xFFFFE003, lr  }
0x1b: {  	s9 =	sadd.s32 $0xFFFFFEF7, lr;
	s5 =	simm.s32 $0xFFFFFFFF;
	p2 =	slt.u32 s8, $0xFFFFF086  }
0x1c: {  	p1 =	slt.u32 s9, $0xF7A;
	s5 =	simm.s32 @!p2 $0x0  }
0x1d: {  	s5 =	simm.s32 @p1 $0x1;
	p0 =	seq.s32 s7, s2  }
0x1e: {  	s7 =	smul.u32 @!p0 $0xF7A, s2;
	p2 =	seq.s32 @!p0 s5, $0x0  }
0x1f: {  	s9 =	smul.u32 $0xF7A, s1;
	s8 =	simm.s32 @!p0 $0x1BF5;
	p2 =	por !p2, p0  }
0x20: {  	[sflag:s8] =	ssyncset.s32 @!p0 $0xFFFFF086;
	s6 =	sadd.s32 @!p0 s3, s7;
	s7 =	simm.s32 @!p0 $0x108  }
0x21: {  	s3 =	sadd.s32 s3, s9;
	s6 =	sadd.s32 @!p0 $0x88, s6;
	s7 =	simm.s32 @p2 $0x1082  }
0x22: {  	[simem:s7], [sflag:s8] =	dma.local @!p0 [hbm:s6], $0xF7A  }
0x23: {  	s9 =	sor.u32 $0xD0000000, s2;
	s6 =	simm.s32 $0x108;
	_ =	swait.ge @!p0 [sflag:s8], $0x0  }
0x24: {  	s3 =	sadd.s32 $0x88, s3;
	s6 =	simm.s32 @!p1 $0x1082;
	[sflag:s4] =	ssyncset.s32 $0xFFFFF086  }
0x25: {  	[simem:s6], [sflag:s4] =	dma.local [hbm:s3], $0xF7A  }
0x26: {  	[smem:$0x3F97] =	sst s1;
	(tag) =	ssettag s2;
	_ =	strace s9  }
0x27: {  	s1 =	sld [smem:$0x3FA7]  }
0x28: {  	s2 =	sld [smem:$0x3FA8]  }
0x29: {  	s4 =	sld [smem:$0x3FAA]  }
0x2a: {  	p0 =	seq.s32 s5, $0x0;
	s5 =	sld [smem:$0x3FAB]  }
0x2b: {  	s6 =	sld [smem:$0x3FAC]  }
0x2c: {  	s7 =	sld [smem:$0x3FAD]  }
0x2d: {  	s3 =	simm.s32 $0x108;
	s8 =	sld [smem:$0x3FAE]  }
0x2e: {  	s3 =	simm.s32 @!p0 $0x1082;
	s9 =	sld [smem:$0x3FAF]  }
0x2f: {  	lr =	sadd.s32 s0, s3;
	s0 =	sld [smem:$0x3FA6]  }
0x30: {  	s3 =	sld [smem:$0x3FA9]  }
0x31: {  	[smem:$0x3FB2] =	sst s10  }
0x32: {  	s10 =	sld [smem:$0x3FB0];
	_ =	sdelay $0x3  }
0x33: {  	p0 =	seq.s32 s10, $0x1;
	s10 =	sld [smem:$0x3FB2];
	_ =	sdelay $0x3  }
0x34: {  	[smem:$0x3FB2] =	sst s10  }
0x35: {  	s10 =	sld [smem:$0x3FB1];
	_ =	sdelay $0x3  }
0x36: {  	p1 =	seq.s32 s10, $0x1;
	s10 =	sld [smem:$0x3FB2];
	_ =	sdelay $0x3  }
0x37: {  	[smem:$0x3FB2] =	sst s10  }
0x38: {  	s10 =	sld [smem:$0x3FB3]  }
0x39: {  	_ = 	snop;
	(pc) =	sbr.ind lr, $3  }
0x3a: {  	_ = 	snop  }
0x3b: {  	_ = 	snop  }
0x3c: {  	p2 =	seq.s32 s10, $0x1;
	s10 =	sld [smem:$0x3FB2]  }
0x3d: {  	_ =	shalt  }
0x3e: {  	_ =	shalt  }
0x3f: {  	_ =	shalt  }
0x40: {  	_ =	shalt  }
0x41: {  	_ =	shalt  }
0x42: {  	_ =	shalt  }
0x43: {  	_ =	shalt  }
0x44: {  	_ =	shalt  }
0x45: {  	_ =	shalt  }
0x46: {  	_ =	shalt  }
0x47: {  	_ =	shalt  }
0x48: {  	_ =	shalt  }
0x49: {  	_ =	shalt  }
0x4a: {  	_ =	shalt  }
0x4b: {  	_ =	shalt  }
0x4c: {  	_ =	shalt  }
0x4d: {  	_ =	shalt  }
0x4e: {  	_ =	shalt  }
0x4f: {  	_ =	shalt  }
0x50: {  	_ =	shalt  }
0x51: {  	_ =	shalt  }
0x52: {  	_ =	shalt  }
0x53: {  	_ =	shalt  }
0x54: {  	_ =	shalt  }
0x55: {  	_ =	shalt  }
0x56: {  	_ =	shalt  }
0x57: {  	_ =	shalt  }
0x58: {  	_ =	shalt  }
0x59: {  	_ =	shalt  }
0x5a: {  	_ =	shalt  }
0x5b: {  	_ =	shalt  }
0x5c: {  	_ =	shalt  }
0x5d: {  	_ =	shalt  }
0x5e: {  	_ =	shalt  }
0x5f: {  	_ =	shalt  }
0x60: {  	_ =	shalt  }
0x61: {  	_ =	shalt  }
0x62: {  	_ =	shalt  }
0x63: {  	_ =	shalt  }
0x64: {  	_ =	shalt  }
0x65: {  	_ =	shalt  }
0x66: {  	_ =	shalt  }
0x67: {  	_ =	shalt  }
0x68: {  	_ =	shalt  }
0x69: {  	_ =	shalt  }
0x6a: {  	_ =	shalt  }
0x6b: {  	_ =	shalt  }
0x6c: {  	_ =	shalt  }
0x6d: {  	_ =	shalt  }
0x6e: {  	_ =	shalt  }
0x6f: {  	_ =	shalt  }
0x70: {  	_ =	shalt  }
0x71: {  	_ =	shalt  }
0x72: {  	_ =	shalt  }
0x73: {  	_ =	shalt  }
0x74: {  	_ =	shalt  }
0x75: {  	_ =	shalt  }
0x76: {  	_ =	shalt  }
0x77: {  	_ =	shalt  }
0x78: {  	_ =	shalt  }
0x79: {  	_ =	shalt  }
0x7a: {  	_ =	shalt  }
0x7b: {  	_ =	shalt  }
0x7c: {  	_ =	shalt  }
0x7d: {  	_ =	shalt  }
0x7e: {  	_ =	shalt  }
0x7f: {  	_ =	shalt  }
0x80: {  	_ =	shalt  }
0x81: {  	_ =	shalt  }
0x82: {  	_ =	shalt  }
0x83: {  	_ =	shalt  }
0x84: {  	_ =	shalt  }
0x85: {  	_ =	shalt  }
0x86: {  	_ =	shalt  }
0x87: {  	_ =	shalt  }
.Lfunc_end0:
.L_simem_size_0:
called_computation_lowered:
.L_overlay_start_0:
0x88: {  	s2 =	sld [smem:$0x3FD9]  }
0x89: {  	s3 =	sld [smem:$0x3FFE];
	_ =	sdelay $0x1  }
0x8a: {  	s1 =	srdreg.scid  }
0x8b: {  	s0 =	sand.u32 $0x1, s1  }
0x8c: {  	s17 =	sshll.u32 s0, $0xA;
	s2 =	sadd.s32 s3, s2  }
0x8d: {  	s2 =	sadd.s32 s2, s17  }
0x8e: {  	[smem:$0x3FBE] =	sst s2  }
0x8f: {  	_ = 	snop  }
0x90: {  	(tm) =	ssettm $0x1  }
0x91: {  	s18 =	sld [smem:$0x3FFB];
	_ =	sdelay $0x3  }
0x92: {  	_ =	strace s18  }
0x93: {  	s2 =	sld [smem:$0x3FFC];
	_ =	sdelay $0x3  }
0x94: {  	_ =	strace s2  }
0x95: {  	s2 =	sld [smem:$0x3FFD];
	_ =	sdelay $0x3  }
0x96: {  	_ =	strace s2  }
0x97: {  	_ =	strace $0x8FFFFFFF  }
0x98: {  	s19 =	sld [smem:$0x3FDB];
	_ =	sdelay $0x1  }
0x99: {  	s20 =	simm.s32 $_scs_section_size  }
0x9a: {  	s4 =	simm.s32 $_size__tile_overlayer_lowered;
	s5 =	simm.s32 $_tile_overlayer_lowered  }
0x9b: {  	s6 =	simm.s32 $0x1BFF;
	s21 =	sshll.u32 s5, $0x1;
	s3 =	sadd.s32 s20, s19  }
0x9c: {  	s22 =	simm.s32 $0x0;
	s4 =	sshll.u32 s4, $0x1;
	s5 =	sadd.s32 s21, s3  }
0x9d: {  	[timem:s22], [sflag:s6] =	dma.local [hbm:s5], s4  }
0x9e: {  	_ =	swait.ge [sflag:s6], s4  }
0x9f: {  	s4 =	ssub.s32 $0x0, s4;
	[sflag:s6] =	ssyncset.done $0x0  }
0xa0: {  	[sflag:s6] =	ssyncadd.s32 s4;
	_ =	sdelay $0x1  }
0xa1: {  	s23 =	simm.s32 $0x1B8B  }
0xa2: {  	_ =	swait.ge [sflag:s23], $0x1  }
0xa3: {  	[sflag:s23] =	ssyncset.done $0x0  }
0xa4: {  	[sflag:s23] =	ssyncadd.s32 $0xFFFFFFFF  }
0xa5: {  	s4 =	sld [smem:$0x0]  }
0xa6: {  	s5 =	sand.u32 $0xFFFFFFFE, s1  }
0xa7: {  	p0 =	sne.s32 s1, s5  }
0xa8: {  	s5 =	sshll.u32 @p0 s5, $0xE  }
0xa9: {  	s5 =	sadd.s32 @p0 $0x11B8D, s5;
	s6 =	sshll.u32 @p0 s4, $0x11  }
0xaa: {  	s5 =	sor.u32 @p0 s6, s5  }
0xab: {  	[sflag:s5] =	ssyncadd.remote.s32 @p0 $0x1;
	_ =	sdelay $0x1  }
0xac: {  	s5 =	simm.s32 @p0 $0x1B8D  }
0xad: {  	_ =	swait.eq @p0 [sflag:s5], $0x1  }
0xae: {  	[sflag:s5] =	ssyncadd.s32 @p0 $0xFFFFFFFF  }
0xaf: {  	s6 =	sshll.u32 @!p0 s1, $0xE  }
0xb0: {  	s6 =	sor.u32 @!p0 $0x4000, s6;
	s5 =	simm.s32 @!p0 $0x1B8D  }
0xb1: {  	s4 =	sshll.u32 @!p0 s4, $0x11;
	s6 =	sadd.s32 @!p0 $0x11B8D, s6;
	_ =	swait.eq @!p0 [sflag:s5], $0x1  }
0xb2: {  	s4 =	sor.u32 @!p0 s4, s6;
	[sflag:s5] =	ssyncadd.s32 @!p0 $0xFFFFFFFF  }
0xb3: {  	s25 =	simm.s32 $0x1B8E;
	s24 =	sld [smem:$0x3FFE];
	[sflag:s4] =	ssyncadd.remote.s32 @!p0 $0x1  }
0xb4: {  	s26 =	simm.s32 $execute0_lowered;
	[smem:$0x3FD2] =	sst s25  }
0xb5: {  	s5 =	sshll.u32 s26, $0x1;
	_ =	strace $0x80000049;
	[dreg:$0x1] =	wrdreg $0xFFFFFFFF  }
0xb6: {  	s28 =	simm.s32 $_size_execute0_lowered;
	s3 =	sadd.s32 s3, s5;
	[dreg:$0x0] =	wrdreg $0x0  }
0xb7: {  	s5 =	sshll.u32 s28, $0x1;
	[dreg:$0x2] =	wrdreg s3  }
0xb8: {  	[dreg:$0x3] =	wrdreg s5  }
0xb9: {  	[dreg:$0x4] =	wrdreg $0xC0  }
0xba: {  	_ =	task [dreg:s22], $0x5FFFF  }
0xbb: {  	[dreg:$0x1] =	wrdreg $0xFFFFFFFF  }
0xbc: {  	[dreg:$0x0] =	wrdreg $0x60  }
0xbd: {  	[dreg:$0x2] =	wrdreg s24  }
0xbe: {  	[dreg:$0x3] =	wrdreg $0x40800  }
0xbf: {  	[dreg:$0x4] =	wrdreg $0x9  }
0xc0: {  	_ =	task.clear_ibuf [dreg:s22], $0x5FFFF;
	_ =	strace $0x90000049  }
0xc1: {  	s29 =	simm.s32 $0x9;
	_ =	strace $0x8000004B  }
0xc2: {  	_ =	swait.ge [sflag:s29], $0x1  }
0xc3: {  	[sflag:s29] =	ssyncadd.s32 $0xFFFFFFFF  }
0xc4: {  	_ =	strace $0x9000004B  }
0xc5: {  	_ =	sfence  }
0xc6: {  	s30 =	sld [smem:$0x0];
	_ =	sdelay $0x2  }
0xc7: {  	s31 =	sshll.u32 s1, $0xD;
	s1 =	sshrl.u32 s1, $0x2  }
0xc8: {  	s4 =	sand.u32 $0x4000, s31;
	s1 =	sadd.s32 s1, s30  }
0xc9: {  	s0 =	sor.u32 s4, s0;
	s1 =	sshll.u32 s1, $0x11  }
0xca: {  	s0 =	sor.u32 s1, s0  }
0xcb: {  	s0 =	sadd.s32 $0x8F2B, s0  }
0xcc: {  	[sflag:s0] =	ssyncadd.remote.s32 $0x1  }
0xcd: {  	_ =	sfence.sel $0xFFFF  }
0xce: {  	[dreg:$0x0] =	wrdreg $0xFFFFFFFF;
	(pc) =	sbr.abs _section_cstart, $3  }
0xcf: {  	[dreg:$0x1] =	wrdreg $0xFFFFFFFF  }
0xd0: {  	_ =	task.clear_ibuf [dreg:s22], $0x2FFFF;
	_ =	strace $0x9FFFFFFF  }
0xd1: {  	(tm) =	ssettm $0x7FFFFFFF  }
tec
execute0_lowered:
.L_overlay_start_1:
0x0: {  	(tag) =	ssettag $0x1  }
0x1: {  	s5 =	rddreg [dreg:$0x0]  }
0x2: {  	s2 =	rddreg [dreg:$0x1]  }
0x3: {  	s0 =	rddreg [dreg:$0x2];
	s1 =	stileid.u32  }
0x4: {  	s4 =	srdreg.scid;
	s3 =	simm.s32 $0x0;
	s8 =	smul.u32 $0x50000, s1  }
0x5: {  	s7 =	sand.u32 $0x1, s4;
	[smem:$0x7FF] =	sst s3;
	s10 =	smul.u32 $0x14000, s1  }
0x6: {  	s4 =	sadd.s32 $0x79800, s5;
	s15 =	sadd.s32 $0x83800, s5;
	s28 =	sshll.u32 s1, $0x1  }
0x7: {  	s6 =	ssub.s32 $0x2, s7;
	_ =	strace $0x8000004A;
	s12 =	sor.u32 s7, s28  }
0x8: {  	s17 =	smul.u32 $0x140000, s7;
	s9 =	sshrl.u32 s6, $0x1;
	s29 =	sshrl.u32 s8, $0x2  }
0x9: {  	s11 =	sadd.s32 $0x4000, s10;
	s13 =	sadd.s32 $0x8000, s10;
	s14 =	sadd.s32 $0xC000, s10  }
0xa: {  	s18 =	sadd.s32 $0x10000, s10;
	s16 =	ssub.s32 s6, s9;
	s5 =	sadd.s32 s29, s2  }
0xb: {  	s6 =	sadd.s32 s11, s2;
	s7 =	sadd.s32 s13, s2;
	s8 =	sadd.s32 s14, s2  }
0xc: {  	s9 =	sadd.s32 s18, s2;
	s19 =	sadd.s32 s10, s17;
	s11 =	sadd.s32 s17, s11  }
0xd: {  	s10 =	smul.u32 $0x2800, s12;
	s13 =	sadd.s32 s17, s13;
	s14 =	sadd.s32 s17, s14  }
0xe: {  	s17 =	sadd.s32 s17, s18;
	s18 =	simm.s32 $0x1;
	s30 =	sshrl.u32 s19, $0x3  }
0xf: {  	s31 =	sshrl.u32 s11, $0x3;
	s13 =	sshrl.u32 s13, $0x3;
	s14 =	sshrl.u32 s14, $0x3  }
0x10: {  	s17 =	sshrl.u32 s17, $0x3;
	s16 =	smax.u32 s16, $0x1;
	s19 =	simm.s32 $0x0  }
0x11: {  	s11 =	sadd.s32 s15, s30;
	s12 =	sadd.s32 s15, s31;
	s13 =	sadd.s32 s15, s13  }
0x12: {  	v0 =	vimm.f32 $0.0e+00;
	v1 =	vimm.f32 $1.000000000e+00;
	s14 =	sadd.s32 s15, s14;
	s15 =	sadd.s32 s15, s17;
	s17 =	simm.s32 $0x80  }
.LBB2_1:
0x13: {  	s20 =	simm.s32 $0x0;
	s21 =	simm.s32 $0x200  }
.LBB2_2:
0x14: {  	p0 =	sne.s32 s21, $0xFE00;
	[tilespmem:s20+$0xF0] =	vst v0  }
0x15: {  	[tilespmem:s20+$0x80] =	vst v0  }
0x16: {  	[tilespmem:s20+$0x90] =	vst v0  }
.Ltmp0:
0x17: {  	[tilespmem:s20+$0xA0] =	vst v0;
	(pc) =	sbr.rel @p0 .LBB2_2-.Ltmp0, $4  }
0x18: {  	[tilespmem:s20+$0xB0] =	vst v0  }
0x19: {  	[tilespmem:s20+$0xC0] =	vst v0  }
0x1a: {  	[tilespmem:s20+$0xD0] =	vst v0  }
0x1b: {  	[tilespmem:s20+$0xE0] =	vst v0;
	s20 =	sshra.s32 s21, $0x2;
	s21 =	sadd.s32 $0x200, s21  }
0x1c: {  	[tilespmem:s20+$0xF0] =	vst v0  }
0x1d: {  	[tilespmem:s20+$0x80] =	vst v0  }
0x1e: {  	[tilespmem:s20+$0x90] =	vst v0  }
0x1f: {  	[tilespmem:s20+$0xA0] =	vst v0  }
0x20: {  	[tilespmem:s20+$0xB0] =	vst v0  }
0x21: {  	[tilespmem:s20+$0xC0] =	vst v0  }
0x22: {  	[tilespmem:s20+$0xD0] =	vst v0  }
0x23: {  	[tilespmem:s20+$0xE0] =	vst v0  }
0x24: {  	[spmem:s5] =	stream.linear.scatter [tilespmem:s17], [sflag:$0x1], $0x4000, $0x38;
	[tilespmem:$0x18080] =	vst v63  }
0x25: {  	_ =	swait.ge [sflag:s18], $0x4000  }
0x26: {  	[sflag:s18] =	ssyncset.done $0x0  }
0x27: {  	[sflag:s18] =	ssyncadd.s32 $0xFFFFC000  }
0x28: {  	[spmem:s6] =	stream.linear.scatter [tilespmem:s17], [sflag:$0x1], $0x4000, $0x38;
	[tilespmem:$0x18080] =	vst v63  }
0x29: {  	_ =	swait.ge [sflag:s18], $0x4000  }
0x2a: {  	[sflag:s18] =	ssyncset.done $0x0  }
0x2b: {  	[sflag:s18] =	ssyncadd.s32 $0xFFFFC000  }
0x2c: {  	[spmem:s7] =	stream.linear.scatter [tilespmem:s17], [sflag:$0x1], $0x4000, $0x38;
	[tilespmem:$0x18080] =	vst v63  }
0x2d: {  	_ =	swait.ge [sflag:s18], $0x4000  }
0x2e: {  	[sflag:s18] =	ssyncset.done $0x0  }
0x2f: {  	[sflag:s18] =	ssyncadd.s32 $0xFFFFC000  }
0x30: {  	[spmem:s8] =	stream.linear.scatter [tilespmem:s17], [sflag:$0x1], $0x4000, $0x38;
	[tilespmem:$0x18080] =	vst v63  }
0x31: {  	_ =	swait.ge [sflag:s18], $0x4000  }
0x32: {  	[sflag:s18] =	ssyncset.done $0x0  }
0x33: {  	[sflag:s18] =	ssyncadd.s32 $0xFFFFC000  }
0x34: {  	[spmem:s9] =	stream.linear.scatter [tilespmem:s17], [sflag:$0x1], $0x4000, $0x38;
	[tilespmem:$0x18080] =	vst v63  }
0x35: {  	_ =	swait.ge [sflag:s18], $0x4000  }
0x36: {  	[sflag:s18] =	ssyncset.done $0x0  }
0x37: {  	s20 =	simm.s32 $0x0;
	s21 =	simm.s32 $0x200;
	[sflag:s18] =	ssyncadd.s32 $0xFFFFC000  }
.LBB2_4:
0x38: {  	p0 =	sne.s32 s21, $0xFE00;
	[tilespmem:s20+$0xF0] =	vst v1  }
0x39: {  	[tilespmem:s20+$0x80] =	vst v1  }
0x3a: {  	[tilespmem:s20+$0x90] =	vst v1  }
.Ltmp1:
0x3b: {  	[tilespmem:s20+$0xA0] =	vst v1;
	(pc) =	sbr.rel @p0 .LBB2_4-.Ltmp1, $4  }
0x3c: {  	[tilespmem:s20+$0xB0] =	vst v1  }
0x3d: {  	[tilespmem:s20+$0xC0] =	vst v1  }
0x3e: {  	[tilespmem:s20+$0xD0] =	vst v1  }
0x3f: {  	[tilespmem:s20+$0xE0] =	vst v1;
	s20 =	sshra.s32 s21, $0x2;
	s21 =	sadd.s32 $0x200, s21  }
0x40: {  	[tilespmem:s20+$0xF0] =	vst v1  }
0x41: {  	[tilespmem:s20+$0x80] =	vst v1  }
0x42: {  	[tilespmem:s20+$0x90] =	vst v1  }
0x43: {  	[tilespmem:s20+$0xA0] =	vst v1;
	s21 =	simm.s32 $0x0  }
0x44: {  	[tilespmem:s20+$0xB0] =	vst v1;
	s22 =	sand.u32 $0x3C00, s21  }
0x45: {  	[tilespmem:s20+$0xC0] =	vst v1;
	s21 =	sand.u32 $0x380, s21;
	s22 =	sadd.s32 s10, s22  }
0x46: {  	[tilespmem:s20+$0xD0] =	vst v1;
	s21 =	sor.u32 s21, s22  }
0x47: {  	[tilespmem:s20+$0xE0] =	vst v1;
	s28 =	sshrl.u32 s21, $0x3  }
0x48: {  	[bflag:$0x0] =	sbarrier.arrive $0xFFFF;
	s20 =	sadd.s32 s4, s28  }
0x49: {  	[tilespmem:s3], [sflag:$0x1] =	stream.linear.gather [hbm4b:s20+s3], $0x80, $0x38;
	[tilespmem:$0x18080] =	vst v63  }
0x4a: {  	_ =	swait.ge [sflag:s18], $0x80  }
0x4b: {  	s29 =	simm.s32 $0x80;
	[sflag:s18] =	ssyncset.done $0x0  }
0x4c: {  	s30 =	sand.u32 $0x3C00, s29;
	[sflag:s18] =	ssyncadd.s32 $0xFFFFFF80  }
0x4d: {  	[spmem:s2] =	stream.indirect.scatter.add.f32 [tilespmem:s17], [sflag:$0x1], $0x80, s3, s17, $0xb8;
	[tilespmem:$0x18080] =	vst v63  }
0x4e: {  	s31 =	sand.u32 $0x380, s29;
	s21 =	sadd.s32 s10, s30;
	_ =	swait.ge [sflag:s18], $0x4000  }
0x4f: {  	s21 =	sor.u32 s31, s21;
	s20 =	simm.s32 $0x100;
	[sflag:s18] =	ssyncset.done $0x0  }
.LBB2_6:
0x50: {  	s21 =	sshrl.u32 s21, $0x3  }
0x51: {  	[sflag:s18] =	ssyncadd.s32 $0xFFFFC000;
	s22 =	smov.u32 s20;
	s23 =	sadd.s32 $0x80, s20  }
0x52: {  	p0 =	sne.s32 s20, $0x2700;
	s20 =	sadd.s32 s4, s21  }
0x53: {  	[tilespmem:s3], [sflag:$0x1] =	stream.linear.gather [hbm4b:s20+s3], $0x80, $0x38;
	[tilespmem:$0x18080] =	vst v63  }
0x54: {  	_ =	swait.ge [sflag:s18], $0x80  }
.Ltmp2:
0x55: {  	[sflag:s18] =	ssyncset.done $0x0;
	(pc) =	sbr.rel @p0 .LBB2_6-.Ltmp2, $4  }
0x56: {  	s20 =	sand.u32 $0x3C00, s22;
	[sflag:s18] =	ssyncadd.s32 $0xFFFFFF80  }
0x57: {  	[spmem:s2] =	stream.indirect.scatter.add.f32 [tilespmem:s17], [sflag:$0x1], $0x80, s3, s17, $0xb8;
	[tilespmem:$0x18080] =	vst v63  }
0x58: {  	s21 =	sand.u32 $0x380, s22;
	s20 =	sadd.s32 s10, s20;
	_ =	swait.ge [sflag:s18], $0x4000  }
0x59: {  	s21 =	sor.u32 s21, s20;
	s20 =	smov.u32 s23;
	[sflag:s18] =	ssyncset.done $0x0  }
0x5a: {  	s20 =	sshrl.u32 s21, $0x3  }
0x5b: {  	[sflag:s18] =	ssyncadd.s32 $0xFFFFC000;
	s20 =	sadd.s32 s4, s20  }
0x5c: {  	[tilespmem:s3], [sflag:$0x1] =	stream.linear.gather [hbm4b:s20+s3], $0x80, $0x38;
	[tilespmem:$0x18080] =	vst v63  }
0x5d: {  	_ =	swait.ge [sflag:s18], $0x80  }
0x5e: {  	[sflag:s18] =	ssyncset.done $0x0  }
0x5f: {  	[sflag:s18] =	ssyncadd.s32 $0xFFFFFF80  }
0x60: {  	[spmem:s2] =	stream.indirect.scatter.add.f32 [tilespmem:s17], [sflag:$0x1], $0x80, s3, s17, $0xb8;
	[tilespmem:$0x18080] =	vst v63  }
0x61: {  	_ =	swait.ge [sflag:s18], $0x4000  }
0x62: {  	[sflag:s18] =	ssyncset.done $0x0  }
0x63: {  	[sflag:s18] =	ssyncadd.s32 $0xFFFFC000  }
0x64: {  	[bflag:$0x0] =	sbarrier.arrive $0xFFFF  }
0x65: {  	[tilespmem:s17], [sflag:$0x1] =	stream.linear.gather [spmem:s5], $0x4000, $0x38;
	[tilespmem:$0x18080] =	vst v63  }
0x66: {  	_ =	swait.ge [sflag:s18], $0x4000  }
0x67: {  	[sflag:s18] =	ssyncset.done $0x0  }
0x68: {  	[sflag:s18] =	ssyncadd.s32 $0xFFFFC000  }
0x69: {  	[hbm4b:s11+s3] =	stream.linear.scatter [tilespmem:s17], [sflag:$0x1], $0x4000, $0x38;
	[tilespmem:$0x18080] =	vst v63  }
0x6a: {  	_ =	swait.ge [sflag:s18], $0x4000  }
0x6b: {  	[sflag:s18] =	ssyncset.done $0x0  }
0x6c: {  	[sflag:s18] =	ssyncadd.s32 $0xFFFFC000  }
0x6d: {  	[tilespmem:s17], [sflag:$0x1] =	stream.linear.gather [spmem:s6], $0x4000, $0x38;
	[tilespmem:$0x18080] =	vst v63  }
0x6e: {  	_ =	swait.ge [sflag:s18], $0x4000  }
0x6f: {  	[sflag:s18] =	ssyncset.done $0x0  }
0x70: {  	[sflag:s18] =	ssyncadd.s32 $0xFFFFC000  }
0x71: {  	[hbm4b:s12+s3] =	stream.linear.scatter [tilespmem:s17], [sflag:$0x1], $0x4000, $0x38;
	[tilespmem:$0x18080] =	vst v63  }
0x72: {  	_ =	swait.ge [sflag:s18], $0x4000  }
0x73: {  	[sflag:s18] =	ssyncset.done $0x0  }
0x74: {  	[sflag:s18] =	ssyncadd.s32 $0xFFFFC000  }
0x75: {  	[tilespmem:s17], [sflag:$0x1] =	stream.linear.gather [spmem:s7], $0x4000, $0x38;
	[tilespmem:$0x18080] =	vst v63  }
0x76: {  	_ =	swait.ge [sflag:s18], $0x4000  }
0x77: {  	[sflag:s18] =	ssyncset.done $0x0  }
0x78: {  	[sflag:s18] =	ssyncadd.s32 $0xFFFFC000  }
0x79: {  	[hbm4b:s13+s3] =	stream.linear.scatter [tilespmem:s17], [sflag:$0x1], $0x4000, $0x38;
	[tilespmem:$0x18080] =	vst v63  }
0x7a: {  	_ =	swait.ge [sflag:s18], $0x4000  }
0x7b: {  	[sflag:s18] =	ssyncset.done $0x0  }
0x7c: {  	[sflag:s18] =	ssyncadd.s32 $0xFFFFC000  }
0x7d: {  	[tilespmem:s17], [sflag:$0x1] =	stream.linear.gather [spmem:s8], $0x4000, $0x38;
	[tilespmem:$0x18080] =	vst v63  }
0x7e: {  	_ =	swait.ge [sflag:s18], $0x4000  }
0x7f: {  	[sflag:s18] =	ssyncset.done $0x0  }
0x80: {  	[sflag:s18] =	ssyncadd.s32 $0xFFFFC000  }
0x81: {  	[hbm4b:s14+s3] =	stream.linear.scatter [tilespmem:s17], [sflag:$0x1], $0x4000, $0x38;
	[tilespmem:$0x18080] =	vst v63  }
0x82: {  	_ =	swait.ge [sflag:s18], $0x4000  }
0x83: {  	[sflag:s18] =	ssyncset.done $0x0  }
0x84: {  	[sflag:s18] =	ssyncadd.s32 $0xFFFFC000  }
0x85: {  	[tilespmem:s17], [sflag:$0x1] =	stream.linear.gather [spmem:s9], $0x4000, $0x38;
	[tilespmem:$0x18080] =	vst v63  }
0x86: {  	s19 =	sadd.s32 $0x1, s19;
	_ =	swait.ge [sflag:s18], $0x4000  }
0x87: {  	p0 =	sne.s32 s19, s16;
	[sflag:s18] =	ssyncset.done $0x0  }
.Ltmp3:
0x88: {  	[sflag:s18] =	ssyncadd.s32 $0xFFFFC000;
	(pc) =	sbr.rel @p0 .LBB2_1-.Ltmp3, $4  }
0x89: {  	[hbm4b:s15+s3] =	stream.linear.scatter [tilespmem:s17], [sflag:$0x1], $0x4000, $0x38;
	[tilespmem:$0x18080] =	vst v63  }
0x8a: {  	_ =	swait.ge [sflag:s18], $0x4000  }
0x8b: {  	[sflag:s18] =	ssyncset.done $0x0  }
0x8c: {  	[sflag:s18] =	ssyncadd.s32 $0xFFFFC000  }
0x8d: {  	_ =	sfence.sel $0x180000  }
0x8e: {  	[bflag:$0x0] =	sbarrier.arrive $0xFFFF  }
0x8f: {  	p0 =	sne.s32 s1, $0x0;
	_ =	strace $0x9000004A  }
0x90: {  	s0 =	sadd.s32 @!p0 $0x100000, s0;
	[bflag:$0x2] =	sbarrier.arrive $0xFFFF  }
0x91: {  	[sflag:s0] =	ssyncadd.tile.s32 @!p0 $0x1;
	_ =	shalt  }
.Lfunc_end2:
_tile_overlayer_lowered:
.L_overlay_start_2:
0x92: {  	(tag) =	ssettag $0x2  }
0x93: {  	s0 =	rddreg [dreg:$0x0];
	s2 =	stileid.u32  }
0x94: {  	s1 =	rddreg [dreg:$0x1];
	p0 =	sne.s32 s2, $0x0  }
0x95: {  	s3 =	rddreg [dreg:$0x2];
	[bflag:$0x3] =	sbarrier.arrive $0xFFFF;
	s2 =	simm.s32 @!p0 $0x1C01  }
0x96: {  	[timem:s3], [sflag:s2] =	dma.local @!p0 [hbm:s0], s1  }
0x97: {  	s0 =	simm.s32 @!p0 $0x1  }
0x98: {  	_ =	swait.ge @!p0 [sflag:s0], s1  }
0x99: {  	s1 =	ssub.s32 @!p0 $0x0, s1;
	[sflag:s0] =	ssyncset.done @!p0 $0x0  }
0x9a: {  	[sflag:s0] =	ssyncadd.s32 @!p0 s1  }
0x9b: {  	[bflag:$0x3] =	sbarrier.arrive $0xFFFF  }
0x9c: {  	_ =	shalt  }

</sc_bundles>
